<compile_context>
chip_gen: v7x
topology: tpu7x:2x2x1
jax: 0.10.2.dev20260603
libtpu: 0.0.44.dev20260713+nightly
codegen_flags: <defaults>
</compile_context>

<pallas_src>
import jax
import jax.numpy as jnp
from jax import lax
from jax.experimental import pallas as pl
from jax.experimental.pallas import tpu as pltpu
from jax.experimental.pallas import tpu_sc as plsc

TOPK = 2048

NC = 2
NS = 16
NW = NC * NS


def _sc_pool(g1f, g2f, g3f, hf, idxf, valf, *, B, N, D, K):
    RPW = (B * K) // NW
    WPB = NW // B
    G = 8

    NG = RPW // G

    def body(g1r, g2r, g3r, hr, idxr, valr, o1r, o2r, o3r, ohr,
             colidx, rowidx, vals, inA, inB, outA, outB, hbuf,
             si0, si1, so0, so1, dsem):
        cid = lax.axis_index("c")
        sid = lax.axis_index("s")
        wid = sid * NC + cid
        b = wid // WPB
        base = wid * RPW

        ins = (inA, inB)
        outs = (outA, outB)
        sis = (si0, si1)
        sos = (so0, so1)

        pltpu.sync_copy(idxr.at[pl.ds(b * K, K)], colidx)
        pltpu.sync_copy(idxr.at[pl.ds(base, RPW)], rowidx)
        pltpu.sync_copy(valr.at[pl.ds(base, RPW)], vals)

        off = b * N

        def _addoff(i, c):
            rowidx[pl.ds(i * 16, 16)] = rowidx[pl.ds(i * 16, 16)] + off
            return c

        lax.fori_loop(0, RPW // 16, _addoff, 0)

        def in_copy(gr, grp, s):
            return pltpu.make_async_copy(
                gr.at[rowidx.at[pl.ds(grp * G, G)]], ins[s], sis[s])

        def do_g(gr, outr):
            def out_copy(grp, s):
                return pltpu.make_async_copy(
                    outs[s], outr.at[pl.ds(base + grp * G, G)], sos[s])

            in_copy(gr, 0, 0).start()
            in_copy(gr, 1, 1).start()

            def step(i, c):
                for s in (0, 1):
                    grp = i * 2 + s
                    in_copy(gr, grp, s).wait()

                    @pl.when(grp >= 2)
                    def _():
                        out_copy(grp - 2, s).wait()

                    @plsc.parallel_loop(0, K // 16, unroll=4)
                    def col(j):
                        cidx = colidx[pl.ds(j * 16, 16)]
                        for r in range(G):
                            ridx = jnp.full((16,), r, jnp.int32)
                            outs[s][r, pl.ds(j * 16, 16)] = plsc.load_gather(
                                ins[s], [ridx, cidx])
                    out_copy(grp, s).start()

                    @pl.when(grp + 2 < NG)
                    def _():
                        in_copy(gr, grp + 2, s).start()
                return c

            lax.fori_loop(0, NG // 2, step, 0)
            out_copy(NG - 2, 0).wait()
            out_copy(NG - 1, 1).wait()

        do_g(g1r, o1r)
        do_g(g2r, o2r)

        def out3_copy(grp, s):
            return pltpu.make_async_copy(
                ins[s], o3r.at[pl.ds(base + grp * G, G)], sos[s])

        in_copy(g3r, 0, 0).start()
        in_copy(g3r, 1, 1).start()

        def step3(i, c):
            for s in (0, 1):
                grp = i * 2 + s
                in_copy(g3r, grp, s).wait()
                out3_copy(grp, s).start()

                @pl.when(grp + 2 < NG)
                def _():
                    out3_copy(grp, s).wait()
                    in_copy(g3r, grp + 2, s).start()
            return c

        lax.fori_loop(0, NG // 2, step3, 0)
        out3_copy(NG - 2, 0).wait()
        out3_copy(NG - 1, 1).wait()

        HG = 64

        def grph(g, c):
            rowbase = g * HG
            pltpu.async_copy(
                hr.at[rowidx.at[pl.ds(rowbase, HG)]], hbuf, dsem).wait()

            @plsc.parallel_loop(0, HG, unroll=2)
            def _scale(r):
                v16 = plsc.load_gather(
                    vals, [jnp.full((16,), rowbase + r, jnp.int32)])
                for c2 in range(D // 16):
                    sl = pl.ds(c2 * 16, 16)
                    hbuf[r, sl] = hbuf[r, sl] * v16

            pltpu.sync_copy(hbuf, ohr.at[pl.ds(base + rowbase, HG)])
            return c

        lax.fori_loop(0, RPW // HG, grph, 0)

    mesh = plsc.VectorSubcoreMesh(
        core_axis_name="c", subcore_axis_name="s",
        num_cores=NC, num_subcores=NS)
    f32, i32 = jnp.float32, jnp.int32
    fn = pl.kernel(
        body,
        out_type=(
            jax.ShapeDtypeStruct((B * K, K), f32),
            jax.ShapeDtypeStruct((B * K, K), f32),
            jax.ShapeDtypeStruct((B * K, N), f32),
            jax.ShapeDtypeStruct((B * K, D), f32),
        ),
        mesh=mesh,
        compiler_params=pltpu.CompilerParams(needs_layout_passes=False),
        scratch_types=[
            pltpu.VMEM((K,), i32),
            pltpu.VMEM((RPW,), i32),
            pltpu.VMEM((RPW,), f32),
            pltpu.VMEM((G, N), f32),
            pltpu.VMEM((G, N), f32),
            pltpu.VMEM((G, K), f32),
            pltpu.VMEM((G, K), f32),
            pltpu.VMEM((64, D), f32),
            pltpu.SemaphoreType.DMA,
            pltpu.SemaphoreType.DMA,
            pltpu.SemaphoreType.DMA,
            pltpu.SemaphoreType.DMA,
            pltpu.SemaphoreType.DMA,
        ],
    )
    return fn(g1f, g2f, g3f, hf, idxf, valf)


def kernel(g1, g2, g3, h, section_feature):
    B, N, D = h.shape
    k = max(2, TOPK)
    weights = jnp.matmul(h, jnp.swapaxes(section_feature, 1, 2))[:, :, 0]
    scores = jax.nn.sigmoid(weights)
    values, idx = jax.lax.top_k(scores, k)

    o1, o2, o3, oh = _sc_pool(
        g1.reshape(B * N, N), g2.reshape(B * N, N), g3.reshape(B * N, N),
        h.reshape(B * N, D),
        idx.reshape(-1).astype(jnp.int32), values.reshape(-1),
        B=B, N=N, D=D, K=k)
    return (o1.reshape(B, k, k), o2.reshape(B, k, k),
            o3.reshape(B, k, N), oh.reshape(B, k, D))

# --- scband reference (transcript-rebuilt; emitter-appended) ---
"""Pipeline reference for scband-pool-80135499809385 (READ-ONLY COPY).

The authoritative reference and input builder live on the scoring server;
editing this copy changes nothing except your own understanding.
"""

import jax, jax.numpy as jnp
import numpy as np

K = 2048


def setup_inputs(seed: int = 0) -> dict:
    key = jax.random.key(seed)
    k1, k2, k3, k4, k5 = jax.random.split(key, 5)
    B, N, D = 4, 4096, 256
    g1 = jax.random.uniform(k1, (B, N, N), dtype=jnp.float32)
    g2 = jax.random.uniform(k2, (B, N, N), dtype=jnp.float32)
    g3 = jax.random.uniform(k3, (B, N, N), dtype=jnp.float32)
    h = jax.random.normal(k4, (B, N, D), dtype=jnp.float32)
    section_feature = jax.random.normal(k5, (B, 1, D), dtype=jnp.float32)
    return {"g1": g1, "g2": g2, "g3": g3, "h": h, "section_feature": section_feature}


def reference(g1, g2, g3, h, section_feature):
    # weights = h @ section_feature^T -> [B, N, 1] -> squeeze -> [B, N]
    weights = jnp.matmul(h, jnp.swapaxes(section_feature, 1, 2))[:, :, 0]
    scores = jax.nn.sigmoid(weights)
    k = max(2, K)
    values, idx = jax.lax.top_k(scores, k)  # [B, k], [B, k]
    # new_h = h[i, idx[i], :] scaled by values
    new_h = jnp.take_along_axis(h, idx[:, :, None], axis=1)  # [B, k, D]
    new_h = new_h * values[:, :, None]
    # g11 = g1[i, idx[i], :][:, idx[i]] for each i
    g11 = jnp.take_along_axis(g1, idx[:, :, None], axis=1)  # [B, k, N]
    g11 = jnp.take_along_axis(g11, idx[:, None, :], axis=2)  # [B, k, k]
    g22 = jnp.take_along_axis(g2, idx[:, :, None], axis=1)
    g22 = jnp.take_along_axis(g22, idx[:, None, :], axis=2)
    g33 = jnp.take_along_axis(g3, idx[:, :, None], axis=1)  # [B, k, N] (rows only)
    return (g11, g22, g33, new_h)

if __name__ == "__main__":
    import jax
    _d = setup_inputs()
    print(jax.jit(kernel)(*tuple(_d.values())))

</pallas_src>

<mosaic_0001>
#map = affine_map<(d0, d1) -> (0, 0)>
#map1 = affine_map<(d0, d1) -> (0)>
module attributes {stable_mosaic.version = 14 : i64} {
  func.func @body(%arg0: i32, %arg1: i32, %arg2: memref<16384x4096xf32, #tpu.memory_space<hbm>>, %arg3: memref<16384x4096xf32, #tpu.memory_space<hbm>>, %arg4: memref<16384x4096xf32, #tpu.memory_space<hbm>>, %arg5: memref<16384x256xf32, #tpu.memory_space<hbm>>, %arg6: memref<8192xi32, #tpu.memory_space<hbm>>, %arg7: memref<8192xf32, #tpu.memory_space<hbm>>, %arg8: memref<8192x2048xf32, #tpu.memory_space<hbm>>, %arg9: memref<8192x2048xf32, #tpu.memory_space<hbm>>, %arg10: memref<8192x4096xf32, #tpu.memory_space<hbm>>, %arg11: memref<8192x256xf32, #tpu.memory_space<hbm>>, %arg12: memref<2048xi32, #tpu.memory_space<vmem>>, %arg13: memref<256xi32, #tpu.memory_space<vmem>>, %arg14: memref<256xf32, #tpu.memory_space<vmem>>, %arg15: memref<8x4096xf32, #tpu.memory_space<vmem>>, %arg16: memref<8x4096xf32, #tpu.memory_space<vmem>>, %arg17: memref<8x2048xf32, #tpu.memory_space<vmem>>, %arg18: memref<8x2048xf32, #tpu.memory_space<vmem>>, %arg19: memref<64x256xf32, #tpu.memory_space<vmem>>, %arg20: memref<!tpu.dma_semaphore, #tpu.memory_space<semaphore_mem>>, %arg21: memref<!tpu.dma_semaphore, #tpu.memory_space<semaphore_mem>>, %arg22: memref<!tpu.dma_semaphore, #tpu.memory_space<semaphore_mem>>, %arg23: memref<!tpu.dma_semaphore, #tpu.memory_space<semaphore_mem>>, %arg24: memref<!tpu.dma_semaphore, #tpu.memory_space<semaphore_mem>>) attributes {dimension_semantics = [#tpu.dimension_semantics<core_parallel>, #tpu.dimension_semantics<subcore_parallel>], iteration_bounds = array<i64: 2, 16>, scalar_prefetch = 0 : i64, scratch_operands = 13 : i64, tpu.core_type = #tpu.core_type<sc_vector_subcore>, window_params = [{transform_indices = #map}, {transform_indices = #map}, {transform_indices = #map}, {transform_indices = #map}, {transform_indices = #map1}, {transform_indices = #map1}, {transform_indices = #map}, {transform_indices = #map}, {transform_indices = #map}, {transform_indices = #map}]} {
    %mul3A = arith.constant 2 : i32
    %mul3A_0 = arith.muli %arg1, %mul3A : i32
    %add3A = arith.addi %mul3A_0, %arg0 : i32
    %jit3A = arith.constant 8 : i32
    %div3A = arith.divsi %add3A, %jit3A : i32
    %sign3A = arith.constant 0 : i32
    %sign3A_1 = arith.cmpi sgt, %add3A, %sign3A : i32
    %sign3A_2 = arith.extui %sign3A_1 : i1 to i32
    %sign3A_3 = arith.constant 0 : i32
    %sign3A_4 = arith.cmpi slt, %add3A, %sign3A_3 : i32
    %sign3A_5 = arith.extui %sign3A_4 : i1 to i32
    %sign3A_6 = arith.subi %sign3A_2, %sign3A_5 : i32
    %sign3A_7 = arith.constant 0 : i32
    %sign3A_8 = arith.cmpi sgt, %jit3A, %sign3A_7 : i32
    %sign3A_9 = arith.extui %sign3A_8 : i1 to i32
    %sign3A_10 = arith.constant 0 : i32
    %sign3A_11 = arith.cmpi slt, %jit3A, %sign3A_10 : i32
    %sign3A_12 = arith.extui %sign3A_11 : i1 to i32
    %sign3A_13 = arith.subi %sign3A_9, %sign3A_12 : i32
    %ne3A = arith.cmpi ne, %sign3A_6, %sign3A_13 : i32
    %rem3A = arith.remsi %add3A, %jit3A : i32
    %ne3A_14 = arith.constant 0 : i32
    %ne3A_15 = arith.cmpi ne, %rem3A, %ne3A_14 : i32
    %and3A = arith.andi %ne3A, %ne3A_15 : i1
    %sub3A = arith.constant 1 : i32
    %sub3A_16 = arith.subi %div3A, %sub3A : i32
    %select_n3A = arith.select %and3A, %sub3A_16, %div3A : i32
    %mul3A_17 = arith.constant 256 : i32
    %mul3A_18 = arith.muli %add3A, %mul3A_17 : i32
    %mul3A_19 = arith.constant 2048 : i32
    %mul3A_20 = arith.muli %select_n3A, %mul3A_19 : i32
    "tpu.region"() ({
      %run_scoped3A = tpu.sem_alloc : memref<!tpu.dma_semaphore, #tpu.memory_space<semaphore_mem>>
      %dma_start3A_116 = tpu.memref_slice %arg6[%mul3A_20] : memref<8192xi32, #tpu.memory_space<hbm>> -> memref<2048xi32, #tpu.memory_space<hbm>>
      %dma_start3A_117 = tpu.memref_slice %arg6[%mul3A_20] : memref<8192xi32, #tpu.memory_space<hbm>> -> memref<2048xi32, #tpu.memory_space<hbm>>
      tpu.enqueue_dma source(%dma_start3A_117 : memref<2048xi32, #tpu.memory_space<hbm>>) target(%arg12 : memref<2048xi32, #tpu.memory_space<vmem>>) target_semaphore(%run_scoped3A : memref<!tpu.dma_semaphore, #tpu.memory_space<semaphore_mem>>)
      %dma_wait3A_118 = tpu.memref_slice %arg6[%mul3A_20] : memref<8192xi32, #tpu.memory_space<hbm>> -> memref<2048xi32, #tpu.memory_space<hbm>>
      %dma_wait3A_119 = tpu.memref_slice %arg6[%mul3A_20] : memref<8192xi32, #tpu.memory_space<hbm>> -> memref<2048xi32, #tpu.memory_space<hbm>>
      tpu.wait_dma2 semaphore(%run_scoped3A : memref<!tpu.dma_semaphore, #tpu.memory_space<semaphore_mem>>) src(%dma_wait3A_119 : memref<2048xi32, #tpu.memory_space<hbm>>) dst(%arg12 : memref<2048xi32, #tpu.memory_space<vmem>>)
      tpu.yield
    }) : () -> ()
    "tpu.region"() ({
      %run_scoped3A = tpu.sem_alloc : memref<!tpu.dma_semaphore, #tpu.memory_space<semaphore_mem>>
      %dma_start3A_116 = tpu.memref_slice %arg6[%mul3A_18] : memref<8192xi32, #tpu.memory_space<hbm>> -> memref<256xi32, #tpu.memory_space<hbm>>
      %dma_start3A_117 = tpu.memref_slice %arg6[%mul3A_18] : memref<8192xi32, #tpu.memory_space<hbm>> -> memref<256xi32, #tpu.memory_space<hbm>>
      tpu.enqueue_dma source(%dma_start3A_117 : memref<256xi32, #tpu.memory_space<hbm>>) target(%arg13 : memref<256xi32, #tpu.memory_space<vmem>>) target_semaphore(%run_scoped3A : memref<!tpu.dma_semaphore, #tpu.memory_space<semaphore_mem>>)
      %dma_wait3A_118 = tpu.memref_slice %arg6[%mul3A_18] : memref<8192xi32, #tpu.memory_space<hbm>> -> memref<256xi32, #tpu.memory_space<hbm>>
      %dma_wait3A_119 = tpu.memref_slice %arg6[%mul3A_18] : memref<8192xi32, #tpu.memory_space<hbm>> -> memref<256xi32, #tpu.memory_space<hbm>>
      tpu.wait_dma2 semaphore(%run_scoped3A : memref<!tpu.dma_semaphore, #tpu.memory_space<semaphore_mem>>) src(%dma_wait3A_119 : memref<256xi32, #tpu.memory_space<hbm>>) dst(%arg13 : memref<256xi32, #tpu.memory_space<vmem>>)
      tpu.yield
    }) : () -> ()
    "tpu.region"() ({
      %run_scoped3A = tpu.sem_alloc : memref<!tpu.dma_semaphore, #tpu.memory_space<semaphore_mem>>
      %dma_start3A_116 = tpu.memref_slice %arg7[%mul3A_18] : memref<8192xf32, #tpu.memory_space<hbm>> -> memref<256xf32, #tpu.memory_space<hbm>>
      %dma_start3A_117 = tpu.memref_slice %arg7[%mul3A_18] : memref<8192xf32, #tpu.memory_space<hbm>> -> memref<256xf32, #tpu.memory_space<hbm>>
      tpu.enqueue_dma source(%dma_start3A_117 : memref<256xf32, #tpu.memory_space<hbm>>) target(%arg14 : memref<256xf32, #tpu.memory_space<vmem>>) target_semaphore(%run_scoped3A : memref<!tpu.dma_semaphore, #tpu.memory_space<semaphore_mem>>)
      %dma_wait3A_118 = tpu.memref_slice %arg7[%mul3A_18] : memref<8192xf32, #tpu.memory_space<hbm>> -> memref<256xf32, #tpu.memory_space<hbm>>
      %dma_wait3A_119 = tpu.memref_slice %arg7[%mul3A_18] : memref<8192xf32, #tpu.memory_space<hbm>> -> memref<256xf32, #tpu.memory_space<hbm>>
      tpu.wait_dma2 semaphore(%run_scoped3A : memref<!tpu.dma_semaphore, #tpu.memory_space<semaphore_mem>>) src(%dma_wait3A_119 : memref<256xf32, #tpu.memory_space<hbm>>) dst(%arg14 : memref<256xf32, #tpu.memory_space<vmem>>)
      tpu.yield
    }) : () -> ()
    %mul3A_21 = arith.constant 4096 : i32
    %mul3A_22 = arith.muli %select_n3A, %mul3A_21 : i32
    %scan3A = arith.constant 0 : i32
    %scan3A_23 = arith.constant 0 : i32
    %scan3A_24 = arith.constant 16 : i32
    %scan3A_25 = arith.addi %scan3A_23, %scan3A_24 : i32
    %scan3A_26 = arith.constant 1 : i32
    scf.for %scan3A_116 = %scan3A_23 to %scan3A_25 step %scan3A_26  : i32 {
      %mul3A_117 = arith.constant 16 : i32
      %mul3A_118 = arith.muli %scan3A_116, %mul3A_117 : i32
      %get3A = arith.index_cast %mul3A_118 : i32 to index
      %get3A_119 = tpu.vector_load %arg13[%get3A] {strides = array<i32>} : memref<256xi32, #tpu.memory_space<vmem>>, vector<16xi32>,
      %add3A_120 = vector.broadcast %mul3A_22 : i32 to vector<16xi32>
      %add3A_121 = arith.addi %get3A_119, %add3A_120 : vector<16xi32>
      %mul3A_122 = arith.constant 16 : i32
      %mul3A_123 = arith.muli %scan3A_116, %mul3A_122 : i32
      %swap3A = arith.index_cast %mul3A_123 : i32 to index
      %swap3A_124 = tpu.vector_load %arg13[%swap3A] {strides = array<i32>} : memref<256xi32, #tpu.memory_space<vmem>>, vector<16xi32>,
      tpu.vector_store %arg13[%swap3A], %add3A_121 {strides = array<i32>} : memref<256xi32, #tpu.memory_space<vmem>>, vector<16xi32>,
    }
    %scan3A_27 = arith.constant 16 : i32
    %dma_start3A = arith.constant 0 : i32
    %dma_start3A_28 = tpu.memref_slice %arg13[%dma_start3A] : memref<256xi32, #tpu.memory_space<vmem>> -> memref<8xi32, #tpu.memory_space<vmem>>
    %dma_start3A_29 = arith.constant 0 : i32
    %dma_start3A_30 = arith.constant 0 : i32
    %dma_start3A_31 = tpu.memref_slice %arg2[%dma_start3A_29, %dma_start3A_30] : memref<16384x4096xf32, #tpu.memory_space<hbm>> -> memref<16384x4096xf32, #tpu.memory_space<hbm>>
    tpu.enqueue_indirect_dma source(%dma_start3A_31 : memref<16384x4096xf32, #tpu.memory_space<hbm>>) target(%arg15 : memref<8x4096xf32, #tpu.memory_space<vmem>>) offsets(%dma_start3A_28 : memref<8xi32, #tpu.memory_space<vmem>>) semaphore(%arg20 : memref<!tpu.dma_semaphore, #tpu.memory_space<semaphore_mem>>)
    %dma_start3A_32 = arith.constant 8 : i32
    %dma_start3A_33 = tpu.memref_slice %arg13[%dma_start3A_32] : memref<256xi32, #tpu.memory_space<vmem>> -> memref<8xi32, #tpu.memory_space<vmem>>
    %dma_start3A_34 = arith.constant 0 : i32
    %dma_start3A_35 = arith.constant 0 : i32
    %dma_start3A_36 = tpu.memref_slice %arg2[%dma_start3A_34, %dma_start3A_35] : memref<16384x4096xf32, #tpu.memory_space<hbm>> -> memref<16384x4096xf32, #tpu.memory_space<hbm>>
    tpu.enqueue_indirect_dma source(%dma_start3A_36 : memref<16384x4096xf32, #tpu.memory_space<hbm>>) target(%arg16 : memref<8x4096xf32, #tpu.memory_space<vmem>>) offsets(%dma_start3A_33 : memref<8xi32, #tpu.memory_space<vmem>>) semaphore(%arg21 : memref<!tpu.dma_semaphore, #tpu.memory_space<semaphore_mem>>)
    %scan3A_37 = arith.constant 0 : i32
    %scan3A_38 = arith.constant 0 : i32
    %scan3A_39 = arith.constant 16 : i32
    %scan3A_40 = arith.addi %scan3A_38, %scan3A_39 : i32
    %scan3A_41 = arith.constant 1 : i32
    scf.for %scan3A_116 = %scan3A_38 to %scan3A_40 step %scan3A_41  : i32 {
      %mul3A_117 = arith.constant 2 : i32
      %mul3A_118 = arith.muli %scan3A_116, %mul3A_117 : i32
      %add3A_119 = arith.constant 0 : i32
      %add3A_120 = arith.addi %mul3A_118, %add3A_119 : i32
      %mul3A_121 = arith.constant 8 : i32
      %mul3A_122 = arith.muli %add3A_120, %mul3A_121 : i32
      %dma_wait3A_123 = tpu.memref_slice %arg13[%mul3A_122] : memref<256xi32, #tpu.memory_space<vmem>> -> memref<8xi32, #tpu.memory_space<vmem>>
      %dma_wait3A_124 = arith.constant 0 : i32
      %dma_wait3A_125 = arith.constant 0 : i32
      %dma_wait3A_126 = tpu.memref_slice %arg2[%dma_wait3A_124, %dma_wait3A_125] : memref<16384x4096xf32, #tpu.memory_space<hbm>> -> memref<16384x4096xf32, #tpu.memory_space<hbm>>
      tpu.wait_indirect_dma semaphore(%arg20 : memref<!tpu.dma_semaphore, #tpu.memory_space<semaphore_mem>>) src(%dma_wait3A_126 : memref<16384x4096xf32, #tpu.memory_space<hbm>>) dst(%arg15 : memref<8x4096xf32, #tpu.memory_space<vmem>>)
      %ge3A = arith.constant 2 : i32
      %ge3A_127 = arith.cmpi sge, %add3A_120, %ge3A : i32
      %convert_element_type3A = arith.extui %ge3A_127 : i1 to i32
      %cond3A = arith.constant 0 : i32
      %cond3A_128 = arith.cmpi ne, %convert_element_type3A, %cond3A : i32
      scf.if %cond3A_128 {
        %sub3A_176 = arith.constant 2 : i32
        %sub3A_177 = arith.subi %add3A_120, %sub3A_176 : i32
        %mul3A_178 = arith.constant 8 : i32
        %mul3A_179 = arith.muli %sub3A_177, %mul3A_178 : i32
        %add3A_180 = arith.addi %mul3A_18, %mul3A_179 : i32
        %dma_wait3A_181 = arith.constant 0 : i32
        %dma_wait3A_182 = tpu.memref_slice %arg8[%add3A_180, %dma_wait3A_181] : memref<8192x2048xf32, #tpu.memory_space<hbm>> -> memref<8x2048xf32, #tpu.memory_space<hbm>>
        %dma_wait3A_183 = arith.constant 0 : i32
        %dma_wait3A_184 = tpu.memref_slice %arg8[%add3A_180, %dma_wait3A_183] : memref<8192x2048xf32, #tpu.memory_space<hbm>> -> memref<8x2048xf32, #tpu.memory_space<hbm>>
        tpu.wait_dma2 semaphore(%arg22 : memref<!tpu.dma_semaphore, #tpu.memory_space<semaphore_mem>>) src(%arg17 : memref<8x2048xf32, #tpu.memory_space<vmem>>) dst(%dma_wait3A_184 : memref<8x2048xf32, #tpu.memory_space<hbm>>)
      } else {
      }
      %parallel_loop3A = arith.constant 0 : i32
      %parallel_loop3A_129 = arith.constant 128 : i32
      %parallel_loop3A_130 = arith.constant 1 : i32
      scf.for %parallel_loop3A_176 = %parallel_loop3A to %parallel_loop3A_129 step %parallel_loop3A_130  : i32 {
        %parallel_loop3A_177 = arith.constant 16 : i32
        %parallel_loop3A_178 = arith.muli %parallel_loop3A_176, %parallel_loop3A_177 : i32
        %parallel_loop3A_179 = arith.index_cast %parallel_loop3A_178 : i32 to index
        %parallel_loop3A_180 = tpu.vector_load %arg12[%parallel_loop3A_179] {strides = array<i32>} : memref<2048xi32, #tpu.memory_space<vmem>>, vector<16xi32>,
        %parallel_loop3A_181 = arith.constant 0 : i32
        %parallel_loop3A_182 = vector.broadcast %parallel_loop3A_181 : i32 to vector<16xi32>
        %parallel_loop3A_183 = tpu.vector_load_idx %arg15[%parallel_loop3A_182, %parallel_loop3A_180] : memref<8x4096xf32, #tpu.memory_space<vmem>>[vector<16xi32>, vector<16xi32>], vector<16xf32>,
        %parallel_loop3A_184 = arith.constant 16 : i32
        %parallel_loop3A_185 = arith.muli %parallel_loop3A_176, %parallel_loop3A_184 : i32
        %parallel_loop3A_186 = arith.constant 0 : i32
        %parallel_loop3A_187 = arith.index_cast %parallel_loop3A_186 : i32 to index
        %parallel_loop3A_188 = arith.index_cast %parallel_loop3A_185 : i32 to index
        %parallel_loop3A_189 = tpu.vector_load %arg17[%parallel_loop3A_187, %parallel_loop3A_188] {strides = array<i32>} : memref<8x2048xf32, #tpu.memory_space<vmem>>, vector<16xf32>,
        tpu.vector_store %arg17[%parallel_loop3A_187, %parallel_loop3A_188], %parallel_loop3A_183 {strides = array<i32>} : memref<8x2048xf32, #tpu.memory_space<vmem>>, vector<16xf32>,
        %parallel_loop3A_190 = arith.constant 1 : i32
        %parallel_loop3A_191 = vector.broadcast %parallel_loop3A_190 : i32 to vector<16xi32>
        %parallel_loop3A_192 = tpu.vector_load_idx %arg15[%parallel_loop3A_191, %parallel_loop3A_180] : memref<8x4096xf32, #tpu.memory_space<vmem>>[vector<16xi32>, vector<16xi32>], vector<16xf32>,
        %parallel_loop3A_193 = arith.constant 16 : i32
        %parallel_loop3A_194 = arith.muli %parallel_loop3A_176, %parallel_loop3A_193 : i32
        %parallel_loop3A_195 = arith.constant 1 : i32
        %parallel_loop3A_196 = arith.index_cast %parallel_loop3A_195 : i32 to index
        %parallel_loop3A_197 = arith.index_cast %parallel_loop3A_194 : i32 to index
        %parallel_loop3A_198 = tpu.vector_load %arg17[%parallel_loop3A_196, %parallel_loop3A_197] {strides = array<i32>} : memref<8x2048xf32, #tpu.memory_space<vmem>>, vector<16xf32>,
        tpu.vector_store %arg17[%parallel_loop3A_196, %parallel_loop3A_197], %parallel_loop3A_192 {strides = array<i32>} : memref<8x2048xf32, #tpu.memory_space<vmem>>, vector<16xf32>,
        %parallel_loop3A_199 = arith.constant 2 : i32
        %parallel_loop3A_200 = vector.broadcast %parallel_loop3A_199 : i32 to vector<16xi32>
        %parallel_loop3A_201 = tpu.vector_load_idx %arg15[%parallel_loop3A_200, %parallel_loop3A_180] : memref<8x4096xf32, #tpu.memory_space<vmem>>[vector<16xi32>, vector<16xi32>], vector<16xf32>,
        %parallel_loop3A_202 = arith.constant 16 : i32
        %parallel_loop3A_203 = arith.muli %parallel_loop3A_176, %parallel_loop3A_202 : i32
        %parallel_loop3A_204 = arith.constant 2 : i32
        %parallel_loop3A_205 = arith.index_cast %parallel_loop3A_204 : i32 to index
        %parallel_loop3A_206 = arith.index_cast %parallel_loop3A_203 : i32 to index
        %parallel_loop3A_207 = tpu.vector_load %arg17[%parallel_loop3A_205, %parallel_loop3A_206] {strides = array<i32>} : memref<8x2048xf32, #tpu.memory_space<vmem>>, vector<16xf32>,
        tpu.vector_store %arg17[%parallel_loop3A_205, %parallel_loop3A_206], %parallel_loop3A_201 {strides = array<i32>} : memref<8x2048xf32, #tpu.memory_space<vmem>>, vector<16xf32>,
        %parallel_loop3A_208 = arith.constant 3 : i32
        %parallel_loop3A_209 = vector.broadcast %parallel_loop3A_208 : i32 to vector<16xi32>
        %parallel_loop3A_210 = tpu.vector_load_idx %arg15[%parallel_loop3A_209, %parallel_loop3A_180] : memref<8x4096xf32, #tpu.memory_space<vmem>>[vector<16xi32>, vector<16xi32>], vector<16xf32>,
        %parallel_loop3A_211 = arith.constant 16 : i32
        %parallel_loop3A_212 = arith.muli %parallel_loop3A_176, %parallel_loop3A_211 : i32
        %parallel_loop3A_213 = arith.constant 3 : i32
        %parallel_loop3A_214 = arith.index_cast %parallel_loop3A_213 : i32 to index
        %parallel_loop3A_215 = arith.index_cast %parallel_loop3A_212 : i32 to index
        %parallel_loop3A_216 = tpu.vector_load %arg17[%parallel_loop3A_214, %parallel_loop3A_215] {strides = array<i32>} : memref<8x2048xf32, #tpu.memory_space<vmem>>, vector<16xf32>,
        tpu.vector_store %arg17[%parallel_loop3A_214, %parallel_loop3A_215], %parallel_loop3A_210 {strides = array<i32>} : memref<8x2048xf32, #tpu.memory_space<vmem>>, vector<16xf32>,
        %parallel_loop3A_217 = arith.constant 4 : i32
        %parallel_loop3A_218 = vector.broadcast %parallel_loop3A_217 : i32 to vector<16xi32>
        %parallel_loop3A_219 = tpu.vector_load_idx %arg15[%parallel_loop3A_218, %parallel_loop3A_180] : memref<8x4096xf32, #tpu.memory_space<vmem>>[vector<16xi32>, vector<16xi32>], vector<16xf32>,
        %parallel_loop3A_220 = arith.constant 16 : i32
        %parallel_loop3A_221 = arith.muli %parallel_loop3A_176, %parallel_loop3A_220 : i32
        %parallel_loop3A_222 = arith.constant 4 : i32
        %parallel_loop3A_223 = arith.index_cast %parallel_loop3A_222 : i32 to index
        %parallel_loop3A_224 = arith.index_cast %parallel_loop3A_221 : i32 to index
        %parallel_loop3A_225 = tpu.vector_load %arg17[%parallel_loop3A_223, %parallel_loop3A_224] {strides = array<i32>} : memref<8x2048xf32, #tpu.memory_space<vmem>>, vector<16xf32>,
        tpu.vector_store %arg17[%parallel_loop3A_223, %parallel_loop3A_224], %parallel_loop3A_219 {strides = array<i32>} : memref<8x2048xf32, #tpu.memory_space<vmem>>, vector<16xf32>,
        %parallel_loop3A_226 = arith.constant 5 : i32
        %parallel_loop3A_227 = vector.broadcast %parallel_loop3A_226 : i32 to vector<16xi32>
        %parallel_loop3A_228 = tpu.vector_load_idx %arg15[%parallel_loop3A_227, %parallel_loop3A_180] : memref<8x4096xf32, #tpu.memory_space<vmem>>[vector<16xi32>, vector<16xi32>], vector<16xf32>,
        %parallel_loop3A_229 = arith.constant 16 : i32
        %parallel_loop3A_230 = arith.muli %parallel_loop3A_176, %parallel_loop3A_229 : i32
        %parallel_loop3A_231 = arith.constant 5 : i32
        %parallel_loop3A_232 = arith.index_cast %parallel_loop3A_231 : i32 to index
        %parallel_loop3A_233 = arith.index_cast %parallel_loop3A_230 : i32 to index
        %parallel_loop3A_234 = tpu.vector_load %arg17[%parallel_loop3A_232, %parallel_loop3A_233] {strides = array<i32>} : memref<8x2048xf32, #tpu.memory_space<vmem>>, vector<16xf32>,
        tpu.vector_store %arg17[%parallel_loop3A_232, %parallel_loop3A_233], %parallel_loop3A_228 {strides = array<i32>} : memref<8x2048xf32, #tpu.memory_space<vmem>>, vector<16xf32>,
        %parallel_loop3A_235 = arith.constant 6 : i32
        %parallel_loop3A_236 = vector.broadcast %parallel_loop3A_235 : i32 to vector<16xi32>
        %parallel_loop3A_237 = tpu.vector_load_idx %arg15[%parallel_loop3A_236, %parallel_loop3A_180] : memref<8x4096xf32, #tpu.memory_space<vmem>>[vector<16xi32>, vector<16xi32>], vector<16xf32>,
        %parallel_loop3A_238 = arith.constant 16 : i32
        %parallel_loop3A_239 = arith.muli %parallel_loop3A_176, %parallel_loop3A_238 : i32
        %parallel_loop3A_240 = arith.constant 6 : i32
        %parallel_loop3A_241 = arith.index_cast %parallel_loop3A_240 : i32 to index
        %parallel_loop3A_242 = arith.index_cast %parallel_loop3A_239 : i32 to index
        %parallel_loop3A_243 = tpu.vector_load %arg17[%parallel_loop3A_241, %parallel_loop3A_242] {strides = array<i32>} : memref<8x2048xf32, #tpu.memory_space<vmem>>, vector<16xf32>,
        tpu.vector_store %arg17[%parallel_loop3A_241, %parallel_loop3A_242], %parallel_loop3A_237 {strides = array<i32>} : memref<8x2048xf32, #tpu.memory_space<vmem>>, vector<16xf32>,
        %parallel_loop3A_244 = arith.constant 7 : i32
        %parallel_loop3A_245 = vector.broadcast %parallel_loop3A_244 : i32 to vector<16xi32>
        %parallel_loop3A_246 = tpu.vector_load_idx %arg15[%parallel_loop3A_245, %parallel_loop3A_180] : memref<8x4096xf32, #tpu.memory_space<vmem>>[vector<16xi32>, vector<16xi32>], vector<16xf32>,
        %parallel_loop3A_247 = arith.constant 16 : i32
        %parallel_loop3A_248 = arith.muli %parallel_loop3A_176, %parallel_loop3A_247 : i32
        %parallel_loop3A_249 = arith.constant 7 : i32
        %parallel_loop3A_250 = arith.index_cast %parallel_loop3A_249 : i32 to index
        %parallel_loop3A_251 = arith.index_cast %parallel_loop3A_248 : i32 to index
        %parallel_loop3A_252 = tpu.vector_load %arg17[%parallel_loop3A_250, %parallel_loop3A_251] {strides = array<i32>} : memref<8x2048xf32, #tpu.memory_space<vmem>>, vector<16xf32>,
        tpu.vector_store %arg17[%parallel_loop3A_250, %parallel_loop3A_251], %parallel_loop3A_246 {strides = array<i32>} : memref<8x2048xf32, #tpu.memory_space<vmem>>, vector<16xf32>,
      } {sc.loop_unroll_factor = 4 : i64, sc.parallel_access}
      %mul3A_131 = arith.constant 8 : i32
      %mul3A_132 = arith.muli %add3A_120, %mul3A_131 : i32
      %add3A_133 = arith.addi %mul3A_18, %mul3A_132 : i32
      %dma_start3A_134 = arith.constant 0 : i32
      %dma_start3A_135 = tpu.memref_slice %arg8[%add3A_133, %dma_start3A_134] : memref<8192x2048xf32, #tpu.memory_space<hbm>> -> memref<8x2048xf32, #tpu.memory_space<hbm>>
      %dma_start3A_136 = arith.constant 0 : i32
      %dma_start3A_137 = tpu.memref_slice %arg8[%add3A_133, %dma_start3A_136] : memref<8192x2048xf32, #tpu.memory_space<hbm>> -> memref<8x2048xf32, #tpu.memory_space<hbm>>
      tpu.enqueue_dma source(%arg17 : memref<8x2048xf32, #tpu.memory_space<vmem>>) target(%dma_start3A_137 : memref<8x2048xf32, #tpu.memory_space<hbm>>) target_semaphore(%arg22 : memref<!tpu.dma_semaphore, #tpu.memory_space<semaphore_mem>>)
      %add3A_138 = arith.constant 2 : i32
      %add3A_139 = arith.addi %add3A_120, %add3A_138 : i32
      %lt3A = arith.constant 32 : i32
      %lt3A_140 = arith.cmpi slt, %add3A_139, %lt3A : i32
      %convert_element_type3A_141 = arith.extui %lt3A_140 : i1 to i32
      %cond3A_142 = arith.constant 0 : i32
      %cond3A_143 = arith.cmpi ne, %convert_element_type3A_141, %cond3A_142 : i32
      scf.if %cond3A_143 {
        %add3A_176 = arith.constant 2 : i32
        %add3A_177 = arith.addi %add3A_120, %add3A_176 : i32
        %mul3A_178 = arith.constant 8 : i32
        %mul3A_179 = arith.muli %add3A_177, %mul3A_178 : i32
        %dma_start3A_180 = tpu.memref_slice %arg13[%mul3A_179] : memref<256xi32, #tpu.memory_space<vmem>> -> memref<8xi32, #tpu.memory_space<vmem>>
        %dma_start3A_181 = arith.constant 0 : i32
        %dma_start3A_182 = arith.constant 0 : i32
        %dma_start3A_183 = tpu.memref_slice %arg2[%dma_start3A_181, %dma_start3A_182] : memref<16384x4096xf32, #tpu.memory_space<hbm>> -> memref<16384x4096xf32, #tpu.memory_space<hbm>>
        tpu.enqueue_indirect_dma source(%dma_start3A_183 : memref<16384x4096xf32, #tpu.memory_space<hbm>>) target(%arg15 : memref<8x4096xf32, #tpu.memory_space<vmem>>) offsets(%dma_start3A_180 : memref<8xi32, #tpu.memory_space<vmem>>) semaphore(%arg20 : memref<!tpu.dma_semaphore, #tpu.memory_space<semaphore_mem>>)
      } else {
      }
      %mul3A_144 = arith.constant 2 : i32
      %mul3A_145 = arith.muli %scan3A_116, %mul3A_144 : i32
      %add3A_146 = arith.constant 1 : i32
      %add3A_147 = arith.addi %mul3A_145, %add3A_146 : i32
      %mul3A_148 = arith.constant 8 : i32
      %mul3A_149 = arith.muli %add3A_147, %mul3A_148 : i32
      %dma_wait3A_150 = tpu.memref_slice %arg13[%mul3A_149] : memref<256xi32, #tpu.memory_space<vmem>> -> memref<8xi32, #tpu.memory_space<vmem>>
      %dma_wait3A_151 = arith.constant 0 : i32
      %dma_wait3A_152 = arith.constant 0 : i32
      %dma_wait3A_153 = tpu.memref_slice %arg2[%dma_wait3A_151, %dma_wait3A_152] : memref<16384x4096xf32, #tpu.memory_space<hbm>> -> memref<16384x4096xf32, #tpu.memory_space<hbm>>
      tpu.wait_indirect_dma semaphore(%arg21 : memref<!tpu.dma_semaphore, #tpu.memory_space<semaphore_mem>>) src(%dma_wait3A_153 : memref<16384x4096xf32, #tpu.memory_space<hbm>>) dst(%arg16 : memref<8x4096xf32, #tpu.memory_space<vmem>>)
      %ge3A_154 = arith.constant 2 : i32
      %ge3A_155 = arith.cmpi sge, %add3A_147, %ge3A_154 : i32
      %convert_element_type3A_156 = arith.extui %ge3A_155 : i1 to i32
      %cond3A_157 = arith.constant 0 : i32
      %cond3A_158 = arith.cmpi ne, %convert_element_type3A_156, %cond3A_157 : i32
      scf.if %cond3A_158 {
        %sub3A_176 = arith.constant 2 : i32
        %sub3A_177 = arith.subi %add3A_147, %sub3A_176 : i32
        %mul3A_178 = arith.constant 8 : i32
        %mul3A_179 = arith.muli %sub3A_177, %mul3A_178 : i32
        %add3A_180 = arith.addi %mul3A_18, %mul3A_179 : i32
        %dma_wait3A_181 = arith.constant 0 : i32
        %dma_wait3A_182 = tpu.memref_slice %arg8[%add3A_180, %dma_wait3A_181] : memref<8192x2048xf32, #tpu.memory_space<hbm>> -> memref<8x2048xf32, #tpu.memory_space<hbm>>
        %dma_wait3A_183 = arith.constant 0 : i32
        %dma_wait3A_184 = tpu.memref_slice %arg8[%add3A_180, %dma_wait3A_183] : memref<8192x2048xf32, #tpu.memory_space<hbm>> -> memref<8x2048xf32, #tpu.memory_space<hbm>>
        tpu.wait_dma2 semaphore(%arg23 : memref<!tpu.dma_semaphore, #tpu.memory_space<semaphore_mem>>) src(%arg18 : memref<8x2048xf32, #tpu.memory_space<vmem>>) dst(%dma_wait3A_184 : memref<8x2048xf32, #tpu.memory_space<hbm>>)
      } else {
      }
      %parallel_loop3A_159 = arith.constant 0 : i32
      %parallel_loop3A_160 = arith.constant 128 : i32
      %parallel_loop3A_161 = arith.constant 1 : i32
      scf.for %parallel_loop3A_176 = %parallel_loop3A_159 to %parallel_loop3A_160 step %parallel_loop3A_161  : i32 {
        %parallel_loop3A_177 = arith.constant 16 : i32
        %parallel_loop3A_178 = arith.muli %parallel_loop3A_176, %parallel_loop3A_177 : i32
        %parallel_loop3A_179 = arith.index_cast %parallel_loop3A_178 : i32 to index
        %parallel_loop3A_180 = tpu.vector_load %arg12[%parallel_loop3A_179] {strides = array<i32>} : memref<2048xi32, #tpu.memory_space<vmem>>, vector<16xi32>,
        %parallel_loop3A_181 = arith.constant 0 : i32
        %parallel_loop3A_182 = vector.broadcast %parallel_loop3A_181 : i32 to vector<16xi32>
        %parallel_loop3A_183 = tpu.vector_load_idx %arg16[%parallel_loop3A_182, %parallel_loop3A_180] : memref<8x4096xf32, #tpu.memory_space<vmem>>[vector<16xi32>, vector<16xi32>], vector<16xf32>,
        %parallel_loop3A_184 = arith.constant 16 : i32
        %parallel_loop3A_185 = arith.muli %parallel_loop3A_176, %parallel_loop3A_184 : i32
        %parallel_loop3A_186 = arith.constant 0 : i32
        %parallel_loop3A_187 = arith.index_cast %parallel_loop3A_186 : i32 to index
        %parallel_loop3A_188 = arith.index_cast %parallel_loop3A_185 : i32 to index
        %parallel_loop3A_189 = tpu.vector_load %arg18[%parallel_loop3A_187, %parallel_loop3A_188] {strides = array<i32>} : memref<8x2048xf32, #tpu.memory_space<vmem>>, vector<16xf32>,
        tpu.vector_store %arg18[%parallel_loop3A_187, %parallel_loop3A_188], %parallel_loop3A_183 {strides = array<i32>} : memref<8x2048xf32, #tpu.memory_space<vmem>>, vector<16xf32>,
        %parallel_loop3A_190 = arith.constant 1 : i32
        %parallel_loop3A_191 = vector.broadcast %parallel_loop3A_190 : i32 to vector<16xi32>
        %parallel_loop3A_192 = tpu.vector_load_idx %arg16[%parallel_loop3A_191, %parallel_loop3A_180] : memref<8x4096xf32, #tpu.memory_space<vmem>>[vector<16xi32>, vector<16xi32>], vector<16xf32>,
        %parallel_loop3A_193 = arith.constant 16 : i32
        %parallel_loop3A_194 = arith.muli %parallel_loop3A_176, %parallel_loop3A_193 : i32
        %parallel_loop3A_195 = arith.constant 1 : i32
        %parallel_loop3A_196 = arith.index_cast %parallel_loop3A_195 : i32 to index
        %parallel_loop3A_197 = arith.index_cast %parallel_loop3A_194 : i32 to index
        %parallel_loop3A_198 = tpu.vector_load %arg18[%parallel_loop3A_196, %parallel_loop3A_197] {strides = array<i32>} : memref<8x2048xf32, #tpu.memory_space<vmem>>, vector<16xf32>,
        tpu.vector_store %arg18[%parallel_loop3A_196, %parallel_loop3A_197], %parallel_loop3A_192 {strides = array<i32>} : memref<8x2048xf32, #tpu.memory_space<vmem>>, vector<16xf32>,
        %parallel_loop3A_199 = arith.constant 2 : i32
        %parallel_loop3A_200 = vector.broadcast %parallel_loop3A_199 : i32 to vector<16xi32>
        %parallel_loop3A_201 = tpu.vector_load_idx %arg16[%parallel_loop3A_200, %parallel_loop3A_180] : memref<8x4096xf32, #tpu.memory_space<vmem>>[vector<16xi32>, vector<16xi32>], vector<16xf32>,
        %parallel_loop3A_202 = arith.constant 16 : i32
        %parallel_loop3A_203 = arith.muli %parallel_loop3A_176, %parallel_loop3A_202 : i32
        %parallel_loop3A_204 = arith.constant 2 : i32
        %parallel_loop3A_205 = arith.index_cast %parallel_loop3A_204 : i32 to index
        %parallel_loop3A_206 = arith.index_cast %parallel_loop3A_203 : i32 to index
        %parallel_loop3A_207 = tpu.vector_load %arg18[%parallel_loop3A_205, %parallel_loop3A_206] {strides = array<i32>} : memref<8x2048xf32, #tpu.memory_space<vmem>>, vector<16xf32>,
        tpu.vector_store %arg18[%parallel_loop3A_205, %parallel_loop3A_206], %parallel_loop3A_201 {strides = array<i32>} : memref<8x2048xf32, #tpu.memory_space<vmem>>, vector<16xf32>,
        %parallel_loop3A_208 = arith.constant 3 : i32
        %parallel_loop3A_209 = vector.broadcast %parallel_loop3A_208 : i32 to vector<16xi32>
        %parallel_loop3A_210 = tpu.vector_load_idx %arg16[%parallel_loop3A_209, %parallel_loop3A_180] : memref<8x4096xf32, #tpu.memory_space<vmem>>[vector<16xi32>, vector<16xi32>], vector<16xf32>,
        %parallel_loop3A_211 = arith.constant 16 : i32
        %parallel_loop3A_212 = arith.muli %parallel_loop3A_176, %parallel_loop3A_211 : i32
        %parallel_loop3A_213 = arith.constant 3 : i32
        %parallel_loop3A_214 = arith.index_cast %parallel_loop3A_213 : i32 to index
        %parallel_loop3A_215 = arith.index_cast %parallel_loop3A_212 : i32 to index
        %parallel_loop3A_216 = tpu.vector_load %arg18[%parallel_loop3A_214, %parallel_loop3A_215] {strides = array<i32>} : memref<8x2048xf32, #tpu.memory_space<vmem>>, vector<16xf32>,
        tpu.vector_store %arg18[%parallel_loop3A_214, %parallel_loop3A_215], %parallel_loop3A_210 {strides = array<i32>} : memref<8x2048xf32, #tpu.memory_space<vmem>>, vector<16xf32>,
        %parallel_loop3A_217 = arith.constant 4 : i32
        %parallel_loop3A_218 = vector.broadcast %parallel_loop3A_217 : i32 to vector<16xi32>
        %parallel_loop3A_219 = tpu.vector_load_idx %arg16[%parallel_loop3A_218, %parallel_loop3A_180] : memref<8x4096xf32, #tpu.memory_space<vmem>>[vector<16xi32>, vector<16xi32>], vector<16xf32>,
        %parallel_loop3A_220 = arith.constant 16 : i32
        %parallel_loop3A_221 = arith.muli %parallel_loop3A_176, %parallel_loop3A_220 : i32
        %parallel_loop3A_222 = arith.constant 4 : i32
        %parallel_loop3A_223 = arith.index_cast %parallel_loop3A_222 : i32 to index
        %parallel_loop3A_224 = arith.index_cast %parallel_loop3A_221 : i32 to index
        %parallel_loop3A_225 = tpu.vector_load %arg18[%parallel_loop3A_223, %parallel_loop3A_224] {strides = array<i32>} : memref<8x2048xf32, #tpu.memory_space<vmem>>, vector<16xf32>,
        tpu.vector_store %arg18[%parallel_loop3A_223, %parallel_loop3A_224], %parallel_loop3A_219 {strides = array<i32>} : memref<8x2048xf32, #tpu.memory_space<vmem>>, vector<16xf32>,
        %parallel_loop3A_226 = arith.constant 5 : i32
        %parallel_loop3A_227 = vector.broadcast %parallel_loop3A_226 : i32 to vector<16xi32>
        %parallel_loop3A_228 = tpu.vector_load_idx %arg16[%parallel_loop3A_227, %parallel_loop3A_180] : memref<8x4096xf32, #tpu.memory_space<vmem>>[vector<16xi32>, vector<16xi32>], vector<16xf32>,
        %parallel_loop3A_229 = arith.constant 16 : i32
        %parallel_loop3A_230 = arith.muli %parallel_loop3A_176, %parallel_loop3A_229 : i32
        %parallel_loop3A_231 = arith.constant 5 : i32
        %parallel_loop3A_232 = arith.index_cast %parallel_loop3A_231 : i32 to index
        %parallel_loop3A_233 = arith.index_cast %parallel_loop3A_230 : i32 to index
        %parallel_loop3A_234 = tpu.vector_load %arg18[%parallel_loop3A_232, %parallel_loop3A_233] {strides = array<i32>} : memref<8x2048xf32, #tpu.memory_space<vmem>>, vector<16xf32>,
        tpu.vector_store %arg18[%parallel_loop3A_232, %parallel_loop3A_233], %parallel_loop3A_228 {strides = array<i32>} : memref<8x2048xf32, #tpu.memory_space<vmem>>, vector<16xf32>,
        %parallel_loop3A_235 = arith.constant 6 : i32
        %parallel_loop3A_236 = vector.broadcast %parallel_loop3A_235 : i32 to vector<16xi32>
        %parallel_loop3A_237 = tpu.vector_load_idx %arg16[%parallel_loop3A_236, %parallel_loop3A_180] : memref<8x4096xf32, #tpu.memory_space<vmem>>[vector<16xi32>, vector<16xi32>], vector<16xf32>,
        %parallel_loop3A_238 = arith.constant 16 : i32
        %parallel_loop3A_239 = arith.muli %parallel_loop3A_176, %parallel_loop3A_238 : i32
        %parallel_loop3A_240 = arith.constant 6 : i32
        %parallel_loop3A_241 = arith.index_cast %parallel_loop3A_240 : i32 to index
        %parallel_loop3A_242 = arith.index_cast %parallel_loop3A_239 : i32 to index
        %parallel_loop3A_243 = tpu.vector_load %arg18[%parallel_loop3A_241, %parallel_loop3A_242] {strides = array<i32>} : memref<8x2048xf32, #tpu.memory_space<vmem>>, vector<16xf32>,
        tpu.vector_store %arg18[%parallel_loop3A_241, %parallel_loop3A_242], %parallel_loop3A_237 {strides = array<i32>} : memref<8x2048xf32, #tpu.memory_space<vmem>>, vector<16xf32>,
        %parallel_loop3A_244 = arith.constant 7 : i32
        %parallel_loop3A_245 = vector.broadcast %parallel_loop3A_244 : i32 to vector<16xi32>
        %parallel_loop3A_246 = tpu.vector_load_idx %arg16[%parallel_loop3A_245, %parallel_loop3A_180] : memref<8x4096xf32, #tpu.memory_space<vmem>>[vector<16xi32>, vector<16xi32>], vector<16xf32>,
        %parallel_loop3A_247 = arith.constant 16 : i32
        %parallel_loop3A_248 = arith.muli %parallel_loop3A_176, %parallel_loop3A_247 : i32
        %parallel_loop3A_249 = arith.constant 7 : i32
        %parallel_loop3A_250 = arith.index_cast %parallel_loop3A_249 : i32 to index
        %parallel_loop3A_251 = arith.index_cast %parallel_loop3A_248 : i32 to index
        %parallel_loop3A_252 = tpu.vector_load %arg18[%parallel_loop3A_250, %parallel_loop3A_251] {strides = array<i32>} : memref<8x2048xf32, #tpu.memory_space<vmem>>, vector<16xf32>,
        tpu.vector_store %arg18[%parallel_loop3A_250, %parallel_loop3A_251], %parallel_loop3A_246 {strides = array<i32>} : memref<8x2048xf32, #tpu.memory_space<vmem>>, vector<16xf32>,
      } {sc.loop_unroll_factor = 4 : i64, sc.parallel_access}
      %mul3A_162 = arith.constant 8 : i32
      %mul3A_163 = arith.muli %add3A_147, %mul3A_162 : i32
      %add3A_164 = arith.addi %mul3A_18, %mul3A_163 : i32
      %dma_start3A_165 = arith.constant 0 : i32
      %dma_start3A_166 = tpu.memref_slice %arg8[%add3A_164, %dma_start3A_165] : memref<8192x2048xf32, #tpu.memory_space<hbm>> -> memref<8x2048xf32, #tpu.memory_space<hbm>>
      %dma_start3A_167 = arith.constant 0 : i32
      %dma_start3A_168 = tpu.memref_slice %arg8[%add3A_164, %dma_start3A_167] : memref<8192x2048xf32, #tpu.memory_space<hbm>> -> memref<8x2048xf32, #tpu.memory_space<hbm>>
      tpu.enqueue_dma source(%arg18 : memref<8x2048xf32, #tpu.memory_space<vmem>>) target(%dma_start3A_168 : memref<8x2048xf32, #tpu.memory_space<hbm>>) target_semaphore(%arg23 : memref<!tpu.dma_semaphore, #tpu.memory_space<semaphore_mem>>)
      %add3A_169 = arith.constant 2 : i32
      %add3A_170 = arith.addi %add3A_147, %add3A_169 : i32
      %lt3A_171 = arith.constant 32 : i32
      %lt3A_172 = arith.cmpi slt, %add3A_170, %lt3A_171 : i32
      %convert_element_type3A_173 = arith.extui %lt3A_172 : i1 to i32
      %cond3A_174 = arith.constant 0 : i32
      %cond3A_175 = arith.cmpi ne, %convert_element_type3A_173, %cond3A_174 : i32
      scf.if %cond3A_175 {
        %add3A_176 = arith.constant 2 : i32
        %add3A_177 = arith.addi %add3A_147, %add3A_176 : i32
        %mul3A_178 = arith.constant 8 : i32
        %mul3A_179 = arith.muli %add3A_177, %mul3A_178 : i32
        %dma_start3A_180 = tpu.memref_slice %arg13[%mul3A_179] : memref<256xi32, #tpu.memory_space<vmem>> -> memref<8xi32, #tpu.memory_space<vmem>>
        %dma_start3A_181 = arith.constant 0 : i32
        %dma_start3A_182 = arith.constant 0 : i32
        %dma_start3A_183 = tpu.memref_slice %arg2[%dma_start3A_181, %dma_start3A_182] : memref<16384x4096xf32, #tpu.memory_space<hbm>> -> memref<16384x4096xf32, #tpu.memory_space<hbm>>
        tpu.enqueue_indirect_dma source(%dma_start3A_183 : memref<16384x4096xf32, #tpu.memory_space<hbm>>) target(%arg16 : memref<8x4096xf32, #tpu.memory_space<vmem>>) offsets(%dma_start3A_180 : memref<8xi32, #tpu.memory_space<vmem>>) semaphore(%arg21 : memref<!tpu.dma_semaphore, #tpu.memory_space<semaphore_mem>>)
      } else {
      }
    }
    %scan3A_42 = arith.constant 16 : i32
    %add3A_43 = arith.constant 240 : i32
    %add3A_44 = arith.addi %mul3A_18, %add3A_43 : i32
    %dma_wait3A = arith.constant 0 : i32
    %dma_wait3A_45 = tpu.memref_slice %arg8[%add3A_44, %dma_wait3A] : memref<8192x2048xf32, #tpu.memory_space<hbm>> -> memref<8x2048xf32, #tpu.memory_space<hbm>>
    %dma_wait3A_46 = arith.constant 0 : i32
    %dma_wait3A_47 = tpu.memref_slice %arg8[%add3A_44, %dma_wait3A_46] : memref<8192x2048xf32, #tpu.memory_space<hbm>> -> memref<8x2048xf32, #tpu.memory_space<hbm>>
    tpu.wait_dma2 semaphore(%arg22 : memref<!tpu.dma_semaphore, #tpu.memory_space<semaphore_mem>>) src(%arg17 : memref<8x2048xf32, #tpu.memory_space<vmem>>) dst(%dma_wait3A_47 : memref<8x2048xf32, #tpu.memory_space<hbm>>)
    %add3A_48 = arith.constant 248 : i32
    %add3A_49 = arith.addi %mul3A_18, %add3A_48 : i32
    %dma_wait3A_50 = arith.constant 0 : i32
    %dma_wait3A_51 = tpu.memref_slice %arg8[%add3A_49, %dma_wait3A_50] : memref<8192x2048xf32, #tpu.memory_space<hbm>> -> memref<8x2048xf32, #tpu.memory_space<hbm>>
    %dma_wait3A_52 = arith.constant 0 : i32
    %dma_wait3A_53 = tpu.memref_slice %arg8[%add3A_49, %dma_wait3A_52] : memref<8192x2048xf32, #tpu.memory_space<hbm>> -> memref<8x2048xf32, #tpu.memory_space<hbm>>
    tpu.wait_dma2 semaphore(%arg23 : memref<!tpu.dma_semaphore, #tpu.memory_space<semaphore_mem>>) src(%arg18 : memref<8x2048xf32, #tpu.memory_space<vmem>>) dst(%dma_wait3A_53 : memref<8x2048xf32, #tpu.memory_space<hbm>>)
    %dma_start3A_54 = arith.constant 0 : i32
    %dma_start3A_55 = tpu.memref_slice %arg13[%dma_start3A_54] : memref<256xi32, #tpu.memory_space<vmem>> -> memref<8xi32, #tpu.memory_space<vmem>>
    %dma_start3A_56 = arith.constant 0 : i32
    %dma_start3A_57 = arith.constant 0 : i32
    %dma_start3A_58 = tpu.memref_slice %arg3[%dma_start3A_56, %dma_start3A_57] : memref<16384x4096xf32, #tpu.memory_space<hbm>> -> memref<16384x4096xf32, #tpu.memory_space<hbm>>
    tpu.enqueue_indirect_dma source(%dma_start3A_58 : memref<16384x4096xf32, #tpu.memory_space<hbm>>) target(%arg15 : memref<8x4096xf32, #tpu.memory_space<vmem>>) offsets(%dma_start3A_55 : memref<8xi32, #tpu.memory_space<vmem>>) semaphore(%arg20 : memref<!tpu.dma_semaphore, #tpu.memory_space<semaphore_mem>>)
    %dma_start3A_59 = arith.constant 8 : i32
    %dma_start3A_60 = tpu.memref_slice %arg13[%dma_start3A_59] : memref<256xi32, #tpu.memory_space<vmem>> -> memref<8xi32, #tpu.memory_space<vmem>>
    %dma_start3A_61 = arith.constant 0 : i32
    %dma_start3A_62 = arith.constant 0 : i32
    %dma_start3A_63 = tpu.memref_slice %arg3[%dma_start3A_61, %dma_start3A_62] : memref<16384x4096xf32, #tpu.memory_space<hbm>> -> memref<16384x4096xf32, #tpu.memory_space<hbm>>
    tpu.enqueue_indirect_dma source(%dma_start3A_63 : memref<16384x4096xf32, #tpu.memory_space<hbm>>) target(%arg16 : memref<8x4096xf32, #tpu.memory_space<vmem>>) offsets(%dma_start3A_60 : memref<8xi32, #tpu.memory_space<vmem>>) semaphore(%arg21 : memref<!tpu.dma_semaphore, #tpu.memory_space<semaphore_mem>>)
    %scan3A_64 = arith.constant 0 : i32
    %scan3A_65 = arith.constant 0 : i32
    %scan3A_66 = arith.constant 16 : i32
    %scan3A_67 = arith.addi %scan3A_65, %scan3A_66 : i32
    %scan3A_68 = arith.constant 1 : i32
    scf.for %scan3A_116 = %scan3A_65 to %scan3A_67 step %scan3A_68  : i32 {
      %mul3A_117 = arith.constant 2 : i32
      %mul3A_118 = arith.muli %scan3A_116, %mul3A_117 : i32
      %add3A_119 = arith.constant 0 : i32
      %add3A_120 = arith.addi %mul3A_118, %add3A_119 : i32
      %mul3A_121 = arith.constant 8 : i32
      %mul3A_122 = arith.muli %add3A_120, %mul3A_121 : i32
      %dma_wait3A_123 = tpu.memref_slice %arg13[%mul3A_122] : memref<256xi32, #tpu.memory_space<vmem>> -> memref<8xi32, #tpu.memory_space<vmem>>
      %dma_wait3A_124 = arith.constant 0 : i32
      %dma_wait3A_125 = arith.constant 0 : i32
      %dma_wait3A_126 = tpu.memref_slice %arg3[%dma_wait3A_124, %dma_wait3A_125] : memref<16384x4096xf32, #tpu.memory_space<hbm>> -> memref<16384x4096xf32, #tpu.memory_space<hbm>>
      tpu.wait_indirect_dma semaphore(%arg20 : memref<!tpu.dma_semaphore, #tpu.memory_space<semaphore_mem>>) src(%dma_wait3A_126 : memref<16384x4096xf32, #tpu.memory_space<hbm>>) dst(%arg15 : memref<8x4096xf32, #tpu.memory_space<vmem>>)
      %ge3A = arith.constant 2 : i32
      %ge3A_127 = arith.cmpi sge, %add3A_120, %ge3A : i32
      %convert_element_type3A = arith.extui %ge3A_127 : i1 to i32
      %cond3A = arith.constant 0 : i32
      %cond3A_128 = arith.cmpi ne, %convert_element_type3A, %cond3A : i32
      scf.if %cond3A_128 {
        %sub3A_176 = arith.constant 2 : i32
        %sub3A_177 = arith.subi %add3A_120, %sub3A_176 : i32
        %mul3A_178 = arith.constant 8 : i32
        %mul3A_179 = arith.muli %sub3A_177, %mul3A_178 : i32
        %add3A_180 = arith.addi %mul3A_18, %mul3A_179 : i32
        %dma_wait3A_181 = arith.constant 0 : i32
        %dma_wait3A_182 = tpu.memref_slice %arg9[%add3A_180, %dma_wait3A_181] : memref<8192x2048xf32, #tpu.memory_space<hbm>> -> memref<8x2048xf32, #tpu.memory_space<hbm>>
        %dma_wait3A_183 = arith.constant 0 : i32
        %dma_wait3A_184 = tpu.memref_slice %arg9[%add3A_180, %dma_wait3A_183] : memref<8192x2048xf32, #tpu.memory_space<hbm>> -> memref<8x2048xf32, #tpu.memory_space<hbm>>
        tpu.wait_dma2 semaphore(%arg22 : memref<!tpu.dma_semaphore, #tpu.memory_space<semaphore_mem>>) src(%arg17 : memref<8x2048xf32, #tpu.memory_space<vmem>>) dst(%dma_wait3A_184 : memref<8x2048xf32, #tpu.memory_space<hbm>>)
      } else {
      }
      %parallel_loop3A = arith.constant 0 : i32
      %parallel_loop3A_129 = arith.constant 128 : i32
      %parallel_loop3A_130 = arith.constant 1 : i32
      scf.for %parallel_loop3A_176 = %parallel_loop3A to %parallel_loop3A_129 step %parallel_loop3A_130  : i32 {
        %parallel_loop3A_177 = arith.constant 16 : i32
        %parallel_loop3A_178 = arith.muli %parallel_loop3A_176, %parallel_loop3A_177 : i32
        %parallel_loop3A_179 = arith.index_cast %parallel_loop3A_178 : i32 to index
        %parallel_loop3A_180 = tpu.vector_load %arg12[%parallel_loop3A_179] {strides = array<i32>} : memref<2048xi32, #tpu.memory_space<vmem>>, vector<16xi32>,
        %parallel_loop3A_181 = arith.constant 0 : i32
        %parallel_loop3A_182 = vector.broadcast %parallel_loop3A_181 : i32 to vector<16xi32>
        %parallel_loop3A_183 = tpu.vector_load_idx %arg15[%parallel_loop3A_182, %parallel_loop3A_180] : memref<8x4096xf32, #tpu.memory_space<vmem>>[vector<16xi32>, vector<16xi32>], vector<16xf32>,
        %parallel_loop3A_184 = arith.constant 16 : i32
        %parallel_loop3A_185 = arith.muli %parallel_loop3A_176, %parallel_loop3A_184 : i32
        %parallel_loop3A_186 = arith.constant 0 : i32
        %parallel_loop3A_187 = arith.index_cast %parallel_loop3A_186 : i32 to index
        %parallel_loop3A_188 = arith.index_cast %parallel_loop3A_185 : i32 to index
        %parallel_loop3A_189 = tpu.vector_load %arg17[%parallel_loop3A_187, %parallel_loop3A_188] {strides = array<i32>} : memref<8x2048xf32, #tpu.memory_space<vmem>>, vector<16xf32>,
        tpu.vector_store %arg17[%parallel_loop3A_187, %parallel_loop3A_188], %parallel_loop3A_183 {strides = array<i32>} : memref<8x2048xf32, #tpu.memory_space<vmem>>, vector<16xf32>,
        %parallel_loop3A_190 = arith.constant 1 : i32
        %parallel_loop3A_191 = vector.broadcast %parallel_loop3A_190 : i32 to vector<16xi32>
        %parallel_loop3A_192 = tpu.vector_load_idx %arg15[%parallel_loop3A_191, %parallel_loop3A_180] : memref<8x4096xf32, #tpu.memory_space<vmem>>[vector<16xi32>, vector<16xi32>], vector<16xf32>,
        %parallel_loop3A_193 = arith.constant 16 : i32
        %parallel_loop3A_194 = arith.muli %parallel_loop3A_176, %parallel_loop3A_193 : i32
        %parallel_loop3A_195 = arith.constant 1 : i32
        %parallel_loop3A_196 = arith.index_cast %parallel_loop3A_195 : i32 to index
        %parallel_loop3A_197 = arith.index_cast %parallel_loop3A_194 : i32 to index
        %parallel_loop3A_198 = tpu.vector_load %arg17[%parallel_loop3A_196, %parallel_loop3A_197] {strides = array<i32>} : memref<8x2048xf32, #tpu.memory_space<vmem>>, vector<16xf32>,
        tpu.vector_store %arg17[%parallel_loop3A_196, %parallel_loop3A_197], %parallel_loop3A_192 {strides = array<i32>} : memref<8x2048xf32, #tpu.memory_space<vmem>>, vector<16xf32>,
        %parallel_loop3A_199 = arith.constant 2 : i32
        %parallel_loop3A_200 = vector.broadcast %parallel_loop3A_199 : i32 to vector<16xi32>
        %parallel_loop3A_201 = tpu.vector_load_idx %arg15[%parallel_loop3A_200, %parallel_loop3A_180] : memref<8x4096xf32, #tpu.memory_space<vmem>>[vector<16xi32>, vector<16xi32>], vector<16xf32>,
        %parallel_loop3A_202 = arith.constant 16 : i32
        %parallel_loop3A_203 = arith.muli %parallel_loop3A_176, %parallel_loop3A_202 : i32
        %parallel_loop3A_204 = arith.constant 2 : i32
        %parallel_loop3A_205 = arith.index_cast %parallel_loop3A_204 : i32 to index
        %parallel_loop3A_206 = arith.index_cast %parallel_loop3A_203 : i32 to index
        %parallel_loop3A_207 = tpu.vector_load %arg17[%parallel_loop3A_205, %parallel_loop3A_206] {strides = array<i32>} : memref<8x2048xf32, #tpu.memory_space<vmem>>, vector<16xf32>,
        tpu.vector_store %arg17[%parallel_loop3A_205, %parallel_loop3A_206], %parallel_loop3A_201 {strides = array<i32>} : memref<8x2048xf32, #tpu.memory_space<vmem>>, vector<16xf32>,
        %parallel_loop3A_208 = arith.constant 3 : i32
        %parallel_loop3A_209 = vector.broadcast %parallel_loop3A_208 : i32 to vector<16xi32>
        %parallel_loop3A_210 = tpu.vector_load_idx %arg15[%parallel_loop3A_209, %parallel_loop3A_180] : memref<8x4096xf32, #tpu.memory_space<vmem>>[vector<16xi32>, vector<16xi32>], vector<16xf32>,
        %parallel_loop3A_211 = arith.constant 16 : i32
        %parallel_loop3A_212 = arith.muli %parallel_loop3A_176, %parallel_loop3A_211 : i32
        %parallel_loop3A_213 = arith.constant 3 : i32
        %parallel_loop3A_214 = arith.index_cast %parallel_loop3A_213 : i32 to index
        %parallel_loop3A_215 = arith.index_cast %parallel_loop3A_212 : i32 to index
        %parallel_loop3A_216 = tpu.vector_load %arg17[%parallel_loop3A_214, %parallel_loop3A_215] {strides = array<i32>} : memref<8x2048xf32, #tpu.memory_space<vmem>>, vector<16xf32>,
        tpu.vector_store %arg17[%parallel_loop3A_214, %parallel_loop3A_215], %parallel_loop3A_210 {strides = array<i32>} : memref<8x2048xf32, #tpu.memory_space<vmem>>, vector<16xf32>,
        %parallel_loop3A_217 = arith.constant 4 : i32
        %parallel_loop3A_218 = vector.broadcast %parallel_loop3A_217 : i32 to vector<16xi32>
        %parallel_loop3A_219 = tpu.vector_load_idx %arg15[%parallel_loop3A_218, %parallel_loop3A_180] : memref<8x4096xf32, #tpu.memory_space<vmem>>[vector<16xi32>, vector<16xi32>], vector<16xf32>,
        %parallel_loop3A_220 = arith.constant 16 : i32
        %parallel_loop3A_221 = arith.muli %parallel_loop3A_176, %parallel_loop3A_220 : i32
        %parallel_loop3A_222 = arith.constant 4 : i32
        %parallel_loop3A_223 = arith.index_cast %parallel_loop3A_222 : i32 to index
        %parallel_loop3A_224 = arith.index_cast %parallel_loop3A_221 : i32 to index
        %parallel_loop3A_225 = tpu.vector_load %arg17[%parallel_loop3A_223, %parallel_loop3A_224] {strides = array<i32>} : memref<8x2048xf32, #tpu.memory_space<vmem>>, vector<16xf32>,
        tpu.vector_store %arg17[%parallel_loop3A_223, %parallel_loop3A_224], %parallel_loop3A_219 {strides = array<i32>} : memref<8x2048xf32, #tpu.memory_space<vmem>>, vector<16xf32>,
        %parallel_loop3A_226 = arith.constant 5 : i32
        %parallel_loop3A_227 = vector.broadcast %parallel_loop3A_226 : i32 to vector<16xi32>
        %parallel_loop3A_228 = tpu.vector_load_idx %arg15[%parallel_loop3A_227, %parallel_loop3A_180] : memref<8x4096xf32, #tpu.memory_space<vmem>>[vector<16xi32>, vector<16xi32>], vector<16xf32>,
        %parallel_loop3A_229 = arith.constant 16 : i32
        %parallel_loop3A_230 = arith.muli %parallel_loop3A_176, %parallel_loop3A_229 : i32
        %parallel_loop3A_231 = arith.constant 5 : i32
        %parallel_loop3A_232 = arith.index_cast %parallel_loop3A_231 : i32 to index
        %parallel_loop3A_233 = arith.index_cast %parallel_loop3A_230 : i32 to index
        %parallel_loop3A_234 = tpu.vector_load %arg17[%parallel_loop3A_232, %parallel_loop3A_233] {strides = array<i32>} : memref<8x2048xf32, #tpu.memory_space<vmem>>, vector<16xf32>,
        tpu.vector_store %arg17[%parallel_loop3A_232, %parallel_loop3A_233], %parallel_loop3A_228 {strides = array<i32>} : memref<8x2048xf32, #tpu.memory_space<vmem>>, vector<16xf32>,
        %parallel_loop3A_235 = arith.constant 6 : i32
        %parallel_loop3A_236 = vector.broadcast %parallel_loop3A_235 : i32 to vector<16xi32>
        %parallel_loop3A_237 = tpu.vector_load_idx %arg15[%parallel_loop3A_236, %parallel_loop3A_180] : memref<8x4096xf32, #tpu.memory_space<vmem>>[vector<16xi32>, vector<16xi32>], vector<16xf32>,
        %parallel_loop3A_238 = arith.constant 16 : i32
        %parallel_loop3A_239 = arith.muli %parallel_loop3A_176, %parallel_loop3A_238 : i32
        %parallel_loop3A_240 = arith.constant 6 : i32
        %parallel_loop3A_241 = arith.index_cast %parallel_loop3A_240 : i32 to index
        %parallel_loop3A_242 = arith.index_cast %parallel_loop3A_239 : i32 to index
        %parallel_loop3A_243 = tpu.vector_load %arg17[%parallel_loop3A_241, %parallel_loop3A_242] {strides = array<i32>} : memref<8x2048xf32, #tpu.memory_space<vmem>>, vector<16xf32>,
        tpu.vector_store %arg17[%parallel_loop3A_241, %parallel_loop3A_242], %parallel_loop3A_237 {strides = array<i32>} : memref<8x2048xf32, #tpu.memory_space<vmem>>, vector<16xf32>,
        %parallel_loop3A_244 = arith.constant 7 : i32
        %parallel_loop3A_245 = vector.broadcast %parallel_loop3A_244 : i32 to vector<16xi32>
        %parallel_loop3A_246 = tpu.vector_load_idx %arg15[%parallel_loop3A_245, %parallel_loop3A_180] : memref<8x4096xf32, #tpu.memory_space<vmem>>[vector<16xi32>, vector<16xi32>], vector<16xf32>,
        %parallel_loop3A_247 = arith.constant 16 : i32
        %parallel_loop3A_248 = arith.muli %parallel_loop3A_176, %parallel_loop3A_247 : i32
        %parallel_loop3A_249 = arith.constant 7 : i32
        %parallel_loop3A_250 = arith.index_cast %parallel_loop3A_249 : i32 to index
        %parallel_loop3A_251 = arith.index_cast %parallel_loop3A_248 : i32 to index
        %parallel_loop3A_252 = tpu.vector_load %arg17[%parallel_loop3A_250, %parallel_loop3A_251] {strides = array<i32>} : memref<8x2048xf32, #tpu.memory_space<vmem>>, vector<16xf32>,
        tpu.vector_store %arg17[%parallel_loop3A_250, %parallel_loop3A_251], %parallel_loop3A_246 {strides = array<i32>} : memref<8x2048xf32, #tpu.memory_space<vmem>>, vector<16xf32>,
      } {sc.loop_unroll_factor = 4 : i64, sc.parallel_access}
      %mul3A_131 = arith.constant 8 : i32
      %mul3A_132 = arith.muli %add3A_120, %mul3A_131 : i32
      %add3A_133 = arith.addi %mul3A_18, %mul3A_132 : i32
      %dma_start3A_134 = arith.constant 0 : i32
      %dma_start3A_135 = tpu.memref_slice %arg9[%add3A_133, %dma_start3A_134] : memref<8192x2048xf32, #tpu.memory_space<hbm>> -> memref<8x2048xf32, #tpu.memory_space<hbm>>
      %dma_start3A_136 = arith.constant 0 : i32
      %dma_start3A_137 = tpu.memref_slice %arg9[%add3A_133, %dma_start3A_136] : memref<8192x2048xf32, #tpu.memory_space<hbm>> -> memref<8x2048xf32, #tpu.memory_space<hbm>>
      tpu.enqueue_dma source(%arg17 : memref<8x2048xf32, #tpu.memory_space<vmem>>) target(%dma_start3A_137 : memref<8x2048xf32, #tpu.memory_space<hbm>>) target_semaphore(%arg22 : memref<!tpu.dma_semaphore, #tpu.memory_space<semaphore_mem>>)
      %add3A_138 = arith.constant 2 : i32
      %add3A_139 = arith.addi %add3A_120, %add3A_138 : i32
      %lt3A = arith.constant 32 : i32
      %lt3A_140 = arith.cmpi slt, %add3A_139, %lt3A : i32
      %convert_element_type3A_141 = arith.extui %lt3A_140 : i1 to i32
      %cond3A_142 = arith.constant 0 : i32
      %cond3A_143 = arith.cmpi ne, %convert_element_type3A_141, %cond3A_142 : i32
      scf.if %cond3A_143 {
        %add3A_176 = arith.constant 2 : i32
        %add3A_177 = arith.addi %add3A_120, %add3A_176 : i32
        %mul3A_178 = arith.constant 8 : i32
        %mul3A_179 = arith.muli %add3A_177, %mul3A_178 : i32
        %dma_start3A_180 = tpu.memref_slice %arg13[%mul3A_179] : memref<256xi32, #tpu.memory_space<vmem>> -> memref<8xi32, #tpu.memory_space<vmem>>
        %dma_start3A_181 = arith.constant 0 : i32
        %dma_start3A_182 = arith.constant 0 : i32
        %dma_start3A_183 = tpu.memref_slice %arg3[%dma_start3A_181, %dma_start3A_182] : memref<16384x4096xf32, #tpu.memory_space<hbm>> -> memref<16384x4096xf32, #tpu.memory_space<hbm>>
        tpu.enqueue_indirect_dma source(%dma_start3A_183 : memref<16384x4096xf32, #tpu.memory_space<hbm>>) target(%arg15 : memref<8x4096xf32, #tpu.memory_space<vmem>>) offsets(%dma_start3A_180 : memref<8xi32, #tpu.memory_space<vmem>>) semaphore(%arg20 : memref<!tpu.dma_semaphore, #tpu.memory_space<semaphore_mem>>)
      } else {
      }
      %mul3A_144 = arith.constant 2 : i32
      %mul3A_145 = arith.muli %scan3A_116, %mul3A_144 : i32
      %add3A_146 = arith.constant 1 : i32
      %add3A_147 = arith.addi %mul3A_145, %add3A_146 : i32
      %mul3A_148 = arith.constant 8 : i32
      %mul3A_149 = arith.muli %add3A_147, %mul3A_148 : i32
      %dma_wait3A_150 = tpu.memref_slice %arg13[%mul3A_149] : memref<256xi32, #tpu.memory_space<vmem>> -> memref<8xi32, #tpu.memory_space<vmem>>
      %dma_wait3A_151 = arith.constant 0 : i32
      %dma_wait3A_152 = arith.constant 0 : i32
      %dma_wait3A_153 = tpu.memref_slice %arg3[%dma_wait3A_151, %dma_wait3A_152] : memref<16384x4096xf32, #tpu.memory_space<hbm>> -> memref<16384x4096xf32, #tpu.memory_space<hbm>>
      tpu.wait_indirect_dma semaphore(%arg21 : memref<!tpu.dma_semaphore, #tpu.memory_space<semaphore_mem>>) src(%dma_wait3A_153 : memref<16384x4096xf32, #tpu.memory_space<hbm>>) dst(%arg16 : memref<8x4096xf32, #tpu.memory_space<vmem>>)
      %ge3A_154 = arith.constant 2 : i32
      %ge3A_155 = arith.cmpi sge, %add3A_147, %ge3A_154 : i32
      %convert_element_type3A_156 = arith.extui %ge3A_155 : i1 to i32
      %cond3A_157 = arith.constant 0 : i32
      %cond3A_158 = arith.cmpi ne, %convert_element_type3A_156, %cond3A_157 : i32
      scf.if %cond3A_158 {
        %sub3A_176 = arith.constant 2 : i32
        %sub3A_177 = arith.subi %add3A_147, %sub3A_176 : i32
        %mul3A_178 = arith.constant 8 : i32
        %mul3A_179 = arith.muli %sub3A_177, %mul3A_178 : i32
        %add3A_180 = arith.addi %mul3A_18, %mul3A_179 : i32
        %dma_wait3A_181 = arith.constant 0 : i32
        %dma_wait3A_182 = tpu.memref_slice %arg9[%add3A_180, %dma_wait3A_181] : memref<8192x2048xf32, #tpu.memory_space<hbm>> -> memref<8x2048xf32, #tpu.memory_space<hbm>>
        %dma_wait3A_183 = arith.constant 0 : i32
        %dma_wait3A_184 = tpu.memref_slice %arg9[%add3A_180, %dma_wait3A_183] : memref<8192x2048xf32, #tpu.memory_space<hbm>> -> memref<8x2048xf32, #tpu.memory_space<hbm>>
        tpu.wait_dma2 semaphore(%arg23 : memref<!tpu.dma_semaphore, #tpu.memory_space<semaphore_mem>>) src(%arg18 : memref<8x2048xf32, #tpu.memory_space<vmem>>) dst(%dma_wait3A_184 : memref<8x2048xf32, #tpu.memory_space<hbm>>)
      } else {
      }
      %parallel_loop3A_159 = arith.constant 0 : i32
      %parallel_loop3A_160 = arith.constant 128 : i32
      %parallel_loop3A_161 = arith.constant 1 : i32
      scf.for %parallel_loop3A_176 = %parallel_loop3A_159 to %parallel_loop3A_160 step %parallel_loop3A_161  : i32 {
        %parallel_loop3A_177 = arith.constant 16 : i32
        %parallel_loop3A_178 = arith.muli %parallel_loop3A_176, %parallel_loop3A_177 : i32
        %parallel_loop3A_179 = arith.index_cast %parallel_loop3A_178 : i32 to index
        %parallel_loop3A_180 = tpu.vector_load %arg12[%parallel_loop3A_179] {strides = array<i32>} : memref<2048xi32, #tpu.memory_space<vmem>>, vector<16xi32>,
        %parallel_loop3A_181 = arith.constant 0 : i32
        %parallel_loop3A_182 = vector.broadcast %parallel_loop3A_181 : i32 to vector<16xi32>
        %parallel_loop3A_183 = tpu.vector_load_idx %arg16[%parallel_loop3A_182, %parallel_loop3A_180] : memref<8x4096xf32, #tpu.memory_space<vmem>>[vector<16xi32>, vector<16xi32>], vector<16xf32>,
        %parallel_loop3A_184 = arith.constant 16 : i32
        %parallel_loop3A_185 = arith.muli %parallel_loop3A_176, %parallel_loop3A_184 : i32
        %parallel_loop3A_186 = arith.constant 0 : i32
        %parallel_loop3A_187 = arith.index_cast %parallel_loop3A_186 : i32 to index
        %parallel_loop3A_188 = arith.index_cast %parallel_loop3A_185 : i32 to index
        %parallel_loop3A_189 = tpu.vector_load %arg18[%parallel_loop3A_187, %parallel_loop3A_188] {strides = array<i32>} : memref<8x2048xf32, #tpu.memory_space<vmem>>, vector<16xf32>,
        tpu.vector_store %arg18[%parallel_loop3A_187, %parallel_loop3A_188], %parallel_loop3A_183 {strides = array<i32>} : memref<8x2048xf32, #tpu.memory_space<vmem>>, vector<16xf32>,
        %parallel_loop3A_190 = arith.constant 1 : i32
        %parallel_loop3A_191 = vector.broadcast %parallel_loop3A_190 : i32 to vector<16xi32>
        %parallel_loop3A_192 = tpu.vector_load_idx %arg16[%parallel_loop3A_191, %parallel_loop3A_180] : memref<8x4096xf32, #tpu.memory_space<vmem>>[vector<16xi32>, vector<16xi32>], vector<16xf32>,
        %parallel_loop3A_193 = arith.constant 16 : i32
        %parallel_loop3A_194 = arith.muli %parallel_loop3A_176, %parallel_loop3A_193 : i32
        %parallel_loop3A_195 = arith.constant 1 : i32
        %parallel_loop3A_196 = arith.index_cast %parallel_loop3A_195 : i32 to index
        %parallel_loop3A_197 = arith.index_cast %parallel_loop3A_194 : i32 to index
        %parallel_loop3A_198 = tpu.vector_load %arg18[%parallel_loop3A_196, %parallel_loop3A_197] {strides = array<i32>} : memref<8x2048xf32, #tpu.memory_space<vmem>>, vector<16xf32>,
        tpu.vector_store %arg18[%parallel_loop3A_196, %parallel_loop3A_197], %parallel_loop3A_192 {strides = array<i32>} : memref<8x2048xf32, #tpu.memory_space<vmem>>, vector<16xf32>,
        %parallel_loop3A_199 = arith.constant 2 : i32
        %parallel_loop3A_200 = vector.broadcast %parallel_loop3A_199 : i32 to vector<16xi32>
        %parallel_loop3A_201 = tpu.vector_load_idx %arg16[%parallel_loop3A_200, %parallel_loop3A_180] : memref<8x4096xf32, #tpu.memory_space<vmem>>[vector<16xi32>, vector<16xi32>], vector<16xf32>,
        %parallel_loop3A_202 = arith.constant 16 : i32
        %parallel_loop3A_203 = arith.muli %parallel_loop3A_176, %parallel_loop3A_202 : i32
        %parallel_loop3A_204 = arith.constant 2 : i32
        %parallel_loop3A_205 = arith.index_cast %parallel_loop3A_204 : i32 to index
        %parallel_loop3A_206 = arith.index_cast %parallel_loop3A_203 : i32 to index
        %parallel_loop3A_207 = tpu.vector_load %arg18[%parallel_loop3A_205, %parallel_loop3A_206] {strides = array<i32>} : memref<8x2048xf32, #tpu.memory_space<vmem>>, vector<16xf32>,
        tpu.vector_store %arg18[%parallel_loop3A_205, %parallel_loop3A_206], %parallel_loop3A_201 {strides = array<i32>} : memref<8x2048xf32, #tpu.memory_space<vmem>>, vector<16xf32>,
        %parallel_loop3A_208 = arith.constant 3 : i32
        %parallel_loop3A_209 = vector.broadcast %parallel_loop3A_208 : i32 to vector<16xi32>
        %parallel_loop3A_210 = tpu.vector_load_idx %arg16[%parallel_loop3A_209, %parallel_loop3A_180] : memref<8x4096xf32, #tpu.memory_space<vmem>>[vector<16xi32>, vector<16xi32>], vector<16xf32>,
        %parallel_loop3A_211 = arith.constant 16 : i32
        %parallel_loop3A_212 = arith.muli %parallel_loop3A_176, %parallel_loop3A_211 : i32
        %parallel_loop3A_213 = arith.constant 3 : i32
        %parallel_loop3A_214 = arith.index_cast %parallel_loop3A_213 : i32 to index
        %parallel_loop3A_215 = arith.index_cast %parallel_loop3A_212 : i32 to index
        %parallel_loop3A_216 = tpu.vector_load %arg18[%parallel_loop3A_214, %parallel_loop3A_215] {strides = array<i32>} : memref<8x2048xf32, #tpu.memory_space<vmem>>, vector<16xf32>,
        tpu.vector_store %arg18[%parallel_loop3A_214, %parallel_loop3A_215], %parallel_loop3A_210 {strides = array<i32>} : memref<8x2048xf32, #tpu.memory_space<vmem>>, vector<16xf32>,
        %parallel_loop3A_217 = arith.constant 4 : i32
        %parallel_loop3A_218 = vector.broadcast %parallel_loop3A_217 : i32 to vector<16xi32>
        %parallel_loop3A_219 = tpu.vector_load_idx %arg16[%parallel_loop3A_218, %parallel_loop3A_180] : memref<8x4096xf32, #tpu.memory_space<vmem>>[vector<16xi32>, vector<16xi32>], vector<16xf32>,
        %parallel_loop3A_220 = arith.constant 16 : i32
        %parallel_loop3A_221 = arith.muli %parallel_loop3A_176, %parallel_loop3A_220 : i32
        %parallel_loop3A_222 = arith.constant 4 : i32
        %parallel_loop3A_223 = arith.index_cast %parallel_loop3A_222 : i32 to index
        %parallel_loop3A_224 = arith.index_cast %parallel_loop3A_221 : i32 to index
        %parallel_loop3A_225 = tpu.vector_load %arg18[%parallel_loop3A_223, %parallel_loop3A_224] {strides = array<i32>} : memref<8x2048xf32, #tpu.memory_space<vmem>>, vector<16xf32>,
        tpu.vector_store %arg18[%parallel_loop3A_223, %parallel_loop3A_224], %parallel_loop3A_219 {strides = array<i32>} : memref<8x2048xf32, #tpu.memory_space<vmem>>, vector<16xf32>,
        %parallel_loop3A_226 = arith.constant 5 : i32
        %parallel_loop3A_227 = vector.broadcast %parallel_loop3A_226 : i32 to vector<16xi32>
        %parallel_loop3A_228 = tpu.vector_load_idx %arg16[%parallel_loop3A_227, %parallel_loop3A_180] : memref<8x4096xf32, #tpu.memory_space<vmem>>[vector<16xi32>, vector<16xi32>], vector<16xf32>,
        %parallel_loop3A_229 = arith.constant 16 : i32
        %parallel_loop3A_230 = arith.muli %parallel_loop3A_176, %parallel_loop3A_229 : i32
        %parallel_loop3A_231 = arith.constant 5 : i32
        %parallel_loop3A_232 = arith.index_cast %parallel_loop3A_231 : i32 to index
        %parallel_loop3A_233 = arith.index_cast %parallel_loop3A_230 : i32 to index
        %parallel_loop3A_234 = tpu.vector_load %arg18[%parallel_loop3A_232, %parallel_loop3A_233] {strides = array<i32>} : memref<8x2048xf32, #tpu.memory_space<vmem>>, vector<16xf32>,
        tpu.vector_store %arg18[%parallel_loop3A_232, %parallel_loop3A_233], %parallel_loop3A_228 {strides = array<i32>} : memref<8x2048xf32, #tpu.memory_space<vmem>>, vector<16xf32>,
        %parallel_loop3A_235 = arith.constant 6 : i32
        %parallel_loop3A_236 = vector.broadcast %parallel_loop3A_235 : i32 to vector<16xi32>
        %parallel_loop3A_237 = tpu.vector_load_idx %arg16[%parallel_loop3A_236, %parallel_loop3A_180] : memref<8x4096xf32, #tpu.memory_space<vmem>>[vector<16xi32>, vector<16xi32>], vector<16xf32>,
        %parallel_loop3A_238 = arith.constant 16 : i32
        %parallel_loop3A_239 = arith.muli %parallel_loop3A_176, %parallel_loop3A_238 : i32
        %parallel_loop3A_240 = arith.constant 6 : i32
        %parallel_loop3A_241 = arith.index_cast %parallel_loop3A_240 : i32 to index
        %parallel_loop3A_242 = arith.index_cast %parallel_loop3A_239 : i32 to index
        %parallel_loop3A_243 = tpu.vector_load %arg18[%parallel_loop3A_241, %parallel_loop3A_242] {strides = array<i32>} : memref<8x2048xf32, #tpu.memory_space<vmem>>, vector<16xf32>,
        tpu.vector_store %arg18[%parallel_loop3A_241, %parallel_loop3A_242], %parallel_loop3A_237 {strides = array<i32>} : memref<8x2048xf32, #tpu.memory_space<vmem>>, vector<16xf32>,
        %parallel_loop3A_244 = arith.constant 7 : i32
        %parallel_loop3A_245 = vector.broadcast %parallel_loop3A_244 : i32 to vector<16xi32>
        %parallel_loop3A_246 = tpu.vector_load_idx %arg16[%parallel_loop3A_245, %parallel_loop3A_180] : memref<8x4096xf32, #tpu.memory_space<vmem>>[vector<16xi32>, vector<16xi32>], vector<16xf32>,
        %parallel_loop3A_247 = arith.constant 16 : i32
        %parallel_loop3A_248 = arith.muli %parallel_loop3A_176, %parallel_loop3A_247 : i32
        %parallel_loop3A_249 = arith.constant 7 : i32
        %parallel_loop3A_250 = arith.index_cast %parallel_loop3A_249 : i32 to index
        %parallel_loop3A_251 = arith.index_cast %parallel_loop3A_248 : i32 to index
        %parallel_loop3A_252 = tpu.vector_load %arg18[%parallel_loop3A_250, %parallel_loop3A_251] {strides = array<i32>} : memref<8x2048xf32, #tpu.memory_space<vmem>>, vector<16xf32>,
        tpu.vector_store %arg18[%parallel_loop3A_250, %parallel_loop3A_251], %parallel_loop3A_246 {strides = array<i32>} : memref<8x2048xf32, #tpu.memory_space<vmem>>, vector<16xf32>,
      } {sc.loop_unroll_factor = 4 : i64, sc.parallel_access}
      %mul3A_162 = arith.constant 8 : i32
      %mul3A_163 = arith.muli %add3A_147, %mul3A_162 : i32
      %add3A_164 = arith.addi %mul3A_18, %mul3A_163 : i32
      %dma_start3A_165 = arith.constant 0 : i32
      %dma_start3A_166 = tpu.memref_slice %arg9[%add3A_164, %dma_start3A_165] : memref<8192x2048xf32, #tpu.memory_space<hbm>> -> memref<8x2048xf32, #tpu.memory_space<hbm>>
      %dma_start3A_167 = arith.constant 0 : i32
      %dma_start3A_168 = tpu.memref_slice %arg9[%add3A_164, %dma_start3A_167] : memref<8192x2048xf32, #tpu.memory_space<hbm>> -> memref<8x2048xf32, #tpu.memory_space<hbm>>
      tpu.enqueue_dma source(%arg18 : memref<8x2048xf32, #tpu.memory_space<vmem>>) target(%dma_start3A_168 : memref<8x2048xf32, #tpu.memory_space<hbm>>) target_semaphore(%arg23 : memref<!tpu.dma_semaphore, #tpu.memory_space<semaphore_mem>>)
      %add3A_169 = arith.constant 2 : i32
      %add3A_170 = arith.addi %add3A_147, %add3A_169 : i32
      %lt3A_171 = arith.constant 32 : i32
      %lt3A_172 = arith.cmpi slt, %add3A_170, %lt3A_171 : i32
      %convert_element_type3A_173 = arith.extui %lt3A_172 : i1 to i32
      %cond3A_174 = arith.constant 0 : i32
      %cond3A_175 = arith.cmpi ne, %convert_element_type3A_173, %cond3A_174 : i32
      scf.if %cond3A_175 {
        %add3A_176 = arith.constant 2 : i32
        %add3A_177 = arith.addi %add3A_147, %add3A_176 : i32
        %mul3A_178 = arith.constant 8 : i32
        %mul3A_179 = arith.muli %add3A_177, %mul3A_178 : i32
        %dma_start3A_180 = tpu.memref_slice %arg13[%mul3A_179] : memref<256xi32, #tpu.memory_space<vmem>> -> memref<8xi32, #tpu.memory_space<vmem>>
        %dma_start3A_181 = arith.constant 0 : i32
        %dma_start3A_182 = arith.constant 0 : i32
        %dma_start3A_183 = tpu.memref_slice %arg3[%dma_start3A_181, %dma_start3A_182] : memref<16384x4096xf32, #tpu.memory_space<hbm>> -> memref<16384x4096xf32, #tpu.memory_space<hbm>>
        tpu.enqueue_indirect_dma source(%dma_start3A_183 : memref<16384x4096xf32, #tpu.memory_space<hbm>>) target(%arg16 : memref<8x4096xf32, #tpu.memory_space<vmem>>) offsets(%dma_start3A_180 : memref<8xi32, #tpu.memory_space<vmem>>) semaphore(%arg21 : memref<!tpu.dma_semaphore, #tpu.memory_space<semaphore_mem>>)
      } else {
      }
    }
    %scan3A_69 = arith.constant 16 : i32
    %add3A_70 = arith.constant 240 : i32
    %add3A_71 = arith.addi %mul3A_18, %add3A_70 : i32
    %dma_wait3A_72 = arith.constant 0 : i32
    %dma_wait3A_73 = tpu.memref_slice %arg9[%add3A_71, %dma_wait3A_72] : memref<8192x2048xf32, #tpu.memory_space<hbm>> -> memref<8x2048xf32, #tpu.memory_space<hbm>>
    %dma_wait3A_74 = arith.constant 0 : i32
    %dma_wait3A_75 = tpu.memref_slice %arg9[%add3A_71, %dma_wait3A_74] : memref<8192x2048xf32, #tpu.memory_space<hbm>> -> memref<8x2048xf32, #tpu.memory_space<hbm>>
    tpu.wait_dma2 semaphore(%arg22 : memref<!tpu.dma_semaphore, #tpu.memory_space<semaphore_mem>>) src(%arg17 : memref<8x2048xf32, #tpu.memory_space<vmem>>) dst(%dma_wait3A_75 : memref<8x2048xf32, #tpu.memory_space<hbm>>)
    %add3A_76 = arith.constant 248 : i32
    %add3A_77 = arith.addi %mul3A_18, %add3A_76 : i32
    %dma_wait3A_78 = arith.constant 0 : i32
    %dma_wait3A_79 = tpu.memref_slice %arg9[%add3A_77, %dma_wait3A_78] : memref<8192x2048xf32, #tpu.memory_space<hbm>> -> memref<8x2048xf32, #tpu.memory_space<hbm>>
    %dma_wait3A_80 = arith.constant 0 : i32
    %dma_wait3A_81 = tpu.memref_slice %arg9[%add3A_77, %dma_wait3A_80] : memref<8192x2048xf32, #tpu.memory_space<hbm>> -> memref<8x2048xf32, #tpu.memory_space<hbm>>
    tpu.wait_dma2 semaphore(%arg23 : memref<!tpu.dma_semaphore, #tpu.memory_space<semaphore_mem>>) src(%arg18 : memref<8x2048xf32, #tpu.memory_space<vmem>>) dst(%dma_wait3A_81 : memref<8x2048xf32, #tpu.memory_space<hbm>>)
    %dma_start3A_82 = arith.constant 0 : i32
    %dma_start3A_83 = tpu.memref_slice %arg13[%dma_start3A_82] : memref<256xi32, #tpu.memory_space<vmem>> -> memref<8xi32, #tpu.memory_space<vmem>>
    %dma_start3A_84 = arith.constant 0 : i32
    %dma_start3A_85 = arith.constant 0 : i32
    %dma_start3A_86 = tpu.memref_slice %arg4[%dma_start3A_84, %dma_start3A_85] : memref<16384x4096xf32, #tpu.memory_space<hbm>> -> memref<16384x4096xf32, #tpu.memory_space<hbm>>
    tpu.enqueue_indirect_dma source(%dma_start3A_86 : memref<16384x4096xf32, #tpu.memory_space<hbm>>) target(%arg15 : memref<8x4096xf32, #tpu.memory_space<vmem>>) offsets(%dma_start3A_83 : memref<8xi32, #tpu.memory_space<vmem>>) semaphore(%arg20 : memref<!tpu.dma_semaphore, #tpu.memory_space<semaphore_mem>>)
    %dma_start3A_87 = arith.constant 8 : i32
    %dma_start3A_88 = tpu.memref_slice %arg13[%dma_start3A_87] : memref<256xi32, #tpu.memory_space<vmem>> -> memref<8xi32, #tpu.memory_space<vmem>>
    %dma_start3A_89 = arith.constant 0 : i32
    %dma_start3A_90 = arith.constant 0 : i32
    %dma_start3A_91 = tpu.memref_slice %arg4[%dma_start3A_89, %dma_start3A_90] : memref<16384x4096xf32, #tpu.memory_space<hbm>> -> memref<16384x4096xf32, #tpu.memory_space<hbm>>
    tpu.enqueue_indirect_dma source(%dma_start3A_91 : memref<16384x4096xf32, #tpu.memory_space<hbm>>) target(%arg16 : memref<8x4096xf32, #tpu.memory_space<vmem>>) offsets(%dma_start3A_88 : memref<8xi32, #tpu.memory_space<vmem>>) semaphore(%arg21 : memref<!tpu.dma_semaphore, #tpu.memory_space<semaphore_mem>>)
    %scan3A_92 = arith.constant 0 : i32
    %scan3A_93 = arith.constant 0 : i32
    %scan3A_94 = arith.constant 16 : i32
    %scan3A_95 = arith.addi %scan3A_93, %scan3A_94 : i32
    %scan3A_96 = arith.constant 1 : i32
    scf.for %scan3A_116 = %scan3A_93 to %scan3A_95 step %scan3A_96  : i32 {
      %mul3A_117 = arith.constant 2 : i32
      %mul3A_118 = arith.muli %scan3A_116, %mul3A_117 : i32
      %add3A_119 = arith.constant 0 : i32
      %add3A_120 = arith.addi %mul3A_118, %add3A_119 : i32
      %mul3A_121 = arith.constant 8 : i32
      %mul3A_122 = arith.muli %add3A_120, %mul3A_121 : i32
      %dma_wait3A_123 = tpu.memref_slice %arg13[%mul3A_122] : memref<256xi32, #tpu.memory_space<vmem>> -> memref<8xi32, #tpu.memory_space<vmem>>
      %dma_wait3A_124 = arith.constant 0 : i32
      %dma_wait3A_125 = arith.constant 0 : i32
      %dma_wait3A_126 = tpu.memref_slice %arg4[%dma_wait3A_124, %dma_wait3A_125] : memref<16384x4096xf32, #tpu.memory_space<hbm>> -> memref<16384x4096xf32, #tpu.memory_space<hbm>>
      tpu.wait_indirect_dma semaphore(%arg20 : memref<!tpu.dma_semaphore, #tpu.memory_space<semaphore_mem>>) src(%dma_wait3A_126 : memref<16384x4096xf32, #tpu.memory_space<hbm>>) dst(%arg15 : memref<8x4096xf32, #tpu.memory_space<vmem>>)
      %mul3A_127 = arith.constant 8 : i32
      %mul3A_128 = arith.muli %add3A_120, %mul3A_127 : i32
      %add3A_129 = arith.addi %mul3A_18, %mul3A_128 : i32
      %dma_start3A_130 = arith.constant 0 : i32
      %dma_start3A_131 = tpu.memref_slice %arg10[%add3A_129, %dma_start3A_130] : memref<8192x4096xf32, #tpu.memory_space<hbm>> -> memref<8x4096xf32, #tpu.memory_space<hbm>>
      %dma_start3A_132 = arith.constant 0 : i32
      %dma_start3A_133 = tpu.memref_slice %arg10[%add3A_129, %dma_start3A_132] : memref<8192x4096xf32, #tpu.memory_space<hbm>> -> memref<8x4096xf32, #tpu.memory_space<hbm>>
      tpu.enqueue_dma source(%arg15 : memref<8x4096xf32, #tpu.memory_space<vmem>>) target(%dma_start3A_133 : memref<8x4096xf32, #tpu.memory_space<hbm>>) target_semaphore(%arg22 : memref<!tpu.dma_semaphore, #tpu.memory_space<semaphore_mem>>)
      %add3A_134 = arith.constant 2 : i32
      %add3A_135 = arith.addi %add3A_120, %add3A_134 : i32
      %lt3A = arith.constant 32 : i32
      %lt3A_136 = arith.cmpi slt, %add3A_135, %lt3A : i32
      %convert_element_type3A = arith.extui %lt3A_136 : i1 to i32
      %cond3A = arith.constant 0 : i32
      %cond3A_137 = arith.cmpi ne, %convert_element_type3A, %cond3A : i32
      scf.if %cond3A_137 {
        %mul3A_162 = arith.constant 8 : i32
        %mul3A_163 = arith.muli %add3A_120, %mul3A_162 : i32
        %add3A_164 = arith.addi %mul3A_18, %mul3A_163 : i32
        %dma_wait3A_165 = arith.constant 0 : i32
        %dma_wait3A_166 = tpu.memref_slice %arg10[%add3A_164, %dma_wait3A_165] : memref<8192x4096xf32, #tpu.memory_space<hbm>> -> memref<8x4096xf32, #tpu.memory_space<hbm>>
        %dma_wait3A_167 = arith.constant 0 : i32
        %dma_wait3A_168 = tpu.memref_slice %arg10[%add3A_164, %dma_wait3A_167] : memref<8192x4096xf32, #tpu.memory_space<hbm>> -> memref<8x4096xf32, #tpu.memory_space<hbm>>
        tpu.wait_dma2 semaphore(%arg22 : memref<!tpu.dma_semaphore, #tpu.memory_space<semaphore_mem>>) src(%arg15 : memref<8x4096xf32, #tpu.memory_space<vmem>>) dst(%dma_wait3A_168 : memref<8x4096xf32, #tpu.memory_space<hbm>>)
        %add3A_169 = arith.constant 2 : i32
        %add3A_170 = arith.addi %add3A_120, %add3A_169 : i32
        %mul3A_171 = arith.constant 8 : i32
        %mul3A_172 = arith.muli %add3A_170, %mul3A_171 : i32
        %dma_start3A_173 = tpu.memref_slice %arg13[%mul3A_172] : memref<256xi32, #tpu.memory_space<vmem>> -> memref<8xi32, #tpu.memory_space<vmem>>
        %dma_start3A_174 = arith.constant 0 : i32
        %dma_start3A_175 = arith.constant 0 : i32
        %dma_start3A_176 = tpu.memref_slice %arg4[%dma_start3A_174, %dma_start3A_175] : memref<16384x4096xf32, #tpu.memory_space<hbm>> -> memref<16384x4096xf32, #tpu.memory_space<hbm>>
        tpu.enqueue_indirect_dma source(%dma_start3A_176 : memref<16384x4096xf32, #tpu.memory_space<hbm>>) target(%arg15 : memref<8x4096xf32, #tpu.memory_space<vmem>>) offsets(%dma_start3A_173 : memref<8xi32, #tpu.memory_space<vmem>>) semaphore(%arg20 : memref<!tpu.dma_semaphore, #tpu.memory_space<semaphore_mem>>)
      } else {
      }
      %mul3A_138 = arith.constant 2 : i32
      %mul3A_139 = arith.muli %scan3A_116, %mul3A_138 : i32
      %add3A_140 = arith.constant 1 : i32
      %add3A_141 = arith.addi %mul3A_139, %add3A_140 : i32
      %mul3A_142 = arith.constant 8 : i32
      %mul3A_143 = arith.muli %add3A_141, %mul3A_142 : i32
      %dma_wait3A_144 = tpu.memref_slice %arg13[%mul3A_143] : memref<256xi32, #tpu.memory_space<vmem>> -> memref<8xi32, #tpu.memory_space<vmem>>
      %dma_wait3A_145 = arith.constant 0 : i32
      %dma_wait3A_146 = arith.constant 0 : i32
      %dma_wait3A_147 = tpu.memref_slice %arg4[%dma_wait3A_145, %dma_wait3A_146] : memref<16384x4096xf32, #tpu.memory_space<hbm>> -> memref<16384x4096xf32, #tpu.memory_space<hbm>>
      tpu.wait_indirect_dma semaphore(%arg21 : memref<!tpu.dma_semaphore, #tpu.memory_space<semaphore_mem>>) src(%dma_wait3A_147 : memref<16384x4096xf32, #tpu.memory_space<hbm>>) dst(%arg16 : memref<8x4096xf32, #tpu.memory_space<vmem>>)
      %mul3A_148 = arith.constant 8 : i32
      %mul3A_149 = arith.muli %add3A_141, %mul3A_148 : i32
      %add3A_150 = arith.addi %mul3A_18, %mul3A_149 : i32
      %dma_start3A_151 = arith.constant 0 : i32
      %dma_start3A_152 = tpu.memref_slice %arg10[%add3A_150, %dma_start3A_151] : memref<8192x4096xf32, #tpu.memory_space<hbm>> -> memref<8x4096xf32, #tpu.memory_space<hbm>>
      %dma_start3A_153 = arith.constant 0 : i32
      %dma_start3A_154 = tpu.memref_slice %arg10[%add3A_150, %dma_start3A_153] : memref<8192x4096xf32, #tpu.memory_space<hbm>> -> memref<8x4096xf32, #tpu.memory_space<hbm>>
      tpu.enqueue_dma source(%arg16 : memref<8x4096xf32, #tpu.memory_space<vmem>>) target(%dma_start3A_154 : memref<8x4096xf32, #tpu.memory_space<hbm>>) target_semaphore(%arg23 : memref<!tpu.dma_semaphore, #tpu.memory_space<semaphore_mem>>)
      %add3A_155 = arith.constant 2 : i32
      %add3A_156 = arith.addi %add3A_141, %add3A_155 : i32
      %lt3A_157 = arith.constant 32 : i32
      %lt3A_158 = arith.cmpi slt, %add3A_156, %lt3A_157 : i32
      %convert_element_type3A_159 = arith.extui %lt3A_158 : i1 to i32
      %cond3A_160 = arith.constant 0 : i32
      %cond3A_161 = arith.cmpi ne, %convert_element_type3A_159, %cond3A_160 : i32
      scf.if %cond3A_161 {
        %mul3A_162 = arith.constant 8 : i32
        %mul3A_163 = arith.muli %add3A_141, %mul3A_162 : i32
        %add3A_164 = arith.addi %mul3A_18, %mul3A_163 : i32
        %dma_wait3A_165 = arith.constant 0 : i32
        %dma_wait3A_166 = tpu.memref_slice %arg10[%add3A_164, %dma_wait3A_165] : memref<8192x4096xf32, #tpu.memory_space<hbm>> -> memref<8x4096xf32, #tpu.memory_space<hbm>>
        %dma_wait3A_167 = arith.constant 0 : i32
        %dma_wait3A_168 = tpu.memref_slice %arg10[%add3A_164, %dma_wait3A_167] : memref<8192x4096xf32, #tpu.memory_space<hbm>> -> memref<8x4096xf32, #tpu.memory_space<hbm>>
        tpu.wait_dma2 semaphore(%arg23 : memref<!tpu.dma_semaphore, #tpu.memory_space<semaphore_mem>>) src(%arg16 : memref<8x4096xf32, #tpu.memory_space<vmem>>) dst(%dma_wait3A_168 : memref<8x4096xf32, #tpu.memory_space<hbm>>)
        %add3A_169 = arith.constant 2 : i32
        %add3A_170 = arith.addi %add3A_141, %add3A_169 : i32
        %mul3A_171 = arith.constant 8 : i32
        %mul3A_172 = arith.muli %add3A_170, %mul3A_171 : i32
        %dma_start3A_173 = tpu.memref_slice %arg13[%mul3A_172] : memref<256xi32, #tpu.memory_space<vmem>> -> memref<8xi32, #tpu.memory_space<vmem>>
        %dma_start3A_174 = arith.constant 0 : i32
        %dma_start3A_175 = arith.constant 0 : i32
        %dma_start3A_176 = tpu.memref_slice %arg4[%dma_start3A_174, %dma_start3A_175] : memref<16384x4096xf32, #tpu.memory_space<hbm>> -> memref<16384x4096xf32, #tpu.memory_space<hbm>>
        tpu.enqueue_indirect_dma source(%dma_start3A_176 : memref<16384x4096xf32, #tpu.memory_space<hbm>>) target(%arg16 : memref<8x4096xf32, #tpu.memory_space<vmem>>) offsets(%dma_start3A_173 : memref<8xi32, #tpu.memory_space<vmem>>) semaphore(%arg21 : memref<!tpu.dma_semaphore, #tpu.memory_space<semaphore_mem>>)
      } else {
      }
    }
    %scan3A_97 = arith.constant 16 : i32
    %add3A_98 = arith.constant 240 : i32
    %add3A_99 = arith.addi %mul3A_18, %add3A_98 : i32
    %dma_wait3A_100 = arith.constant 0 : i32
    %dma_wait3A_101 = tpu.memref_slice %arg10[%add3A_99, %dma_wait3A_100] : memref<8192x4096xf32, #tpu.memory_space<hbm>> -> memref<8x4096xf32, #tpu.memory_space<hbm>>
    %dma_wait3A_102 = arith.constant 0 : i32
    %dma_wait3A_103 = tpu.memref_slice %arg10[%add3A_99, %dma_wait3A_102] : memref<8192x4096xf32, #tpu.memory_space<hbm>> -> memref<8x4096xf32, #tpu.memory_space<hbm>>
    tpu.wait_dma2 semaphore(%arg22 : memref<!tpu.dma_semaphore, #tpu.memory_space<semaphore_mem>>) src(%arg15 : memref<8x4096xf32, #tpu.memory_space<vmem>>) dst(%dma_wait3A_103 : memref<8x4096xf32, #tpu.memory_space<hbm>>)
    %add3A_104 = arith.constant 248 : i32
    %add3A_105 = arith.addi %mul3A_18, %add3A_104 : i32
    %dma_wait3A_106 = arith.constant 0 : i32
    %dma_wait3A_107 = tpu.memref_slice %arg10[%add3A_105, %dma_wait3A_106] : memref<8192x4096xf32, #tpu.memory_space<hbm>> -> memref<8x4096xf32, #tpu.memory_space<hbm>>
    %dma_wait3A_108 = arith.constant 0 : i32
    %dma_wait3A_109 = tpu.memref_slice %arg10[%add3A_105, %dma_wait3A_108] : memref<8192x4096xf32, #tpu.memory_space<hbm>> -> memref<8x4096xf32, #tpu.memory_space<hbm>>
    tpu.wait_dma2 semaphore(%arg23 : memref<!tpu.dma_semaphore, #tpu.memory_space<semaphore_mem>>) src(%arg16 : memref<8x4096xf32, #tpu.memory_space<vmem>>) dst(%dma_wait3A_109 : memref<8x4096xf32, #tpu.memory_space<hbm>>)
    %scan3A_110 = arith.constant 0 : i32
    %scan3A_111 = arith.constant 0 : i32
    %scan3A_112 = arith.constant 4 : i32
    %scan3A_113 = arith.addi %scan3A_111, %scan3A_112 : i32
    %scan3A_114 = arith.constant 1 : i32
    scf.for %scan3A_116 = %scan3A_111 to %scan3A_113 step %scan3A_114  : i32 {
      %mul3A_117 = arith.constant 64 : i32
      %mul3A_118 = arith.muli %scan3A_116, %mul3A_117 : i32
      %dma_start3A_119 = tpu.memref_slice %arg13[%mul3A_118] : memref<256xi32, #tpu.memory_space<vmem>> -> memref<64xi32, #tpu.memory_space<vmem>>
      %dma_start3A_120 = arith.constant 0 : i32
      %dma_start3A_121 = arith.constant 0 : i32
      %dma_start3A_122 = tpu.memref_slice %arg5[%dma_start3A_120, %dma_start3A_121] : memref<16384x256xf32, #tpu.memory_space<hbm>> -> memref<16384x256xf32, #tpu.memory_space<hbm>>
      tpu.enqueue_indirect_dma source(%dma_start3A_122 : memref<16384x256xf32, #tpu.memory_space<hbm>>) target(%arg19 : memref<64x256xf32, #tpu.memory_space<vmem>>) offsets(%dma_start3A_119 : memref<64xi32, #tpu.memory_space<vmem>>) semaphore(%arg24 : memref<!tpu.dma_semaphore, #tpu.memory_space<semaphore_mem>>)
      %dma_wait3A_123 = tpu.memref_slice %arg13[%mul3A_118] : memref<256xi32, #tpu.memory_space<vmem>> -> memref<64xi32, #tpu.memory_space<vmem>>
      %dma_wait3A_124 = arith.constant 0 : i32
      %dma_wait3A_125 = arith.constant 0 : i32
      %dma_wait3A_126 = tpu.memref_slice %arg5[%dma_wait3A_124, %dma_wait3A_125] : memref<16384x256xf32, #tpu.memory_space<hbm>> -> memref<16384x256xf32, #tpu.memory_space<hbm>>
      tpu.wait_indirect_dma semaphore(%arg24 : memref<!tpu.dma_semaphore, #tpu.memory_space<semaphore_mem>>) src(%dma_wait3A_126 : memref<16384x256xf32, #tpu.memory_space<hbm>>) dst(%arg19 : memref<64x256xf32, #tpu.memory_space<vmem>>)
      %parallel_loop3A = arith.constant 0 : i32
      %parallel_loop3A_127 = arith.constant 64 : i32
      %parallel_loop3A_128 = arith.constant 1 : i32
      scf.for %parallel_loop3A_130 = %parallel_loop3A to %parallel_loop3A_127 step %parallel_loop3A_128  : i32 {
        %parallel_loop3A_131 = arith.addi %mul3A_118, %parallel_loop3A_130 : i32
        %parallel_loop3A_132 = vector.broadcast %parallel_loop3A_131 : i32 to vector<16xi32>
        %parallel_loop3A_133 = tpu.vector_load_idx %arg14[%parallel_loop3A_132] : memref<256xf32, #tpu.memory_space<vmem>>[vector<16xi32>], vector<16xf32>,
        %parallel_loop3A_134 = arith.index_cast %parallel_loop3A_130 : i32 to index
        %parallel_loop3A_135 = arith.constant 0 : index
        %parallel_loop3A_136 = tpu.vector_load %arg19[%parallel_loop3A_134, %parallel_loop3A_135] {strides = array<i32>} : memref<64x256xf32, #tpu.memory_space<vmem>>, vector<16xf32>,
        %parallel_loop3A_137 = arith.mulf %parallel_loop3A_136, %parallel_loop3A_133 : vector<16xf32>
        %parallel_loop3A_138 = arith.index_cast %parallel_loop3A_130 : i32 to index
        %parallel_loop3A_139 = arith.constant 0 : index
        %parallel_loop3A_140 = tpu.vector_load %arg19[%parallel_loop3A_138, %parallel_loop3A_139] {strides = array<i32>} : memref<64x256xf32, #tpu.memory_space<vmem>>, vector<16xf32>,
        tpu.vector_store %arg19[%parallel_loop3A_138, %parallel_loop3A_139], %parallel_loop3A_137 {strides = array<i32>} : memref<64x256xf32, #tpu.memory_space<vmem>>, vector<16xf32>,
        %parallel_loop3A_141 = arith.index_cast %parallel_loop3A_130 : i32 to index
        %parallel_loop3A_142 = arith.constant 16 : index
        %parallel_loop3A_143 = tpu.vector_load %arg19[%parallel_loop3A_141, %parallel_loop3A_142] {strides = array<i32>} : memref<64x256xf32, #tpu.memory_space<vmem>>, vector<16xf32>,
        %parallel_loop3A_144 = arith.mulf %parallel_loop3A_143, %parallel_loop3A_133 : vector<16xf32>
        %parallel_loop3A_145 = arith.index_cast %parallel_loop3A_130 : i32 to index
        %parallel_loop3A_146 = arith.constant 16 : index
        %parallel_loop3A_147 = tpu.vector_load %arg19[%parallel_loop3A_145, %parallel_loop3A_146] {strides = array<i32>} : memref<64x256xf32, #tpu.memory_space<vmem>>, vector<16xf32>,
        tpu.vector_store %arg19[%parallel_loop3A_145, %parallel_loop3A_146], %parallel_loop3A_144 {strides = array<i32>} : memref<64x256xf32, #tpu.memory_space<vmem>>, vector<16xf32>,
        %parallel_loop3A_148 = arith.index_cast %parallel_loop3A_130 : i32 to index
        %parallel_loop3A_149 = arith.constant 32 : index
        %parallel_loop3A_150 = tpu.vector_load %arg19[%parallel_loop3A_148, %parallel_loop3A_149] {strides = array<i32>} : memref<64x256xf32, #tpu.memory_space<vmem>>, vector<16xf32>,
        %parallel_loop3A_151 = arith.mulf %parallel_loop3A_150, %parallel_loop3A_133 : vector<16xf32>
        %parallel_loop3A_152 = arith.index_cast %parallel_loop3A_130 : i32 to index
        %parallel_loop3A_153 = arith.constant 32 : index
        %parallel_loop3A_154 = tpu.vector_load %arg19[%parallel_loop3A_152, %parallel_loop3A_153] {strides = array<i32>} : memref<64x256xf32, #tpu.memory_space<vmem>>, vector<16xf32>,
        tpu.vector_store %arg19[%parallel_loop3A_152, %parallel_loop3A_153], %parallel_loop3A_151 {strides = array<i32>} : memref<64x256xf32, #tpu.memory_space<vmem>>, vector<16xf32>,
        %parallel_loop3A_155 = arith.index_cast %parallel_loop3A_130 : i32 to index
        %parallel_loop3A_156 = arith.constant 48 : index
        %parallel_loop3A_157 = tpu.vector_load %arg19[%parallel_loop3A_155, %parallel_loop3A_156] {strides = array<i32>} : memref<64x256xf32, #tpu.memory_space<vmem>>, vector<16xf32>,
        %parallel_loop3A_158 = arith.mulf %parallel_loop3A_157, %parallel_loop3A_133 : vector<16xf32>
        %parallel_loop3A_159 = arith.index_cast %parallel_loop3A_130 : i32 to index
        %parallel_loop3A_160 = arith.constant 48 : index
        %parallel_loop3A_161 = tpu.vector_load %arg19[%parallel_loop3A_159, %parallel_loop3A_160] {strides = array<i32>} : memref<64x256xf32, #tpu.memory_space<vmem>>, vector<16xf32>,
        tpu.vector_store %arg19[%parallel_loop3A_159, %parallel_loop3A_160], %parallel_loop3A_158 {strides = array<i32>} : memref<64x256xf32, #tpu.memory_space<vmem>>, vector<16xf32>,
        %parallel_loop3A_162 = arith.index_cast %parallel_loop3A_130 : i32 to index
        %parallel_loop3A_163 = arith.constant 64 : index
        %parallel_loop3A_164 = tpu.vector_load %arg19[%parallel_loop3A_162, %parallel_loop3A_163] {strides = array<i32>} : memref<64x256xf32, #tpu.memory_space<vmem>>, vector<16xf32>,
        %parallel_loop3A_165 = arith.mulf %parallel_loop3A_164, %parallel_loop3A_133 : vector<16xf32>
        %parallel_loop3A_166 = arith.index_cast %parallel_loop3A_130 : i32 to index
        %parallel_loop3A_167 = arith.constant 64 : index
        %parallel_loop3A_168 = tpu.vector_load %arg19[%parallel_loop3A_166, %parallel_loop3A_167] {strides = array<i32>} : memref<64x256xf32, #tpu.memory_space<vmem>>, vector<16xf32>,
        tpu.vector_store %arg19[%parallel_loop3A_166, %parallel_loop3A_167], %parallel_loop3A_165 {strides = array<i32>} : memref<64x256xf32, #tpu.memory_space<vmem>>, vector<16xf32>,
        %parallel_loop3A_169 = arith.index_cast %parallel_loop3A_130 : i32 to index
        %parallel_loop3A_170 = arith.constant 80 : index
        %parallel_loop3A_171 = tpu.vector_load %arg19[%parallel_loop3A_169, %parallel_loop3A_170] {strides = array<i32>} : memref<64x256xf32, #tpu.memory_space<vmem>>, vector<16xf32>,
        %parallel_loop3A_172 = arith.mulf %parallel_loop3A_171, %parallel_loop3A_133 : vector<16xf32>
        %parallel_loop3A_173 = arith.index_cast %parallel_loop3A_130 : i32 to index
        %parallel_loop3A_174 = arith.constant 80 : index
        %parallel_loop3A_175 = tpu.vector_load %arg19[%parallel_loop3A_173, %parallel_loop3A_174] {strides = array<i32>} : memref<64x256xf32, #tpu.memory_space<vmem>>, vector<16xf32>,
        tpu.vector_store %arg19[%parallel_loop3A_173, %parallel_loop3A_174], %parallel_loop3A_172 {strides = array<i32>} : memref<64x256xf32, #tpu.memory_space<vmem>>, vector<16xf32>,
        %parallel_loop3A_176 = arith.index_cast %parallel_loop3A_130 : i32 to index
        %parallel_loop3A_177 = arith.constant 96 : index
        %parallel_loop3A_178 = tpu.vector_load %arg19[%parallel_loop3A_176, %parallel_loop3A_177] {strides = array<i32>} : memref<64x256xf32, #tpu.memory_space<vmem>>, vector<16xf32>,
        %parallel_loop3A_179 = arith.mulf %parallel_loop3A_178, %parallel_loop3A_133 : vector<16xf32>
        %parallel_loop3A_180 = arith.index_cast %parallel_loop3A_130 : i32 to index
        %parallel_loop3A_181 = arith.constant 96 : index
        %parallel_loop3A_182 = tpu.vector_load %arg19[%parallel_loop3A_180, %parallel_loop3A_181] {strides = array<i32>} : memref<64x256xf32, #tpu.memory_space<vmem>>, vector<16xf32>,
        tpu.vector_store %arg19[%parallel_loop3A_180, %parallel_loop3A_181], %parallel_loop3A_179 {strides = array<i32>} : memref<64x256xf32, #tpu.memory_space<vmem>>, vector<16xf32>,
        %parallel_loop3A_183 = arith.index_cast %parallel_loop3A_130 : i32 to index
        %parallel_loop3A_184 = arith.constant 112 : index
        %parallel_loop3A_185 = tpu.vector_load %arg19[%parallel_loop3A_183, %parallel_loop3A_184] {strides = array<i32>} : memref<64x256xf32, #tpu.memory_space<vmem>>, vector<16xf32>,
        %parallel_loop3A_186 = arith.mulf %parallel_loop3A_185, %parallel_loop3A_133 : vector<16xf32>
        %parallel_loop3A_187 = arith.index_cast %parallel_loop3A_130 : i32 to index
        %parallel_loop3A_188 = arith.constant 112 : index
        %parallel_loop3A_189 = tpu.vector_load %arg19[%parallel_loop3A_187, %parallel_loop3A_188] {strides = array<i32>} : memref<64x256xf32, #tpu.memory_space<vmem>>, vector<16xf32>,
        tpu.vector_store %arg19[%parallel_loop3A_187, %parallel_loop3A_188], %parallel_loop3A_186 {strides = array<i32>} : memref<64x256xf32, #tpu.memory_space<vmem>>, vector<16xf32>,
        %parallel_loop3A_190 = arith.index_cast %parallel_loop3A_130 : i32 to index
        %parallel_loop3A_191 = arith.constant 128 : index
        %parallel_loop3A_192 = tpu.vector_load %arg19[%parallel_loop3A_190, %parallel_loop3A_191] {strides = array<i32>} : memref<64x256xf32, #tpu.memory_space<vmem>>, vector<16xf32>,
        %parallel_loop3A_193 = arith.mulf %parallel_loop3A_192, %parallel_loop3A_133 : vector<16xf32>
        %parallel_loop3A_194 = arith.index_cast %parallel_loop3A_130 : i32 to index
        %parallel_loop3A_195 = arith.constant 128 : index
        %parallel_loop3A_196 = tpu.vector_load %arg19[%parallel_loop3A_194, %parallel_loop3A_195] {strides = array<i32>} : memref<64x256xf32, #tpu.memory_space<vmem>>, vector<16xf32>,
        tpu.vector_store %arg19[%parallel_loop3A_194, %parallel_loop3A_195], %parallel_loop3A_193 {strides = array<i32>} : memref<64x256xf32, #tpu.memory_space<vmem>>, vector<16xf32>,
        %parallel_loop3A_197 = arith.index_cast %parallel_loop3A_130 : i32 to index
        %parallel_loop3A_198 = arith.constant 144 : index
        %parallel_loop3A_199 = tpu.vector_load %arg19[%parallel_loop3A_197, %parallel_loop3A_198] {strides = array<i32>} : memref<64x256xf32, #tpu.memory_space<vmem>>, vector<16xf32>,
        %parallel_loop3A_200 = arith.mulf %parallel_loop3A_199, %parallel_loop3A_133 : vector<16xf32>
        %parallel_loop3A_201 = arith.index_cast %parallel_loop3A_130 : i32 to index
        %parallel_loop3A_202 = arith.constant 144 : index
        %parallel_loop3A_203 = tpu.vector_load %arg19[%parallel_loop3A_201, %parallel_loop3A_202] {strides = array<i32>} : memref<64x256xf32, #tpu.memory_space<vmem>>, vector<16xf32>,
        tpu.vector_store %arg19[%parallel_loop3A_201, %parallel_loop3A_202], %parallel_loop3A_200 {strides = array<i32>} : memref<64x256xf32, #tpu.memory_space<vmem>>, vector<16xf32>,
        %parallel_loop3A_204 = arith.index_cast %parallel_loop3A_130 : i32 to index
        %parallel_loop3A_205 = arith.constant 160 : index
        %parallel_loop3A_206 = tpu.vector_load %arg19[%parallel_loop3A_204, %parallel_loop3A_205] {strides = array<i32>} : memref<64x256xf32, #tpu.memory_space<vmem>>, vector<16xf32>,
        %parallel_loop3A_207 = arith.mulf %parallel_loop3A_206, %parallel_loop3A_133 : vector<16xf32>
        %parallel_loop3A_208 = arith.index_cast %parallel_loop3A_130 : i32 to index
        %parallel_loop3A_209 = arith.constant 160 : index
        %parallel_loop3A_210 = tpu.vector_load %arg19[%parallel_loop3A_208, %parallel_loop3A_209] {strides = array<i32>} : memref<64x256xf32, #tpu.memory_space<vmem>>, vector<16xf32>,
        tpu.vector_store %arg19[%parallel_loop3A_208, %parallel_loop3A_209], %parallel_loop3A_207 {strides = array<i32>} : memref<64x256xf32, #tpu.memory_space<vmem>>, vector<16xf32>,
        %parallel_loop3A_211 = arith.index_cast %parallel_loop3A_130 : i32 to index
        %parallel_loop3A_212 = arith.constant 176 : index
        %parallel_loop3A_213 = tpu.vector_load %arg19[%parallel_loop3A_211, %parallel_loop3A_212] {strides = array<i32>} : memref<64x256xf32, #tpu.memory_space<vmem>>, vector<16xf32>,
        %parallel_loop3A_214 = arith.mulf %parallel_loop3A_213, %parallel_loop3A_133 : vector<16xf32>
        %parallel_loop3A_215 = arith.index_cast %parallel_loop3A_130 : i32 to index
        %parallel_loop3A_216 = arith.constant 176 : index
        %parallel_loop3A_217 = tpu.vector_load %arg19[%parallel_loop3A_215, %parallel_loop3A_216] {strides = array<i32>} : memref<64x256xf32, #tpu.memory_space<vmem>>, vector<16xf32>,
        tpu.vector_store %arg19[%parallel_loop3A_215, %parallel_loop3A_216], %parallel_loop3A_214 {strides = array<i32>} : memref<64x256xf32, #tpu.memory_space<vmem>>, vector<16xf32>,
        %parallel_loop3A_218 = arith.index_cast %parallel_loop3A_130 : i32 to index
        %parallel_loop3A_219 = arith.constant 192 : index
        %parallel_loop3A_220 = tpu.vector_load %arg19[%parallel_loop3A_218, %parallel_loop3A_219] {strides = array<i32>} : memref<64x256xf32, #tpu.memory_space<vmem>>, vector<16xf32>,
        %parallel_loop3A_221 = arith.mulf %parallel_loop3A_220, %parallel_loop3A_133 : vector<16xf32>
        %parallel_loop3A_222 = arith.index_cast %parallel_loop3A_130 : i32 to index
        %parallel_loop3A_223 = arith.constant 192 : index
        %parallel_loop3A_224 = tpu.vector_load %arg19[%parallel_loop3A_222, %parallel_loop3A_223] {strides = array<i32>} : memref<64x256xf32, #tpu.memory_space<vmem>>, vector<16xf32>,
        tpu.vector_store %arg19[%parallel_loop3A_222, %parallel_loop3A_223], %parallel_loop3A_221 {strides = array<i32>} : memref<64x256xf32, #tpu.memory_space<vmem>>, vector<16xf32>,
        %parallel_loop3A_225 = arith.index_cast %parallel_loop3A_130 : i32 to index
        %parallel_loop3A_226 = arith.constant 208 : index
        %parallel_loop3A_227 = tpu.vector_load %arg19[%parallel_loop3A_225, %parallel_loop3A_226] {strides = array<i32>} : memref<64x256xf32, #tpu.memory_space<vmem>>, vector<16xf32>,
        %parallel_loop3A_228 = arith.mulf %parallel_loop3A_227, %parallel_loop3A_133 : vector<16xf32>
        %parallel_loop3A_229 = arith.index_cast %parallel_loop3A_130 : i32 to index
        %parallel_loop3A_230 = arith.constant 208 : index
        %parallel_loop3A_231 = tpu.vector_load %arg19[%parallel_loop3A_229, %parallel_loop3A_230] {strides = array<i32>} : memref<64x256xf32, #tpu.memory_space<vmem>>, vector<16xf32>,
        tpu.vector_store %arg19[%parallel_loop3A_229, %parallel_loop3A_230], %parallel_loop3A_228 {strides = array<i32>} : memref<64x256xf32, #tpu.memory_space<vmem>>, vector<16xf32>,
        %parallel_loop3A_232 = arith.index_cast %parallel_loop3A_130 : i32 to index
        %parallel_loop3A_233 = arith.constant 224 : index
        %parallel_loop3A_234 = tpu.vector_load %arg19[%parallel_loop3A_232, %parallel_loop3A_233] {strides = array<i32>} : memref<64x256xf32, #tpu.memory_space<vmem>>, vector<16xf32>,
        %parallel_loop3A_235 = arith.mulf %parallel_loop3A_234, %parallel_loop3A_133 : vector<16xf32>
        %parallel_loop3A_236 = arith.index_cast %parallel_loop3A_130 : i32 to index
        %parallel_loop3A_237 = arith.constant 224 : index
        %parallel_loop3A_238 = tpu.vector_load %arg19[%parallel_loop3A_236, %parallel_loop3A_237] {strides = array<i32>} : memref<64x256xf32, #tpu.memory_space<vmem>>, vector<16xf32>,
        tpu.vector_store %arg19[%parallel_loop3A_236, %parallel_loop3A_237], %parallel_loop3A_235 {strides = array<i32>} : memref<64x256xf32, #tpu.memory_space<vmem>>, vector<16xf32>,
        %parallel_loop3A_239 = arith.index_cast %parallel_loop3A_130 : i32 to index
        %parallel_loop3A_240 = arith.constant 240 : index
        %parallel_loop3A_241 = tpu.vector_load %arg19[%parallel_loop3A_239, %parallel_loop3A_240] {strides = array<i32>} : memref<64x256xf32, #tpu.memory_space<vmem>>, vector<16xf32>,
        %parallel_loop3A_242 = arith.mulf %parallel_loop3A_241, %parallel_loop3A_133 : vector<16xf32>
        %parallel_loop3A_243 = arith.index_cast %parallel_loop3A_130 : i32 to index
        %parallel_loop3A_244 = arith.constant 240 : index
        %parallel_loop3A_245 = tpu.vector_load %arg19[%parallel_loop3A_243, %parallel_loop3A_244] {strides = array<i32>} : memref<64x256xf32, #tpu.memory_space<vmem>>, vector<16xf32>,
        tpu.vector_store %arg19[%parallel_loop3A_243, %parallel_loop3A_244], %parallel_loop3A_242 {strides = array<i32>} : memref<64x256xf32, #tpu.memory_space<vmem>>, vector<16xf32>,
      } {sc.loop_unroll_factor = 2 : i64, sc.parallel_access}
      %add3A_129 = arith.addi %mul3A_18, %mul3A_118 : i32
      "tpu.region"() ({
        %run_scoped3A = tpu.sem_alloc : memref<!tpu.dma_semaphore, #tpu.memory_space<semaphore_mem>>
        %dma_start3A_130 = arith.constant 0 : i32
        %dma_start3A_131 = tpu.memref_slice %arg11[%add3A_129, %dma_start3A_130] : memref<8192x256xf32, #tpu.memory_space<hbm>> -> memref<64x256xf32, #tpu.memory_space<hbm>>
        %dma_start3A_132 = arith.constant 0 : i32
        %dma_start3A_133 = tpu.memref_slice %arg11[%add3A_129, %dma_start3A_132] : memref<8192x256xf32, #tpu.memory_space<hbm>> -> memref<64x256xf32, #tpu.memory_space<hbm>>
        tpu.enqueue_dma source(%arg19 : memref<64x256xf32, #tpu.memory_space<vmem>>) target(%dma_start3A_133 : memref<64x256xf32, #tpu.memory_space<hbm>>) target_semaphore(%run_scoped3A : memref<!tpu.dma_semaphore, #tpu.memory_space<semaphore_mem>>)
        %dma_wait3A_134 = arith.constant 0 : i32
        %dma_wait3A_135 = tpu.memref_slice %arg11[%add3A_129, %dma_wait3A_134] : memref<8192x256xf32, #tpu.memory_space<hbm>> -> memref<64x256xf32, #tpu.memory_space<hbm>>
        %dma_wait3A_136 = arith.constant 0 : i32
        %dma_wait3A_137 = tpu.memref_slice %arg11[%add3A_129, %dma_wait3A_136] : memref<8192x256xf32, #tpu.memory_space<hbm>> -> memref<64x256xf32, #tpu.memory_space<hbm>>
        tpu.wait_dma2 semaphore(%run_scoped3A : memref<!tpu.dma_semaphore, #tpu.memory_space<semaphore_mem>>) src(%arg19 : memref<64x256xf32, #tpu.memory_space<vmem>>) dst(%dma_wait3A_137 : memref<64x256xf32, #tpu.memory_space<hbm>>)
        tpu.yield
      }) : () -> ()
    }
    %scan3A_115 = arith.constant 4 : i32
    return
  }
}

</mosaic_0001>

<sc_bundles>
// kernel: kernel.3.cloned.1.call-start
scs
__scs_entry_jumppad:
0x0: {  	(pc) =	sbr.rel $0x88, $3  }
0x1: {  	(tag) =	ssettag $0x0;
	lr =	simm.s32 $0x1  }
0x2: {  	[smem:$0x3F9C] =	sst lr;
	_ =	strace $0xD0000000  }
0x3: {  	_ = 	snop  }
0x4: {  	_ = 	snop  }
0x5: {  	_ = 	snop  }
0x6: {  	_ = 	snop  }
0x7: {  	_ = 	snop  }
__scs_overlays_trampoline_lowered:
0x8: {  	[smem:$0x3FAB] =	sst s0  }
0x9: {  	[smem:$0x3FAC] =	sst s1  }
0xa: {  	[smem:$0x3FAD] =	sst s2  }
0xb: {  	[smem:$0x3FAE] =	sst s3  }
0xc: {  	[smem:$0x3FAF] =	sst s4  }
0xd: {  	[smem:$0x3FB0] =	sst s5  }
0xe: {  	[smem:$0x3FB1] =	sst s6  }
0xf: {  	[smem:$0x3FB2] =	sst s7  }
0x10: {  	[smem:$0x3FB3] =	sst s8  }
0x11: {  	[smem:$0x3FB4] =	sst s9;
	s0 =	simm.s32 @!p0 $0x0  }
0x12: {  	s1 =	sld [smem:$0x3F9A];
	s0 =	simm.s32 @p0 $0x1  }
0x13: {  	[smem:$0x3FB5] =	sst s0;
	s0 =	simm.s32 @!p1 $0x0  }
0x14: {  	s2 =	sld [smem:$0x3F99];
	s0 =	simm.s32 @p1 $0x1  }
0x15: {  	[smem:$0x3FB6] =	sst s0;
	s0 =	simm.s32 @!p2 $0x0  }
0x16: {  	s3 =	sld [smem:$0x3FDB];
	s0 =	simm.s32 @p2 $0x1  }
0x17: {  	s4 =	simm.s32 $0x1BF5;
	[smem:$0x3FB8] =	sst s0  }
0x18: {  	s0 =	sld [smem:$0x3F9B];
	_ =	swait.ge [sflag:s4], $0x0  }
0x19: {  	s7 =	sld [smem:$0x3F9C]  }
0x1a: {  	s8 =	sadd.s32 $0xFFFFE003, lr  }
0x1b: {  	s9 =	sadd.s32 $0xFFFFFEF7, lr;
	s5 =	simm.s32 $0xFFFFFFFF;
	p2 =	slt.u32 s8, $0xFFFFF086  }
0x1c: {  	p1 =	slt.u32 s9, $0xF7A;
	s5 =	simm.s32 @!p2 $0x0  }
0x1d: {  	s5 =	simm.s32 @p1 $0x1;
	p0 =	seq.s32 s7, s2  }
0x1e: {  	s7 =	smul.u32 @!p0 $0xF7A, s2;
	p2 =	seq.s32 @!p0 s5, $0x0  }
0x1f: {  	s9 =	smul.u32 $0xF7A, s1;
	s8 =	simm.s32 @!p0 $0x1BF5;
	p2 =	por !p2, p0  }
0x20: {  	[sflag:s8] =	ssyncset.s32 @!p0 $0xFFFFF086;
	s6 =	sadd.s32 @!p0 s3, s7;
	s7 =	simm.s32 @!p0 $0x108  }
0x21: {  	s3 =	sadd.s32 s3, s9;
	s6 =	sadd.s32 @!p0 $0x88, s6;
	s7 =	simm.s32 @p2 $0x1082  }
0x22: {  	[simem:s7], [sflag:s8] =	dma.local @!p0 [hbm:s6], $0xF7A  }
0x23: {  	s9 =	sor.u32 $0xD0000000, s2;
	s6 =	simm.s32 $0x108;
	_ =	swait.ge @!p0 [sflag:s8], $0x0  }
0x24: {  	s3 =	sadd.s32 $0x88, s3;
	s6 =	simm.s32 @!p1 $0x1082;
	[sflag:s4] =	ssyncset.s32 $0xFFFFF086  }
0x25: {  	[simem:s6], [sflag:s4] =	dma.local [hbm:s3], $0xF7A  }
0x26: {  	[smem:$0x3F9C] =	sst s1;
	(tag) =	ssettag s2;
	_ =	strace s9  }
0x27: {  	s1 =	sld [smem:$0x3FAC]  }
0x28: {  	s2 =	sld [smem:$0x3FAD]  }
0x29: {  	s4 =	sld [smem:$0x3FAF]  }
0x2a: {  	p0 =	seq.s32 s5, $0x0;
	s5 =	sld [smem:$0x3FB0]  }
0x2b: {  	s6 =	sld [smem:$0x3FB1]  }
0x2c: {  	s7 =	sld [smem:$0x3FB2]  }
0x2d: {  	s3 =	simm.s32 $0x108;
	s8 =	sld [smem:$0x3FB3]  }
0x2e: {  	s3 =	simm.s32 @!p0 $0x1082;
	s9 =	sld [smem:$0x3FB4]  }
0x2f: {  	lr =	sadd.s32 s0, s3;
	s0 =	sld [smem:$0x3FAB]  }
0x30: {  	s3 =	sld [smem:$0x3FAE]  }
0x31: {  	[smem:$0x3FB7] =	sst s10  }
0x32: {  	s10 =	sld [smem:$0x3FB5];
	_ =	sdelay $0x3  }
0x33: {  	p0 =	seq.s32 s10, $0x1;
	s10 =	sld [smem:$0x3FB7];
	_ =	sdelay $0x3  }
0x34: {  	[smem:$0x3FB7] =	sst s10  }
0x35: {  	s10 =	sld [smem:$0x3FB6];
	_ =	sdelay $0x3  }
0x36: {  	p1 =	seq.s32 s10, $0x1;
	s10 =	sld [smem:$0x3FB7];
	_ =	sdelay $0x3  }
0x37: {  	[smem:$0x3FB7] =	sst s10  }
0x38: {  	s10 =	sld [smem:$0x3FB8]  }
0x39: {  	_ = 	snop;
	(pc) =	sbr.ind lr, $3  }
0x3a: {  	_ = 	snop  }
0x3b: {  	_ = 	snop  }
0x3c: {  	p2 =	seq.s32 s10, $0x1;
	s10 =	sld [smem:$0x3FB7]  }
0x3d: {  	_ =	shalt  }
0x3e: {  	_ =	shalt  }
0x3f: {  	_ =	shalt  }
0x40: {  	_ =	shalt  }
0x41: {  	_ =	shalt  }
0x42: {  	_ =	shalt  }
0x43: {  	_ =	shalt  }
0x44: {  	_ =	shalt  }
0x45: {  	_ =	shalt  }
0x46: {  	_ =	shalt  }
0x47: {  	_ =	shalt  }
0x48: {  	_ =	shalt  }
0x49: {  	_ =	shalt  }
0x4a: {  	_ =	shalt  }
0x4b: {  	_ =	shalt  }
0x4c: {  	_ =	shalt  }
0x4d: {  	_ =	shalt  }
0x4e: {  	_ =	shalt  }
0x4f: {  	_ =	shalt  }
0x50: {  	_ =	shalt  }
0x51: {  	_ =	shalt  }
0x52: {  	_ =	shalt  }
0x53: {  	_ =	shalt  }
0x54: {  	_ =	shalt  }
0x55: {  	_ =	shalt  }
0x56: {  	_ =	shalt  }
0x57: {  	_ =	shalt  }
0x58: {  	_ =	shalt  }
0x59: {  	_ =	shalt  }
0x5a: {  	_ =	shalt  }
0x5b: {  	_ =	shalt  }
0x5c: {  	_ =	shalt  }
0x5d: {  	_ =	shalt  }
0x5e: {  	_ =	shalt  }
0x5f: {  	_ =	shalt  }
0x60: {  	_ =	shalt  }
0x61: {  	_ =	shalt  }
0x62: {  	_ =	shalt  }
0x63: {  	_ =	shalt  }
0x64: {  	_ =	shalt  }
0x65: {  	_ =	shalt  }
0x66: {  	_ =	shalt  }
0x67: {  	_ =	shalt  }
0x68: {  	_ =	shalt  }
0x69: {  	_ =	shalt  }
0x6a: {  	_ =	shalt  }
0x6b: {  	_ =	shalt  }
0x6c: {  	_ =	shalt  }
0x6d: {  	_ =	shalt  }
0x6e: {  	_ =	shalt  }
0x6f: {  	_ =	shalt  }
0x70: {  	_ =	shalt  }
0x71: {  	_ =	shalt  }
0x72: {  	_ =	shalt  }
0x73: {  	_ =	shalt  }
0x74: {  	_ =	shalt  }
0x75: {  	_ =	shalt  }
0x76: {  	_ =	shalt  }
0x77: {  	_ =	shalt  }
0x78: {  	_ =	shalt  }
0x79: {  	_ =	shalt  }
0x7a: {  	_ =	shalt  }
0x7b: {  	_ =	shalt  }
0x7c: {  	_ =	shalt  }
0x7d: {  	_ =	shalt  }
0x7e: {  	_ =	shalt  }
0x7f: {  	_ =	shalt  }
0x80: {  	_ =	shalt  }
0x81: {  	_ =	shalt  }
0x82: {  	_ =	shalt  }
0x83: {  	_ =	shalt  }
0x84: {  	_ =	shalt  }
0x85: {  	_ =	shalt  }
0x86: {  	_ =	shalt  }
0x87: {  	_ =	shalt  }
.Lfunc_end0:
.L_simem_size_0:
called_computation_lowered:
.L_overlay_start_0:
0x88: {  	s2 =	sld [smem:$0x3FD9]  }
0x89: {  	s3 =	sld [smem:$0x3FFE];
	_ =	sdelay $0x1  }
0x8a: {  	s1 =	srdreg.scid  }
0x8b: {  	s0 =	sand.u32 $0x1, s1  }
0x8c: {  	s14 =	sshll.u32 s0, $0xA;
	s2 =	sadd.s32 s3, s2  }
0x8d: {  	s2 =	sadd.s32 s2, s14  }
0x8e: {  	[smem:$0x3FC3] =	sst s2  }
0x8f: {  	_ = 	snop  }
0x90: {  	s2 =	sld [smem:$0x3FC9]  }
0x91: {  	s15 =	sld [smem:$0x3FD0]  }
0x92: {  	s4 =	sld [smem:$0x3FC8]  }
0x93: {  	s5 =	sld [smem:$0x3FC7]  }
0x94: {  	s7 =	simm.s32 $0xA;
	s8 =	simm.s32 $0x10;
	s6 =	sld [smem:$0x3FC6]  }
0x95: {  	[smem:s8], [sflag:s7] =	dma.local [hbm:s15], $0x1  }
0x96: {  	_ =	swait.eq [sflag:s7], $0x1  }
0x97: {  	s16 =	sld [smem:$0x10]  }
0x98: {  	s17 =	sld [smem:$0x11];
	[sflag:s7] =	ssyncset.done $0x0  }
0x99: {  	s9 =	sld [smem:$0x12];
	[sflag:s7] =	ssyncadd.s32 $0xFFFFFFFF  }
0x9a: {  	s18 =	sld [smem:$0x13];
	(tm) =	ssettm $0x1  }
0x9b: {  	s10 =	sld [smem:$0x3FFB];
	_ =	sdelay $0x3  }
0x9c: {  	_ =	strace s10  }
0x9d: {  	s10 =	sld [smem:$0x3FFC];
	_ =	sdelay $0x3  }
0x9e: {  	_ =	strace s10  }
0x9f: {  	s10 =	sld [smem:$0x3FFD];
	_ =	sdelay $0x3  }
0xa0: {  	_ =	strace s10  }
0xa1: {  	_ =	strace $0x8FFFFFFF  }
0xa2: {  	s19 =	sld [smem:$0x3FDB];
	_ =	sdelay $0x1  }
0xa3: {  	s11 =	simm.s32 $_scs_section_size  }
0xa4: {  	s12 =	simm.s32 $_size__tile_overlayer_lowered;
	s13 =	simm.s32 $_tile_overlayer_lowered  }
0xa5: {  	s22 =	simm.s32 $0x1BFF;
	s21 =	sshll.u32 s13, $0x1;
	s10 =	sadd.s32 s11, s19  }
0xa6: {  	s20 =	sshll.u32 s12, $0x1;
	s14 =	simm.s32 $0x0;
	s12 =	sadd.s32 s21, s10  }
0xa7: {  	[timem:s14], [sflag:s22] =	dma.local [hbm:s12], s20  }
0xa8: {  	_ =	swait.ge [sflag:s22], s20  }
0xa9: {  	s11 =	ssub.s32 $0x0, s20;
	[sflag:s22] =	ssyncset.done $0x0  }
0xaa: {  	[sflag:s22] =	ssyncadd.s32 s11;
	_ =	sdelay $0x1  }
0xab: {  	s23 =	simm.s32 $0x1B8B  }
0xac: {  	_ =	swait.ge [sflag:s23], $0x1  }
0xad: {  	[sflag:s23] =	ssyncset.done $0x0  }
0xae: {  	s25 =	simm.s32 $0x1B8E;
	s24 =	sld [smem:$0x3FFE];
	[sflag:s23] =	ssyncadd.s32 $0xFFFFFFFF  }
0xaf: {  	s26 =	simm.s32 $execute0_lowered;
	[smem:$0x3FD2] =	sst s25  }
0xb0: {  	s12 =	sshll.u32 s26, $0x1;
	_ =	strace $0x80000046;
	[dreg:$0x1] =	wrdreg $0xFFFFFFFF  }
0xb1: {  	s28 =	simm.s32 $_size_execute0_lowered;
	s10 =	sadd.s32 s10, s12;
	[dreg:$0x0] =	wrdreg $0x0  }
0xb2: {  	s12 =	sshll.u32 s28, $0x1;
	[dreg:$0x2] =	wrdreg s10  }
0xb3: {  	[dreg:$0x3] =	wrdreg s12  }
0xb4: {  	[dreg:$0x4] =	wrdreg $0xC0  }
0xb5: {  	_ =	task [dreg:s14], $0x5FFFF  }
0xb6: {  	[dreg:$0x1] =	wrdreg $0xFFFFFFFF  }
0xb7: {  	[dreg:$0x0] =	wrdreg $0x60  }
0xb8: {  	[dreg:$0x2] =	wrdreg s2  }
0xb9: {  	[dreg:$0x3] =	wrdreg s4  }
0xba: {  	[dreg:$0x4] =	wrdreg s5  }
0xbb: {  	[dreg:$0x5] =	wrdreg s6  }
0xbc: {  	[dreg:$0x6] =	wrdreg s24  }
0xbd: {  	[dreg:$0x7] =	wrdreg s16  }
0xbe: {  	[dreg:$0x8] =	wrdreg s17  }
0xbf: {  	[dreg:$0x9] =	wrdreg s9  }
0xc0: {  	[dreg:$0xa] =	wrdreg s18  }
0xc1: {  	[dreg:$0xb] =	wrdreg $0x9  }
0xc2: {  	_ =	task.clear_ibuf [dreg:s14], $0xCFFFF;
	_ =	strace $0x90000046  }
0xc3: {  	s29 =	simm.s32 $0x9;
	_ =	strace $0x80000048  }
0xc4: {  	_ =	swait.ge [sflag:s29], $0x1  }
0xc5: {  	[sflag:s29] =	ssyncadd.s32 $0xFFFFFFFF  }
0xc6: {  	_ =	strace $0x90000048  }
0xc7: {  	_ =	sfence  }
0xc8: {  	s30 =	sld [smem:$0x0];
	_ =	sdelay $0x2  }
0xc9: {  	s31 =	sshll.u32 s1, $0xD;
	s1 =	sshrl.u32 s1, $0x2  }
0xca: {  	s3 =	sand.u32 $0x4000, s31;
	s1 =	sadd.s32 s1, s30  }
0xcb: {  	s0 =	sor.u32 s3, s0;
	s1 =	sshll.u32 s1, $0x11  }
0xcc: {  	s0 =	sor.u32 s1, s0  }
0xcd: {  	s0 =	sadd.s32 $0x8F2B, s0  }
0xce: {  	[sflag:s0] =	ssyncadd.remote.s32 $0x1  }
0xcf: {  	_ =	sfence.sel $0xFFFF  }
0xd0: {  	[dreg:$0x0] =	wrdreg $0xFFFFFFFF;
	(pc) =	sbr.abs _section_cstart, $3  }
0xd1: {  	[dreg:$0x1] =	wrdreg $0xFFFFFFFF  }
0xd2: {  	_ =	task.clear_ibuf [dreg:s14], $0x2FFFF;
	_ =	strace $0x9FFFFFFF  }
0xd3: {  	(tm) =	ssettm $0x7FFFFFFF  }
tec
execute0_lowered:
.L_overlay_start_1:
0x0: {  	(tag) =	ssettag $0x1  }
0x1: {  	s14 =	rddreg [dreg:$0x0]  }
0x2: {  	s15 =	rddreg [dreg:$0x1]  }
0x3: {  	s16 =	rddreg [dreg:$0x2]  }
0x4: {  	s0 =	rddreg [dreg:$0x4]  }
0x5: {  	s1 =	rddreg [dreg:$0x5]  }
0x6: {  	s2 =	rddreg [dreg:$0x6]  }
0x7: {  	s3 =	rddreg [dreg:$0x7]  }
0x8: {  	s4 =	rddreg [dreg:$0x8];
	s6 =	simm.s32 $0x0  }
0x9: {  	[smem:$0x7FF] =	sst s6;
	s22 =	sadd.s32 $0x100, s14  }
0xa: {  	s23 =	sadd.s32 $0x200, s14;
	_ =	strace $0x80000047;
	[dreg:$0xd] =	wrdreg s22  }
0xb: {  	s24 =	sadd.s32 $0x300, s14;
	[dreg:$0xe] =	wrdreg s23  }
0xc: {  	s25 =	sadd.s32 $0x400, s14;
	[dreg:$0xf] =	wrdreg s24  }
0xd: {  	s5 =	srdreg.scid;
	s26 =	sadd.s32 $0x500, s14;
	[dreg:$0x10] =	wrdreg s25  }
0xe: {  	s17 =	stileid.u32;
	s18 =	sadd.s32 $0x700, s14;
	[dreg:$0x11] =	wrdreg s26  }
0xf: {  	s7 =	sadd.s32 $0x400, s0;
	s20 =	sadd.s32 $0x800, s14;
	[dreg:$0x19] =	wrdreg s18  }
0x10: {  	s5 =	sand.u32 $0x1, s5;
	[dreg:$0x1c] =	wrdreg s20;
	s22 =	sadd.s32 $0xA00, s14  }
0x11: {  	s8 =	sshll.u32 s17, $0x1;
	s23 =	sadd.s32 $0xB00, s14;
	[dreg:$0x1e] =	wrdreg s22  }
0x12: {  	s10 =	sshrl.u32 s17, $0x2;
	s24 =	sadd.s32 $0xC00, s14;
	[dreg:$0x1f] =	wrdreg s23  }
0x13: {  	s9 =	ssub.s32 $0x2, s5;
	s25 =	sadd.s32 $0xD00, s14;
	[smem:$0x7DC] =	sst s24  }
0x14: {  	s8 =	sor.u32 s5, s8;
	s26 =	sadd.s32 $0xE00, s14;
	[smem:$0x7DD] =	sst s25  }
0x15: {  	s12 =	sshll.u32 s10, $0x8;
	s18 =	sadd.s32 $0xE00, s16;
	[smem:$0x7DE] =	sst s26  }
0x16: {  	s21 =	sadd.s32 s7, s12;
	s12 =	sshll.u32 s17, $0x12;
	[smem:$0x7F0] =	sst s18  }
0x17: {  	s17 =	sshll.u32 s5, $0x11;
	s5 =	sadd.s32 $0x700, s15;
	[dreg:$0xa] =	wrdreg s21  }
0x18: {  	s22 =	sadd.s32 $0x100, s16;
	[smem:$0x7E6] =	sst s5  }
0x19: {  	s24 =	sadd.s32 $0x200, s16;
	[smem:$0x7F1] =	sst s22  }
0x1a: {  	s25 =	sadd.s32 $0x400, s16;
	[smem:$0x7F2] =	sst s24  }
0x1b: {  	s13 =	sshll.u32 s8, $0x5;
	s26 =	sadd.s32 $0x500, s16;
	[smem:$0x7F4] =	sst s25  }
0x1c: {  	s7 =	sadd.s32 s7, s13;
	[smem:$0x7F5] =	sst s26  }
0x1d: {  	s28 =	sshll.u32 s8, $0x10;
	s0 =	sadd.s32 s0, s13;
	[dreg:$0xb] =	wrdreg s7  }
0x1e: {  	s29 =	sshll.u32 s8, $0xD;
	s30 =	sadd.s32 s1, s28;
	[dreg:$0xc] =	wrdreg s0  }
0x1f: {  	s4 =	sadd.s32 s4, s29;
	[dreg:$0x12] =	wrdreg s30  }
0x20: {  	s8 =	sshll.u32 s8, $0x11;
	s31 =	sadd.s32 s2, s28;
	[dreg:$0x13] =	wrdreg s4  }
0x21: {  	s8 =	sadd.s32 s3, s8;
	[dreg:$0x14] =	wrdreg s31  }
0x22: {  	s13 =	sadd.s32 $0x600, s14;
	[dreg:$0x15] =	wrdreg s8  }
0x23: {  	s11 =	sshrl.u32 s9, $0x1;
	s21 =	sadd.s32 $0x900, s14;
	[dreg:$0x18] =	wrdreg s13  }
0x24: {  	s9 =	ssub.s32 s9, s11;
	s29 =	sadd.s32 $0x100, s15;
	[dreg:$0x1d] =	wrdreg s21  }
0x25: {  	s0 =	sshll.u32 s10, $0xC;
	s19 =	smax.u32 s9, $0x1;
	[smem:$0x7E0] =	sst s29  }
0x26: {  	s10 =	sor.u32 $0x800, s28;
	s28 =	sadd.s32 $0xF00, s14;
	[dreg:$0x1a] =	wrdreg s19  }
0x27: {  	s30 =	sadd.s32 $0x200, s15;
	[smem:$0x7DF] =	sst s28  }
0x28: {  	s31 =	sadd.s32 $0x300, s15;
	[smem:$0x7E1] =	sst s30  }
0x29: {  	s4 =	sadd.s32 $0x600, s15;
	[smem:$0x7E2] =	sst s31  }
0x2a: {  	s7 =	sadd.s32 $0x800, s15;
	[smem:$0x7E5] =	sst s4  }
0x2b: {  	s8 =	sadd.s32 $0x900, s15;
	[smem:$0x7E7] =	sst s7  }
0x2c: {  	s9 =	sadd.s32 $0xA00, s15;
	[smem:$0x7E8] =	sst s8  }
0x2d: {  	s13 =	sadd.s32 $0xE00, s15;
	[smem:$0x7E9] =	sst s9  }
0x2e: {  	s14 =	sadd.s32 $0xF00, s15;
	[smem:$0x7ED] =	sst s13  }
0x2f: {  	s29 =	sadd.s32 $0x700, s16;
	[smem:$0x7EE] =	sst s14  }
0x30: {  	s1 =	sadd.s32 s1, s10;
	[smem:$0x7F7] =	sst s29  }
0x31: {  	s11 =	sadd.s32 s2, s10;
	[dreg:$0x16] =	wrdreg s1  }
0x32: {  	s20 =	simm.s32 $0x7A00;
	s2 =	sadd.s32 $0x400, s15;
	[dreg:$0x17] =	wrdreg s11  }
0x33: {  	s18 =	simm.s32 $0xA00;
	s10 =	sadd.s32 $0xB00, s15;
	[smem:$0x7E3] =	sst s2  }
0x34: {  	s23 =	simm.s32 $0x8A00;
	s13 =	sadd.s32 $0xD00, s16;
	[smem:$0x7EA] =	sst s10  }
0x35: {  	s5 =	simm.s32 $0x2200;
	s31 =	sadd.s32 $0x300, s16;
	[smem:$0x7EF] =	sst s13  }
0x36: {  	s21 =	simm.s32 $0x8200;
	s28 =	sadd.s32 $0x600, s16;
	[smem:$0x7F3] =	sst s31  }
0x37: {  	s30 =	sadd.s32 $0x800, s16;
	s19 =	sadd.s32 $0xF00, s16;
	[smem:$0x7F6] =	sst s28  }
0x38: {  	s9 =	simm.s32 $0x900;
	s4 =	simm.s32 $0x1A00;
	[smem:$0x7F8] =	sst s30  }
0x39: {  	s1 =	sadd.s32 s12, s3;
	s3 =	sadd.s32 $0x500, s15;
	[smem:$0x7FD] =	sst s19  }
0x3a: {  	s7 =	simm.s32 $0x2A00;
	s11 =	sadd.s32 $0xC00, s15;
	[smem:$0x7E4] =	sst s3  }
0x3b: {  	s8 =	simm.s32 $0x3200;
	s12 =	sadd.s32 $0xD00, s15;
	[smem:$0x7EB] =	sst s11  }
0x3c: {  	s15 =	sadd.s32 $0x900, s16;
	s2 =	sadd.s32 $0xB00, s16;
	[smem:$0x7EC] =	sst s12  }
0x3d: {  	s10 =	sadd.s32 $0xC00, s16;
	s13 =	simm.s32 $0x5A00;
	[smem:$0x7F9] =	sst s15  }
0x3e: {  	s1 =	sadd.s32 s17, s1;
	s17 =	sadd.s32 $0xA00, s16;
	[smem:$0x7FB] =	sst s2  }
0x3f: {  	v3 =	vlaneseq.u32;
	s3 =	simm.s32 $0x1200;
	s11 =	simm.s32 $0x4A00;
	[smem:$0x7FC] =	sst s10  }
0x40: {  	vm0 =	vmmov $0xffff;
	v1 =	vand.u32 $0x7, v3;
	v2 =	vshrl.u32 v3, $0x3;
	s12 =	simm.s32 $0x5200;
	s1 =	sadd.s32 $0x1000, s1;
	[smem:$0x7FA] =	sst s17  }
0x41: {  	v3 =	vor.u32 $0x8, v3;
	v2 =	vmul.u32 $0x8, v2;
	v0 =	vmov s0;
	s16 =	simm.s32 $0x6200;
	[dreg:$0x1b] =	wrdreg s1;
	s1 =	simm.s32 $0x0  }
.LBB2_1:
0x42: {  	[smem:$0x7DB] =	sst s1  }
0x43: {  	s0 =	rddreg [dreg:$0xa];
	s26 =	simm.s32 $0x6  }
0x44: {  	[tilespmem:s6], [sflag:$0x6] =	stream.linear.gather [hbm4b:s0+s6], $0x800, $0x38;
	[tilespmem:$0x1CA00] =	vst v63  }
0x45: {  	_ =	swait.ge [sflag:s26], $0x800  }
0x46: {  	[sflag:s26] =	ssyncset.done $0x0  }
0x47: {  	s2 =	simm.s32 $0x800;
	s28 =	rddreg [dreg:$0xb];
	[sflag:s26] =	ssyncadd.s32 $0xFFFFF800  }
0x48: {  	[tilespmem:s2], [sflag:$0x6] =	stream.linear.gather [hbm4b:s28+s6], $0x100, $0x38;
	[tilespmem:$0x1CA00] =	vst v63  }
0x49: {  	_ =	swait.ge [sflag:s26], $0x100  }
0x4a: {  	[sflag:s26] =	ssyncset.done $0x0  }
0x4b: {  	s29 =	rddreg [dreg:$0xc];
	[sflag:s26] =	ssyncadd.s32 $0xFFFFFF00  }
0x4c: {  	[tilespmem:s9], [sflag:$0x6] =	stream.linear.gather [hbm4b:s29+s6], $0x100, $0x38;
	[tilespmem:$0x1CA00] =	vst v63  }
0x4d: {  	_ =	swait.ge [sflag:s26], $0x100  }
0x4e: {  	[sflag:s26] =	ssyncset.done $0x0  }
0x4f: {  	[sflag:s26] =	ssyncadd.s32 $0xFFFFFF00  }
0x50: {  	v4 =	vld [tilespmem:$0x800]  }
0x51: {  	v5 =	vld [tilespmem:$0x810]  }
0x52: {  	v6 =	vld [tilespmem:$0x820]  }
0x53: {  	v7 =	vld [tilespmem:$0x830]  }
0x54: {  	v8 =	vld [tilespmem:$0x840]  }
0x55: {  	v9 =	vld [tilespmem:$0x850]  }
0x56: {  	v10 =	vld [tilespmem:$0x860];
	v4 =	vadd.s32 v0, v4  }
0x57: {  	[tilespmem:$0x800] =	vst v4;
	v4 =	vadd.s32 v0, v5;
	v5 =	vld [tilespmem:$0x870]  }
0x58: {  	[tilespmem:$0x810] =	vst v4;
	v4 =	vadd.s32 v0, v6;
	v56 =	vld.msk [tilespmem:$0x800], $0xff  }
0x59: {  	v57 =	vld [tilespmem:$0x880];
	[tilespmem:$0x820] =	vst v4;
	v4 =	vadd.s32 v0, v7  }
0x5a: {  	v58 =	vld [tilespmem:$0x890];
	[tilespmem:$0x830] =	vst v4;
	v4 =	vadd.s32 v0, v8  }
0x5b: {  	v59 =	vld [tilespmem:$0x8A0];
	[tilespmem:$0x840] =	vst v4;
	v4 =	vadd.s32 v0, v9  }
0x5c: {  	v60 =	vld [tilespmem:$0x8B0];
	[tilespmem:$0x850] =	vst v4;
	v4 =	vadd.s32 v0, v10  }
0x5d: {  	[tilespmem:$0x860] =	vst v4;
	v4 =	vadd.s32 v0, v5;
	v5 =	vld [tilespmem:$0x8C0];
	v11 =	vshll.u32 v56, $0x5  }
0x5e: {  	v61 =	vld [tilespmem:$0x8D0];
	v6 =	vand.u32 $0x7, v56;
	[tilespmem:$0x870] =	vst v4;
	v4 =	vadd.s32 v0, v57;
	v11 =	vand.u32 $0xFFFFFF00, v11  }
0x5f: {  	v62 =	vld [tilespmem:$0x8E0];
	[tilespmem:$0x880] =	vst v4;
	v4 =	vadd.s32 v0, v58;
	v6 =	vor.u32 v6, v11  }
0x60: {  	v63 =	vld [tilespmem:$0x8F0];
	[tilespmem:$0x890] =	vst v4;
	v4 =	vadd.s32 v0, v59;
	v6 =	vperm.xlane v6, v1  }
0x61: {  	[tilespmem:$0x8A0] =	vst v4;
	v4 =	vadd.s32 v0, v60  }
0x62: {  	[tilespmem:$0x8B0] =	vst v4;
	v4 =	vadd.s32 v0, v5;
	v5 =	vadd.s32 v2, v6  }
0x63: {  	[tilespmem:$0x8C0] =	vst v4;
	v4 =	vadd.s32 v0, v61  }
0x64: {  	[tilespmem:$0x8D0] =	vst v4;
	v4 =	vadd.s32 v0, v62  }
0x65: {  	s1 =	rddreg [dreg:$0xd];
	[tilespmem:$0x8E0] =	vst v4;
	v4 =	vadd.s32 v0, v63  }
0x66: {  	s30 =	rddreg [dreg:$0x0];
	[tilespmem:$0x8F0] =	vst v4  }
0x67: {  	[tilespmem:s18], [sflag:$0x1] =	stream.indirect_vreg.gather [hbm4b:s30+s6], $0x80, v5, vm0, $0xb8;
	[tilespmem:$0x1CA00] =	vst v63  }
0x68: {  	s2 =	rddreg [dreg:$0xe]  }
0x69: {  	[tilespmem:s3], [sflag:$0x1] =	stream.indirect_vreg.gather [hbm4b:s1+s6], $0x80, v5, vm0, $0xb8;
	[tilespmem:$0x1CA00] =	vst v63  }
0x6a: {  	s24 =	rddreg [dreg:$0x19]  }
0x6b: {  	[tilespmem:s4], [sflag:$0x1] =	stream.indirect_vreg.gather [hbm4b:s2+s6], $0x80, v5, vm0, $0xb8;
	[tilespmem:$0x1CA00] =	vst v63  }
0x6c: {  	s3 =	rddreg [dreg:$0xf]  }
0x6d: {  	[tilespmem:s5], [sflag:$0x1] =	stream.indirect_vreg.gather [hbm4b:s3+s6], $0x80, v5, vm0, $0xb8;
	[tilespmem:$0x1CA00] =	vst v63  }
0x6e: {  	s4 =	rddreg [dreg:$0x10]  }
0x6f: {  	[tilespmem:s7], [sflag:$0x1] =	stream.indirect_vreg.gather [hbm4b:s4+s6], $0x80, v5, vm0, $0xb8;
	[tilespmem:$0x1CA00] =	vst v63  }
0x70: {  	s5 =	rddreg [dreg:$0x11]  }
0x71: {  	[tilespmem:s8], [sflag:$0x1] =	stream.indirect_vreg.gather [hbm4b:s5+s6], $0x80, v5, vm0, $0xb8;
	[tilespmem:$0x1CA00] =	vst v63  }
0x72: {  	s22 =	simm.s32 $0x3A00;
	s7 =	rddreg [dreg:$0x18]  }
0x73: {  	[tilespmem:s22], [sflag:$0x1] =	stream.indirect_vreg.gather [hbm4b:s7+s6], $0x80, v5, vm0, $0xb8;
	[tilespmem:$0x1CA00] =	vst v63  }
0x74: {  	s19 =	simm.s32 $0x4200;
	s10 =	rddreg [dreg:$0x1c]  }
0x75: {  	[tilespmem:s19], [sflag:$0x1] =	stream.indirect_vreg.gather [hbm4b:s24+s6], $0x80, v5, vm0, $0xb8;
	[tilespmem:$0x1CA00] =	vst v63  }
0x76: {  	s25 =	rddreg [dreg:$0x1d]  }
0x77: {  	[tilespmem:s11], [sflag:$0x1] =	stream.indirect_vreg.gather [hbm4b:s10+s6], $0x80, v5, vm0, $0xb8;
	[tilespmem:$0x1CA00] =	vst v63  }
0x78: {  	s28 =	rddreg [dreg:$0x1f]  }
0x79: {  	[tilespmem:s12], [sflag:$0x1] =	stream.indirect_vreg.gather [hbm4b:s25+s6], $0x80, v5, vm0, $0xb8;
	[tilespmem:$0x1CA00] =	vst v63  }
0x7a: {  	s26 =	rddreg [dreg:$0x1e]  }
0x7b: {  	[tilespmem:s13], [sflag:$0x1] =	stream.indirect_vreg.gather [hbm4b:s26+s6], $0x80, v5, vm0, $0xb8;
	[tilespmem:$0x1CA00] =	vst v63  }
0x7c: {  	s14 =	sld [smem:$0x7DC]  }
0x7d: {  	[tilespmem:s16], [sflag:$0x1] =	stream.indirect_vreg.gather [hbm4b:s28+s6], $0x80, v5, vm0, $0xb8;
	[tilespmem:$0x1CA00] =	vst v63  }
0x7e: {  	s15 =	simm.s32 $0x6A00  }
0x7f: {  	[tilespmem:s15], [sflag:$0x1] =	stream.indirect_vreg.gather [hbm4b:s14+s6], $0x80, v5, vm0, $0xb8;
	[tilespmem:$0x1CA00] =	vst v63  }
0x80: {  	s15 =	sld [smem:$0x7DD];
	_ =	sdelay $0x1  }
0x81: {  	s29 =	simm.s32 $0x7200;
	s16 =	sld [smem:$0x7DE]  }
0x82: {  	[tilespmem:s29], [sflag:$0x1] =	stream.indirect_vreg.gather [hbm4b:s15+s6], $0x80, v5, vm0, $0xb8;
	[tilespmem:$0x1CA00] =	vst v63  }
0x83: {  	s17 =	sld [smem:$0x7DF]  }
0x84: {  	[tilespmem:s20], [sflag:$0x1] =	stream.indirect_vreg.gather [hbm4b:s16+s6], $0x80, v5, vm0, $0xb8;
	[tilespmem:$0x1CA00] =	vst v63  }
0x85: {  	_ = 	snop  }
0x86: {  	[tilespmem:s21], [sflag:$0x1] =	stream.indirect_vreg.gather [hbm4b:s17+s6], $0x80, v5, vm0, $0xb8;
	[tilespmem:$0x1CA00] =	vst v63  }
0x87: {  	v4 =	vld.msk [tilespmem:$0x808], $0xff;
	_ =	sdelay $0x4  }
0x88: {  	v5 =	vshll.u32 v4, $0x5  }
0x89: {  	v4 =	vand.u32 $0x7, v4;
	v5 =	vand.u32 $0xFFFFFF00, v5  }
0x8a: {  	v4 =	vor.u32 v4, v5  }
0x8b: {  	v4 =	vperm.xlane v4, v1;
	_ =	sdelay $0x1  }
0x8c: {  	v4 =	vadd.s32 v2, v4;
	_ =	sdelay $0x4  }
0x8d: {  	[tilespmem:s23], [sflag:$0x2] =	stream.indirect_vreg.gather [hbm4b:s30+s6], $0x80, v4, vm0, $0xb8;
	[tilespmem:$0x1CA00] =	vst v63  }
0x8e: {  	s30 =	simm.s32 $0x9200  }
0x8f: {  	[tilespmem:s30], [sflag:$0x2] =	stream.indirect_vreg.gather [hbm4b:s1+s6], $0x80, v4, vm0, $0xb8;
	[tilespmem:$0x1CA00] =	vst v63  }
0x90: {  	s1 =	simm.s32 $0x9A00  }
0x91: {  	[tilespmem:s1], [sflag:$0x2] =	stream.indirect_vreg.gather [hbm4b:s2+s6], $0x80, v4, vm0, $0xb8;
	[tilespmem:$0x1CA00] =	vst v63  }
0x92: {  	s2 =	simm.s32 $0xA200  }
0x93: {  	[tilespmem:s2], [sflag:$0x2] =	stream.indirect_vreg.gather [hbm4b:s3+s6], $0x80, v4, vm0, $0xb8;
	[tilespmem:$0x1CA00] =	vst v63  }
0x94: {  	s3 =	simm.s32 $0xAA00  }
0x95: {  	[tilespmem:s3], [sflag:$0x2] =	stream.indirect_vreg.gather [hbm4b:s4+s6], $0x80, v4, vm0, $0xb8;
	[tilespmem:$0x1CA00] =	vst v63  }
0x96: {  	s4 =	simm.s32 $0xB200  }
0x97: {  	[tilespmem:s4], [sflag:$0x2] =	stream.indirect_vreg.gather [hbm4b:s5+s6], $0x80, v4, vm0, $0xb8;
	[tilespmem:$0x1CA00] =	vst v63  }
0x98: {  	s5 =	simm.s32 $0xBA00  }
0x99: {  	[tilespmem:s5], [sflag:$0x2] =	stream.indirect_vreg.gather [hbm4b:s7+s6], $0x80, v4, vm0, $0xb8;
	[tilespmem:$0x1CA00] =	vst v63  }
0x9a: {  	s20 =	simm.s32 $0xC200  }
0x9b: {  	[tilespmem:s20], [sflag:$0x2] =	stream.indirect_vreg.gather [hbm4b:s24+s6], $0x80, v4, vm0, $0xb8;
	[tilespmem:$0x1CA00] =	vst v63  }
0x9c: {  	s21 =	simm.s32 $0xCA00  }
0x9d: {  	[tilespmem:s21], [sflag:$0x2] =	stream.indirect_vreg.gather [hbm4b:s10+s6], $0x80, v4, vm0, $0xb8;
	[tilespmem:$0x1CA00] =	vst v63  }
0x9e: {  	s22 =	simm.s32 $0xD200  }
0x9f: {  	[tilespmem:s22], [sflag:$0x2] =	stream.indirect_vreg.gather [hbm4b:s25+s6], $0x80, v4, vm0, $0xb8;
	[tilespmem:$0x1CA00] =	vst v63  }
0xa0: {  	s24 =	simm.s32 $0xDA00  }
0xa1: {  	[tilespmem:s24], [sflag:$0x2] =	stream.indirect_vreg.gather [hbm4b:s26+s6], $0x80, v4, vm0, $0xb8;
	[tilespmem:$0x1CA00] =	vst v63  }
0xa2: {  	s25 =	simm.s32 $0xE200  }
0xa3: {  	[tilespmem:s25], [sflag:$0x2] =	stream.indirect_vreg.gather [hbm4b:s28+s6], $0x80, v4, vm0, $0xb8;
	[tilespmem:$0x1CA00] =	vst v63  }
0xa4: {  	s26 =	simm.s32 $0xEA00  }
0xa5: {  	[tilespmem:s26], [sflag:$0x2] =	stream.indirect_vreg.gather [hbm4b:s14+s6], $0x80, v4, vm0, $0xb8;
	[tilespmem:$0x1CA00] =	vst v63  }
0xa6: {  	s28 =	simm.s32 $0xF200  }
0xa7: {  	[tilespmem:s28], [sflag:$0x2] =	stream.indirect_vreg.gather [hbm4b:s15+s6], $0x80, v4, vm0, $0xb8;
	[tilespmem:$0x1CA00] =	vst v63  }
0xa8: {  	s29 =	simm.s32 $0xFA00  }
0xa9: {  	[tilespmem:s29], [sflag:$0x2] =	stream.indirect_vreg.gather [hbm4b:s16+s6], $0x80, v4, vm0, $0xb8;
	[tilespmem:$0x1CA00] =	vst v63  }
0xaa: {  	s31 =	simm.s32 $0x3A00;
	s30 =	simm.s32 $0x10200;
	s10 =	simm.s32 $0x0  }
0xab: {  	[tilespmem:s30], [sflag:$0x2] =	stream.indirect_vreg.gather [hbm4b:s17+s6], $0x80, v4, vm0, $0xb8;
	[tilespmem:$0x1CA00] =	vst v63  }
.LBB2_2:
0xac: {  	s0 =	simm.s32 $0x1  }
0xad: {  	_ =	swait.ge [sflag:s0], $0x8000  }
0xae: {  	p0 =	seq.s32 s10, $0x0;
	[sflag:s0] =	ssyncset.done $0x0  }
0xaf: {  	s1 =	simm.s32 $0x0;
	[sflag:s0] =	ssyncadd.s32 $0xFFFF8000;
	s0 =	simm.s32 @!p0 $0x3  }
0xb0: {  	s2 =	sand.u32 $0x40, s1;
	_ =	swait.ge @!p0 [sflag:s0], $0x4000  }
0xb1: {  	s3 =	sand.u32 $0x780, s1;
	s4 =	sor.u32 $0x30, s2;
	[sflag:s0] =	ssyncset.done @!p0 $0x0  }
0xb2: {  	s22 =	sor.u32 s4, s3;
	[sflag:s0] =	ssyncadd.s32 @!p0 $0xFFFFC000  }
0xb3: {  	v4 =	vld [tilespmem:s22+$0x0]  }
0xb4: {  	s24 =	sor.u32 $0x10, s2;
	v5 =	vld [tilespmem:s1+$0x0]  }
0xb5: {  	s5 =	sor.u32 $0x20, s2;
	s7 =	sor.u32 s24, s3  }
0xb6: {  	s3 =	sor.u32 s5, s3;
	v6 =	vld [tilespmem:s7+$0x0]  }
0xb7: {  	v7 =	vld [tilespmem:s3+$0x0]  }
0xb8: {  	v8 =	vshll.u32 v4, $0x3  }
0xb9: {  	v9 =	vshll.u32 v5, $0x3;
	v4 =	vand.u32 $0x7F, v4;
	v8 =	vand.u32 $0xFFFFFC00, v8  }
0xba: {  	v5 =	vand.u32 $0x7F, v5;
	v10 =	vand.u32 $0xFFFFFC00, v9;
	v9 =	vor.u32 v4, v8  }
0xbb: {  	v4 =	vor.u32 v5, v10;
	v5 =	vshll.u32 v6, $0x3  }
0xbc: {  	v8 =	vshll.u32 v7, $0x3;
	v6 =	vand.u32 $0x7F, v6;
	v5 =	vand.u32 $0xFFFFFC00, v5  }
0xbd: {  	v10 =	vand.u32 $0xFFFFFC00, v8;
	v8 =	vor.u32 v6, v5;
	v5 =	vand.u32 $0x7F, v7  }
0xbe: {  	v7 =	vor.u32 v5, v10  }
0xbf: {  	v5 =	vld.idx.msk [tilespmem:v9+s18+$0x0], $0xffff  }
0xc0: {  	v10 =	vor.u32 $0x80, v9;
	v6 =	vld.idx.msk [tilespmem:v4+s18+$0x0], $0xffff  }
0xc1: {  	s1 =	sand.u32 $0x3C00, s1;
	v11 =	vor.u32 $0x80, v4  }
0xc2: {  	s1 =	sadd.s32 $0x10A00, s1;
	v12 =	vld.idx.msk [tilespmem:v8+s18+$0x0], $0xffff  }
0xc3: {  	s4 =	sor.u32 s4, s1;
	v13 =	vor.u32 $0x80, v8;
	v14 =	vld.idx.msk [tilespmem:v7+s18+$0x0], $0xffff  }
0xc4: {  	s25 =	sor.u32 s2, s1;
	v15 =	vor.u32 $0x80, v7;
	[tilespmem:s4+$0x0] =	vst v5  }
0xc5: {  	[tilespmem:s25+$0x0] =	vst v6;
	v5 =	vld.idx.msk [tilespmem:v10+s18+$0x0], $0xffff  }
0xc6: {  	s12 =	sor.u32 s24, s1;
	v6 =	vld.idx.msk [tilespmem:v11+s18+$0x0], $0xffff;
	v10 =	vor.u32 $0x100, v9  }
0xc7: {  	s1 =	sor.u32 s5, s1;
	v11 =	vor.u32 $0x100, v4;
	[tilespmem:s12+$0x0] =	vst v12  }
0xc8: {  	v12 =	vld.idx.msk [tilespmem:v13+s18+$0x0], $0xffff;
	[tilespmem:s1+$0x0] =	vst v14  }
0xc9: {  	v13 =	vor.u32 $0x100, v8;
	v14 =	vld.idx.msk [tilespmem:v15+s18+$0x0], $0xffff  }
0xca: {  	v15 =	vor.u32 $0x100, v7;
	[tilespmem:s4+$0x80] =	vst v5  }
0xcb: {  	[tilespmem:s25+$0x80] =	vst v6;
	v5 =	vld.idx.msk [tilespmem:v10+s18+$0x0], $0xffff  }
0xcc: {  	v6 =	vld.idx.msk [tilespmem:v11+s18+$0x0], $0xffff;
	v10 =	vor.u32 $0x180, v9  }
0xcd: {  	v11 =	vor.u32 $0x180, v4;
	[tilespmem:s12+$0x80] =	vst v12  }
0xce: {  	v12 =	vld.idx.msk [tilespmem:v13+s18+$0x0], $0xffff;
	[tilespmem:s1+$0x80] =	vst v14  }
0xcf: {  	s0 =	simm.s32 $0x40;
	v13 =	vor.u32 $0x180, v8;
	v14 =	vld.idx.msk [tilespmem:v15+s18+$0x0], $0xffff  }
0xd0: {  	s26 =	sand.u32 $0x40, s0;
	v15 =	vld [tilespmem:s0+$0x0];
	[tilespmem:s4+$0x100] =	vst v5  }
0xd1: {  	s28 =	sand.u32 $0x780, s0;
	s11 =	sor.u32 $0x30, s26;
	[tilespmem:s25+$0x100] =	vst v6;
	v5 =	vld.idx.msk [tilespmem:v10+s18+$0x0], $0xffff  }
0xd2: {  	s8 =	sor.u32 s11, s28;
	v6 =	vor.u32 $0x180, v7;
	v10 =	vld.idx.msk [tilespmem:v11+s18+$0x0], $0xffff  }
0xd3: {  	s29 =	sor.u32 $0x10, s26;
	v11 =	vor.u32 $0x200, v9;
	[tilespmem:s12+$0x100] =	vst v12;
	v12 =	vld [tilespmem:s8+$0x0]  }
0xd4: {  	s30 =	sor.u32 $0x20, s26;
	s13 =	sor.u32 s29, s28;
	v13 =	vld.idx.msk [tilespmem:v13+s18+$0x0], $0xffff  }
0xd5: {  	s5 =	sor.u32 s30, s28;
	v17 =	vld [tilespmem:s13+$0x0];
	v16 =	vor.u32 $0x200, v8;
	v18 =	vshll.u32 v15, $0x3  }
0xd6: {  	v19 =	vld [tilespmem:s5+$0x0];
	[tilespmem:s1+$0x100] =	vst v14;
	v14 =	vor.u32 $0x200, v4;
	v15 =	vand.u32 $0x7F, v15;
	v18 =	vand.u32 $0xFFFFFC00, v18  }
0xd7: {  	p1 =	por $0x0, $0x0;
	v20 =	vld.idx.msk [tilespmem:v6+s18+$0x0], $0xffff;
	[tilespmem:s4+$0x180] =	vst v5;
	v5 =	vor.u32 v15, v18;
	s4 =	simm.s32 $0x1  }
0xd8: {  	v15 =	vor.u32 $0x200, v7;
	v11 =	vld.idx.msk [tilespmem:v11+s18+$0x0], $0xffff;
	v6 =	vshll.u32 v12, $0x3;
	s4 =	simm.s32 @!p1 $0x0  }
0xd9: {  	v12 =	vand.u32 $0x7F, v12;
	[tilespmem:s12+$0x180] =	vst v13;
	v6 =	vand.u32 $0xFFFFFC00, v6;
	s4 =	sshll.u32 s4, $0x6;
	v13 =	vor.u32 $0x280, v9  }
0xda: {  	v18 =	vor.u32 $0x280, v8;
	[tilespmem:s25+$0x180] =	vst v10;
	v10 =	vld.idx.msk [tilespmem:v16+s18+$0x0], $0xffff;
	v16 =	vshll.u32 v17, $0x3;
	v6 =	vor.u32 v12, v6;
	s3 =	sadd.s32 $0x0, s4  }
0xdb: {  	v12 =	vld.idx.msk [tilespmem:v14+s18+$0x0], $0xffff;
	v14 =	vshll.u32 v19, $0x3;
	v17 =	vand.u32 $0x7F, v17;
	v16 =	vand.u32 $0xFFFFFC00, v16;
	s12 =	sadd.s32 $0x30, s3  }
0xdc: {  	v14 =	vand.u32 $0xFFFFFC00, v14;
	[tilespmem:s1+$0x180] =	vst v20;
	v21 =	vld.idx.msk [tilespmem:v5+s18+$0x0], $0xffff;
	v25 =	vor.u32 v17, v16;
	v16 =	vand.u32 $0x7F, v19;
	s13 =	sor.u32 $0x200, s12  }
0xdd: {  	s4 =	sadd.s32 $0x10, s3;
	v15 =	vld.idx.msk [tilespmem:v15+s18+$0x0], $0xffff;
	v14 =	vor.u32 v16, v14;
	[tilespmem:s13+$0x10A00] =	vst v11  }
0xde: {  	s14 =	sor.u32 $0x200, s4;
	v11 =	vor.u32 $0x280, v4;
	v13 =	vld.idx.msk [tilespmem:v13+s18+$0x0], $0xffff  }
0xdf: {  	s16 =	sor.u32 $0x200, s3;
	s1 =	simm.s32 $0x200;
	v16 =	vor.u32 $0x280, v7;
	v17 =	vld.idx.msk [tilespmem:v6+s18+$0x0], $0xffff;
	[tilespmem:s14+$0x10A00] =	vst v10  }
0xe0: {  	s15 =	sadd.s32 $0x20, s3;
	s17 =	sand.u32 $0x3C00, s1;
	[tilespmem:s16+$0x10A00] =	vst v12;
	v12 =	vor.u32 $0x80, v5;
	v10 =	vld.idx.msk [tilespmem:v18+s18+$0x0], $0xffff  }
0xe1: {  	s13 =	sadd.s32 $0x10A00, s17;
	s14 =	sor.u32 $0x200, s15;
	v18 =	vor.u32 $0x300, v9;
	v19 =	vld.idx.msk [tilespmem:v25+s18+$0x0], $0xffff  }
0xe2: {  	v20 =	vor.u32 $0x80, v6;
	s16 =	sor.u32 s26, s13;
	[tilespmem:s14+$0x10A00] =	vst v15;
	v22 =	vld.idx.msk [tilespmem:v14+s18+$0x0], $0xffff  }
0xe3: {  	s20 =	sor.u32 $0x280, s12;
	v23 =	vor.u32 $0x80, v25;
	[tilespmem:s16+$0x0] =	vst v21;
	v26 =	vld.idx.msk [tilespmem:v11+s18+$0x0], $0xffff  }
0xe4: {  	s25 =	sor.u32 s11, s13;
	v11 =	vor.u32 $0x80, v14;
	v15 =	vld.idx.msk [tilespmem:v16+s18+$0x0], $0xffff;
	[tilespmem:s20+$0x10A00] =	vst v13  }
0xe5: {  	s21 =	sor.u32 $0x280, s4;
	v13 =	vor.u32 $0x300, v8;
	[tilespmem:s25+$0x0] =	vst v17;
	v12 =	vld.idx.msk [tilespmem:v12+s18+$0x0], $0xffff  }
0xe6: {  	s22 =	sor.u32 s29, s13;
	v17 =	vor.u32 $0x300, v7;
	v16 =	vld.idx.msk [tilespmem:v18+s18+$0x0], $0xffff;
	[tilespmem:s21+$0x10A00] =	vst v10  }
0xe7: {  	s11 =	sor.u32 s30, s13;
	v9 =	vor.u32 $0x380, v9;
	v20 =	vld.idx.msk [tilespmem:v20+s18+$0x0], $0xffff;
	[tilespmem:s22+$0x0] =	vst v19  }
0xe8: {  	s24 =	sor.u32 $0x280, s15;
	v21 =	vor.u32 $0x100, v6;
	v19 =	vld.idx.msk [tilespmem:v23+s18+$0x0], $0xffff;
	[tilespmem:s11+$0x0] =	vst v22  }
0xe9: {  	s28 =	sor.u32 $0x280, s3;
	v23 =	vor.u32 $0x100, v5;
	[tilespmem:s24+$0x10A00] =	vst v15;
	v11 =	vld.idx.msk [tilespmem:v11+s18+$0x0], $0xffff  }
0xea: {  	s26 =	sor.u32 $0x300, s12;
	v10 =	vor.u32 $0x100, v25;
	[tilespmem:s28+$0x10A00] =	vst v26;
	v27 =	vld.idx.msk [tilespmem:v13+s18+$0x0], $0xffff  }
0xeb: {  	v24 =	vor.u32 $0x100, v14;
	v18 =	vld.idx.msk [tilespmem:v17+s18+$0x0], $0xffff;
	[tilespmem:s26+$0x10A00] =	vst v16  }
0xec: {  	[tilespmem:s25+$0x80] =	vst v20;
	v20 =	vor.u32 $0x300, v4;
	v28 =	vld.idx.msk [tilespmem:v9+s18+$0x0], $0xffff  }
0xed: {  	v29 =	vor.u32 $0x380, v8;
	[tilespmem:s16+$0x80] =	vst v12;
	v22 =	vld.idx.msk [tilespmem:v21+s18+$0x0], $0xffff  }
0xee: {  	v8 =	vor.u32 $0x380, v25;
	v21 =	vld.idx.msk [tilespmem:v23+s18+$0x0], $0xffff;
	[tilespmem:s22+$0x80] =	vst v19  }
0xef: {  	s2 =	simm.s32 $0x4;
	v15 =	vor.u32 $0x200, v25;
	v26 =	vor.u32 $0x180, v6;
	v17 =	vor.u32 $0x180, v25;
	v23 =	vld.idx.msk [tilespmem:v10+s18+$0x0], $0xffff;
	[tilespmem:s11+$0x80] =	vst v11  }
0xf0: {  	s8 =	sor.u32 $0x380, s15;
	s29 =	sor.u32 $0x300, s4;
	s30 =	sor.u32 $0x380, s12;
	v12 =	vor.u32 $0x280, v25;
	v10 =	vor.u32 $0x300, v25;
	v25 =	vor.u32 $0x180, v5;
	v24 =	vld.idx.msk [tilespmem:v24+s18+$0x0], $0xffff  }
0xf1: {  	s13 =	sor.u32 $0x380, s4;
	s12 =	simm.s32 $0x80;
	s14 =	sor.u32 $0x300, s3;
	v7 =	vor.u32 $0x380, v7;
	v13 =	vor.u32 $0x200, v14;
	v16 =	vor.u32 $0x180, v14;
	[tilespmem:s29+$0x10A00] =	vst v27;
	v19 =	vld.idx.msk [tilespmem:v20+s18+$0x0], $0xffff  }
0xf2: {  	s21 =	sor.u32 $0x300, s15;
	s15 =	sor.u32 $0x380, s3;
	s24 =	sshll.u32 s10, $0x6;
	v9 =	vor.u32 $0x300, v14;
	v11 =	vor.u32 $0x280, v14;
	v14 =	vor.u32 $0x380, v14;
	v20 =	vld.idx.msk [tilespmem:v29+s18+$0x0], $0xffff;
	[tilespmem:s30+$0x10A00] =	vst v28  }
.LBB2_3:
0xf3: {  	v27 =	vld [tilespmem:s12+$0x0];
	[tilespmem:s25+$0x100] =	vst v22;
	s0 =	sadd.s32 $0x40, s0  }
0xf4: {  	s2 =	sadd.s32 $0x4, s2;
	s26 =	sand.u32 $0x40, s0;
	[tilespmem:s16+$0x100] =	vst v21;
	v21 =	vld.idx.msk [tilespmem:v26+s18+$0x0], $0xffff  }
0xf5: {  	s3 =	sand.u32 $0x780, s0;
	p2 =	slt.u32 s2, $0x7C;
	s28 =	sor.u32 $0x30, s26;
	v22 =	vld.idx.msk [tilespmem:v25+s18+$0x0], $0xffff;
	[tilespmem:s22+$0x100] =	vst v23  }
0xf6: {  	s30 =	sor.u32 $0x10, s26;
	s29 =	sor.u32 $0x20, s26;
	v23 =	vor.u32 $0x200, v6;
	s4 =	sor.u32 s28, s3;
	v17 =	vld.idx.msk [tilespmem:v17+s18+$0x0], $0xffff;
	[tilespmem:s11+$0x100] =	vst v24  }
0xf7: {  	v25 =	vor.u32 $0x200, v5;
	s5 =	sor.u32 s30, s3;
	s3 =	sor.u32 s29, s3;
	v24 =	vld [tilespmem:s4+$0x0];
	[tilespmem:s21+$0x10A00] =	vst v18  }
0xf8: {  	v18 =	vld [tilespmem:s5+$0x0];
	[tilespmem:s14+$0x10A00] =	vst v19  }
0xf9: {  	v19 =	vshll.u32 v27, $0x3;
	v26 =	vld [tilespmem:s3+$0x0];
	[tilespmem:s13+$0x10A00] =	vst v20  }
0xfa: {  	v20 =	vand.u32 $0x7F, v27;
	v19 =	vand.u32 $0xFFFFFC00, v19;
	v16 =	vld.idx.msk [tilespmem:v16+s18+$0x0], $0xffff;
	[tilespmem:s25+$0x180] =	vst v21;
	v21 =	vor.u32 $0x380, v4;
	v4 =	vmovc v5  }
0xfb: {  	p1 =	por !p1, !p1;
	s3 =	simm.s32 $0x1;
	v5 =	vor.u32 v20, v19;
	[tilespmem:s16+$0x180] =	vst v22;
	v19 =	vld.idx.msk [tilespmem:v23+s18+$0x0], $0xffff  }
0xfc: {  	s3 =	simm.s32 @!p1 $0x0;
	v20 =	vshll.u32 v24, $0x3;
	v22 =	vld.idx.msk [tilespmem:v25+s18+$0x0], $0xffff;
	[tilespmem:s22+$0x180] =	vst v17  }
0xfd: {  	s3 =	sshll.u32 s3, $0x6;
	v17 =	vand.u32 $0x7F, v24;
	v20 =	vand.u32 $0xFFFFFC00, v20;
	v23 =	vld.idx.msk [tilespmem:v15+s18+$0x0], $0xffff;
	v15 =	vor.u32 $0x280, v6  }
0xfe: {  	s16 =	sadd.s32 s3, s1;
	v24 =	vshll.u32 v18, $0x3;
	v25 =	vshll.u32 v26, $0x3;
	v20 =	vor.u32 v17, v20;
	v27 =	vld.idx.msk [tilespmem:v7+s18+$0x0], $0xffff;
	v7 =	vmovc v14  }
0xff: {  	s13 =	sadd.s32 $0x10, s16;
	s17 =	sadd.s32 $0x20, s16;
	s3 =	sadd.s32 $0x30, s16;
	v14 =	vand.u32 $0x7F, v18;
	v17 =	vand.u32 $0xFFFFFC00, v24;
	v18 =	vand.u32 $0xFFFFFC00, v25;
	v21 =	vld.idx.msk [tilespmem:v21+s18+$0x0], $0xffff  }
0x100: {  	s22 =	sor.u32 $0x200, s13;
	s5 =	sor.u32 $0x200, s3;
	v14 =	vor.u32 v14, v17;
	v17 =	vand.u32 $0x7F, v26;
	v25 =	vor.u32 $0x280, v4;
	v24 =	vld.idx.msk [tilespmem:v5+s18+$0x0], $0xffff;
	[tilespmem:s11+$0x180] =	vst v16;
	s11 =	sor.u32 $0x200, s17  }
0x101: {  	s7 =	sor.u32 $0x200, s16;
	s20 =	sor.u32 $0x280, s13;
	s4 =	sor.u32 $0x280, s17;
	v26 =	vor.u32 $0x80, v14;
	v28 =	vor.u32 $0x100, v14;
	v18 =	vor.u32 v17, v18;
	v29 =	vld.idx.msk [tilespmem:v13+s18+$0x0], $0xffff;
	[tilespmem:s5+$0x10A00] =	vst v19  }
0x102: {  	s21 =	sor.u32 $0x300, s17;
	v17 =	vor.u32 $0x180, v14;
	v19 =	vor.u32 $0x80, v18;
	v30 =	vor.u32 $0x100, v18;
	s5 =	sor.u32 $0x300, s13;
	[tilespmem:s7+$0x10A00] =	vst v22;
	s7 =	sor.u32 $0x280, s16;
	v22 =	vld.idx.msk [tilespmem:v15+s18+$0x0], $0xffff  }
0x103: {  	s14 =	sor.u32 $0x300, s16;
	s17 =	sor.u32 $0x380, s17;
	v16 =	vor.u32 $0x180, v18;
	v13 =	vor.u32 $0x200, v18;
	s13 =	sor.u32 $0x380, s13;
	v15 =	vor.u32 $0x200, v14;
	v31 =	vld.idx.msk [tilespmem:v20+s18+$0x0], $0xffff;
	[tilespmem:s22+$0x10A00] =	vst v23  }
0x104: {  	v33 =	vor.u32 $0x300, v6;
	s16 =	sor.u32 $0x380, s16;
	v23 =	vor.u32 $0x280, v18;
	v32 =	vld.idx.msk [tilespmem:v12+s18+$0x0], $0xffff;
	v12 =	vor.u32 $0x280, v14;
	[tilespmem:s8+$0x10A00] =	vst v27;
	s8 =	smov.u32 s17  }
0x105: {  	s1 =	sadd.s32 $0x200, s1;
	v36 =	vor.u32 $0x80, v20;
	v34 =	vor.u32 $0x300, v14;
	v35 =	vor.u32 $0x300, v18;
	v27 =	vld.idx.msk [tilespmem:v14+s18+$0x0], $0xffff;
	[tilespmem:s15+$0x10A00] =	vst v21;
	s15 =	smov.u32 s16  }
0x106: {  	v37 =	vor.u32 $0x380, v14;
	s16 =	sand.u32 $0x3C00, s1;
	v21 =	vor.u32 $0x80, v5;
	v14 =	vor.u32 $0x380, v18;
	v38 =	vld.idx.msk [tilespmem:v18+s18+$0x0], $0xffff  }
0x107: {  	s17 =	sadd.s32 $0x10A00, s16;
	v39 =	vld.idx.msk [tilespmem:v25+s18+$0x0], $0xffff;
	[tilespmem:s11+$0x10A00] =	vst v29;
	s11 =	sor.u32 $0x280, s3  }
0x108: {  	s16 =	sor.u32 s26, s17;
	s22 =	sor.u32 s30, s17;
	s25 =	sor.u32 s28, s17;
	v18 =	vld.idx.msk [tilespmem:v11+s18+$0x0], $0xffff;
	[tilespmem:s11+$0x10A00] =	vst v22;
	v11 =	vmov v23  }
0x109: {  	s11 =	sor.u32 s29, s17;
	[tilespmem:s25+$0x0] =	vst v31;
	v22 =	vld.idx.msk [tilespmem:v33+s18+$0x0], $0xffff  }
0x10a: {  	[tilespmem:s16+$0x0] =	vst v24;
	v23 =	vld.idx.msk [tilespmem:v36+s18+$0x0], $0xffff  }
0x10b: {  	v24 =	vor.u32 $0x380, v6;
	v6 =	vmov v20;
	v21 =	vld.idx.msk [tilespmem:v21+s18+$0x0], $0xffff;
	[tilespmem:s22+$0x0] =	vst v27  }
0x10c: {  	v25 =	vor.u32 $0x100, v6;
	v20 =	vld.idx.msk [tilespmem:v26+s18+$0x0], $0xffff;
	[tilespmem:s11+$0x0] =	vst v38  }
0x10d: {  	v26 =	vor.u32 $0x100, v5;
	v19 =	vld.idx.msk [tilespmem:v19+s18+$0x0], $0xffff;
	[tilespmem:s20+$0x10A00] =	vst v32  }
0x10e: {  	v27 =	vld.idx.msk [tilespmem:v10+s18+$0x0], $0xffff;
	[tilespmem:s4+$0x10A00] =	vst v18;
	s4 =	sor.u32 $0x300, s3;
	v10 =	vmov v34  }
0x10f: {  	v18 =	vld.idx.msk [tilespmem:v9+s18+$0x0], $0xffff;
	[tilespmem:s4+$0x10A00] =	vst v22;
	v9 =	vmov v35  }
0x110: {  	v29 =	vor.u32 $0x300, v4;
	[tilespmem:s25+$0x80] =	vst v23;
	v31 =	vld.idx.msk [tilespmem:v24+s18+$0x0], $0xffff  }
0x111: {  	[tilespmem:s16+$0x80] =	vst v21;
	v22 =	vld.idx.msk [tilespmem:v25+s18+$0x0], $0xffff  }
.Ltmp0:
0x112: {  	v21 =	vld.idx.msk [tilespmem:v26+s18+$0x0], $0xffff;
	[tilespmem:s22+$0x80] =	vst v20;
	(pc) =	sbr.rel @p2 .LBB2_3-.Ltmp0, $4  }
0x113: {  	v26 =	vor.u32 $0x180, v6;
	v23 =	vld.idx.msk [tilespmem:v28+s18+$0x0], $0xffff;
	[tilespmem:s11+$0x80] =	vst v19  }
0x114: {  	v25 =	vor.u32 $0x180, v5;
	v24 =	vld.idx.msk [tilespmem:v30+s18+$0x0], $0xffff;
	[tilespmem:s7+$0x10A00] =	vst v39  }
0x115: {  	s3 =	sor.u32 $0x380, s3;
	v19 =	vld.idx.msk [tilespmem:v29+s18+$0x0], $0xffff;
	[tilespmem:s5+$0x10A00] =	vst v27  }
0x116: {  	s12 =	sadd.s32 $0x40, s12;
	v20 =	vld.idx.msk [tilespmem:v8+s18+$0x0], $0xffff;
	[tilespmem:s3+$0x10A00] =	vst v31;
	v8 =	vmov v37  }
0x117: {  	_ =	sdelay $0x2  }
0x118: {  	[tilespmem:s25+$0x100] =	vst v22  }
0x119: {  	[tilespmem:s16+$0x100] =	vst v21;
	v22 =	vld.idx.msk [tilespmem:v26+s18+$0x0], $0xffff  }
0x11a: {  	v54 =	vor.u32 $0x200, v6;
	[tilespmem:s22+$0x100] =	vst v23;
	v21 =	vld.idx.msk [tilespmem:v25+s18+$0x0], $0xffff  }
0x11b: {  	v55 =	vor.u32 $0x200, v5;
	v17 =	vld.idx.msk [tilespmem:v17+s18+$0x0], $0xffff;
	[tilespmem:s11+$0x100] =	vst v24  }
0x11c: {  	v16 =	vld.idx.msk [tilespmem:v16+s18+$0x0], $0xffff;
	_ =	sdelay $0x1  }
0x11d: {  	p1 =	por !p1, !p1;
	s0 =	simm.s32 $0x1;
	[tilespmem:s25+$0x180] =	vst v22  }
0x11e: {  	s0 =	simm.s32 @!p1 $0x0;
	[tilespmem:s16+$0x180] =	vst v21;
	v22 =	vld.idx.msk [tilespmem:v54+s18+$0x0], $0xffff  }
0x11f: {  	v56 =	vor.u32 $0x280, v6;
	s0 =	sshll.u32 s0, $0x6;
	[tilespmem:s22+$0x180] =	vst v17;
	v57 =	vld.idx.msk [tilespmem:v55+s18+$0x0], $0xffff  }
0x120: {  	v58 =	vor.u32 $0x280, v5;
	s0 =	sadd.s32 s0, s1;
	v15 =	vld.idx.msk [tilespmem:v15+s18+$0x0], $0xffff;
	[tilespmem:s11+$0x180] =	vst v16  }
0x121: {  	s1 =	sadd.s32 $0x30, s0;
	v13 =	vld.idx.msk [tilespmem:v13+s18+$0x0], $0xffff  }
0x122: {  	s3 =	sor.u32 $0x200, s1  }
0x123: {  	s2 =	sadd.s32 $0x10, s0;
	s11 =	sor.u32 $0x200, s0;
	[tilespmem:s3+$0x10A00] =	vst v22  }
0x124: {  	s4 =	sadd.s32 $0x20, s0;
	s5 =	sor.u32 $0x200, s2;
	[tilespmem:s11+$0x10A00] =	vst v57;
	v17 =	vld.idx.msk [tilespmem:v56+s18+$0x0], $0xffff  }
0x125: {  	v59 =	vor.u32 $0x300, v6;
	s7 =	sor.u32 $0x200, s4;
	[tilespmem:s5+$0x10A00] =	vst v15;
	v60 =	vld.idx.msk [tilespmem:v58+s18+$0x0], $0xffff  }
0x126: {  	v61 =	vor.u32 $0x300, v5;
	v12 =	vld.idx.msk [tilespmem:v12+s18+$0x0], $0xffff;
	[tilespmem:s7+$0x10A00] =	vst v13  }
0x127: {  	v11 =	vld.idx.msk [tilespmem:v11+s18+$0x0], $0xffff  }
0x128: {  	[tilespmem:s21+$0x10A00] =	vst v18;
	s12 =	sor.u32 $0x280, s1  }
0x129: {  	s20 =	sor.u32 $0x280, s0;
	[tilespmem:s12+$0x10A00] =	vst v17  }
0x12a: {  	v4 =	vor.u32 $0x380, v4;
	s16 =	sor.u32 $0x280, s2;
	[tilespmem:s20+$0x10A00] =	vst v60;
	v15 =	vld.idx.msk [tilespmem:v59+s18+$0x0], $0xffff  }
0x12b: {  	v62 =	vor.u32 $0x380, v6;
	s17 =	sor.u32 $0x280, s4;
	[tilespmem:s16+$0x10A00] =	vst v12;
	v63 =	vld.idx.msk [tilespmem:v61+s18+$0x0], $0xffff  }
0x12c: {  	v5 =	vor.u32 $0x380, v5;
	v10 =	vld.idx.msk [tilespmem:v10+s18+$0x0], $0xffff;
	[tilespmem:s17+$0x10A00] =	vst v11  }
0x12d: {  	[tilespmem:s14+$0x10A00] =	vst v19;
	v9 =	vld.idx.msk [tilespmem:v9+s18+$0x0], $0xffff  }
0x12e: {  	v7 =	vld.idx.msk [tilespmem:v7+s18+$0x0], $0xffff;
	[tilespmem:s13+$0x10A00] =	vst v20;
	s21 =	sor.u32 $0x300, s1  }
0x12f: {  	s26 =	sor.u32 $0x300, s0;
	v4 =	vld.idx.msk [tilespmem:v4+s18+$0x0], $0xffff;
	[tilespmem:s21+$0x10A00] =	vst v15  }
0x130: {  	s22 =	sor.u32 $0x300, s2;
	[tilespmem:s26+$0x10A00] =	vst v63;
	v6 =	vld.idx.msk [tilespmem:v62+s18+$0x0], $0xffff  }
0x131: {  	s25 =	sor.u32 $0x300, s4;
	[tilespmem:s22+$0x10A00] =	vst v10;
	v5 =	vld.idx.msk [tilespmem:v5+s18+$0x0], $0xffff  }
0x132: {  	v8 =	vld.idx.msk [tilespmem:v8+s18+$0x0], $0xffff;
	[tilespmem:s25+$0x10A00] =	vst v9  }
0x133: {  	[tilespmem:s8+$0x10A00] =	vst v7;
	v9 =	vld.idx.msk [tilespmem:v14+s18+$0x0], $0xffff  }
0x134: {  	s1 =	sor.u32 $0x380, s1;
	[tilespmem:s15+$0x10A00] =	vst v4  }
0x135: {  	s29 =	sor.u32 $0x380, s0;
	[tilespmem:s1+$0x10A00] =	vst v6  }
0x136: {  	p1 =	sne.s32 s10, $0xF;
	s2 =	sor.u32 $0x380, s2;
	[tilespmem:s29+$0x10A00] =	vst v5  }
.Ltmp1:
0x137: {  	s28 =	sor.u32 $0x380, s4;
	[tilespmem:s2+$0x10A00] =	vst v8;
	(pc) =	sbr.rel @p1 .LBB2_6-.Ltmp1, $4  }
0x138: {  	[tilespmem:s28+$0x10A00] =	vst v9  }
0x139: {  	s0 =	sshll.u32 s10, $0xC;
	s1 =	rddreg [dreg:$0x12]  }
0x13a: {  	s30 =	simm.s32 $0x10A00;
	s1 =	sadd.s32 s0, s1  }
0x13b: {  	[hbm4b:s1+s6] =	stream.linear.scatter [tilespmem:s30], [sflag:$0x3], $0x4000, $0x38;
	[tilespmem:$0x1CA00] =	vst v63  }
.Ltmp2:
0x13c: {  	(pc) =	sbr.rel .LBB2_7-.Ltmp2, $4  }
0x13d: {  	s1 =	simm.s32 $0x2  }
0x13e: {  	_ =	swait.ge [sflag:s1], $0x8000  }
0x13f: {  	[sflag:s1] =	ssyncset.done $0x0  }
0x140: {  	[sflag:s1] =	ssyncadd.s32 $0xFFFF8000  }
.LBB2_6:
0x141: {  	s1 =	sshrl.u32 s24, $0x2  }
0x142: {  	v4 =	vld.msk [tilespmem:s1+$0x810], $0xff;
	_ =	sdelay $0x4  }
0x143: {  	v5 =	vshll.u32 v4, $0x5  }
0x144: {  	v4 =	vand.u32 $0x7, v4;
	v5 =	vand.u32 $0xFFFFFF00, v5  }
0x145: {  	v4 =	vor.u32 v4, v5  }
0x146: {  	v4 =	vperm.xlane v4, v1;
	_ =	sdelay $0x1  }
0x147: {  	v4 =	vadd.s32 v2, v4;
	_ =	sdelay $0x2  }
0x148: {  	s20 =	rddreg [dreg:$0x0]  }
0x149: {  	s21 =	rddreg [dreg:$0xd]  }
0x14a: {  	[tilespmem:s18], [sflag:$0x1] =	stream.indirect_vreg.gather [hbm4b:s20+s6], $0x80, v4, vm0, $0xb8;
	[tilespmem:$0x1CA00] =	vst v63  }
0x14b: {  	s2 =	simm.s32 $0x1200;
	s22 =	rddreg [dreg:$0xe]  }
0x14c: {  	[tilespmem:s2], [sflag:$0x1] =	stream.indirect_vreg.gather [hbm4b:s21+s6], $0x80, v4, vm0, $0xb8;
	[tilespmem:$0x1CA00] =	vst v63  }
0x14d: {  	s25 =	simm.s32 $0x1A00;
	s26 =	rddreg [dreg:$0xf]  }
0x14e: {  	[tilespmem:s25], [sflag:$0x1] =	stream.indirect_vreg.gather [hbm4b:s22+s6], $0x80, v4, vm0, $0xb8;
	[tilespmem:$0x1CA00] =	vst v63  }
0x14f: {  	s28 =	simm.s32 $0x2200;
	s29 =	rddreg [dreg:$0x10]  }
0x150: {  	[tilespmem:s28], [sflag:$0x1] =	stream.indirect_vreg.gather [hbm4b:s26+s6], $0x80, v4, vm0, $0xb8;
	[tilespmem:$0x1CA00] =	vst v63  }
0x151: {  	s30 =	simm.s32 $0x2A00;
	s3 =	rddreg [dreg:$0x11]  }
0x152: {  	[tilespmem:s30], [sflag:$0x1] =	stream.indirect_vreg.gather [hbm4b:s29+s6], $0x80, v4, vm0, $0xb8;
	[tilespmem:$0x1CA00] =	vst v63  }
0x153: {  	s4 =	simm.s32 $0x3200;
	s5 =	rddreg [dreg:$0x18]  }
0x154: {  	[tilespmem:s4], [sflag:$0x1] =	stream.indirect_vreg.gather [hbm4b:s3+s6], $0x80, v4, vm0, $0xb8;
	[tilespmem:$0x1CA00] =	vst v63  }
0x155: {  	s7 =	rddreg [dreg:$0x19]  }
0x156: {  	[tilespmem:s31], [sflag:$0x1] =	stream.indirect_vreg.gather [hbm4b:s5+s6], $0x80, v4, vm0, $0xb8;
	[tilespmem:$0x1CA00] =	vst v63  }
0x157: {  	s8 =	rddreg [dreg:$0x1c]  }
0x158: {  	[tilespmem:s19], [sflag:$0x1] =	stream.indirect_vreg.gather [hbm4b:s7+s6], $0x80, v4, vm0, $0xb8;
	[tilespmem:$0x1CA00] =	vst v63  }
0x159: {  	s11 =	simm.s32 $0x4A00;
	s12 =	rddreg [dreg:$0x1d]  }
0x15a: {  	[tilespmem:s11], [sflag:$0x1] =	stream.indirect_vreg.gather [hbm4b:s8+s6], $0x80, v4, vm0, $0xb8;
	[tilespmem:$0x1CA00] =	vst v63  }
0x15b: {  	s13 =	simm.s32 $0x5200;
	s14 =	rddreg [dreg:$0x1e]  }
0x15c: {  	[tilespmem:s13], [sflag:$0x1] =	stream.indirect_vreg.gather [hbm4b:s12+s6], $0x80, v4, vm0, $0xb8;
	[tilespmem:$0x1CA00] =	vst v63  }
0x15d: {  	s15 =	simm.s32 $0x5A00;
	s16 =	rddreg [dreg:$0x1f]  }
0x15e: {  	[tilespmem:s15], [sflag:$0x1] =	stream.indirect_vreg.gather [hbm4b:s14+s6], $0x80, v4, vm0, $0xb8;
	[tilespmem:$0x1CA00] =	vst v63  }
0x15f: {  	s17 =	simm.s32 $0x6200;
	s20 =	sld [smem:$0x7DC]  }
0x160: {  	[tilespmem:s17], [sflag:$0x1] =	stream.indirect_vreg.gather [hbm4b:s16+s6], $0x80, v4, vm0, $0xb8;
	[tilespmem:$0x1CA00] =	vst v63  }
0x161: {  	s21 =	simm.s32 $0x6A00;
	s22 =	sld [smem:$0x7DD]  }
0x162: {  	[tilespmem:s21], [sflag:$0x1] =	stream.indirect_vreg.gather [hbm4b:s20+s6], $0x80, v4, vm0, $0xb8;
	[tilespmem:$0x1CA00] =	vst v63  }
0x163: {  	s25 =	simm.s32 $0x7200;
	s26 =	sld [smem:$0x7DE]  }
0x164: {  	[tilespmem:s25], [sflag:$0x1] =	stream.indirect_vreg.gather [hbm4b:s22+s6], $0x80, v4, vm0, $0xb8;
	[tilespmem:$0x1CA00] =	vst v63  }
0x165: {  	s28 =	simm.s32 $0x7A00;
	s29 =	sld [smem:$0x7DF]  }
0x166: {  	[tilespmem:s28], [sflag:$0x1] =	stream.indirect_vreg.gather [hbm4b:s26+s6], $0x80, v4, vm0, $0xb8;
	[tilespmem:$0x1CA00] =	vst v63  }
.Ltmp3:
0x167: {  	s30 =	simm.s32 $0x8200;
	s31 =	simm.s32 $0x2;
	(pc) =	sbr.rel @p0 .LBB2_8-.Ltmp3, $4  }
0x168: {  	[tilespmem:s30], [sflag:$0x1] =	stream.indirect_vreg.gather [hbm4b:s29+s6], $0x80, v4, vm0, $0xb8;
	[tilespmem:$0x1CA00] =	vst v63  }
0x169: {  	_ =	swait.ge [sflag:s31], $0x8000  }
0x16a: {  	[sflag:s31] =	ssyncset.done $0x0  }
0x16b: {  	[sflag:s31] =	ssyncadd.s32 $0xFFFF8000  }
.LBB2_7:
0x16c: {  	s1 =	simm.s32 $0x4  }
0x16d: {  	_ =	swait.ge [sflag:s1], $0x4000  }
0x16e: {  	[sflag:s1] =	ssyncset.done $0x0  }
0x16f: {  	[sflag:s1] =	ssyncadd.s32 $0xFFFFC000  }
.LBB2_8:
0x170: {  	s1 =	simm.s32 $0x0  }
0x171: {  	s2 =	sand.u32 $0x40, s1  }
0x172: {  	s3 =	sand.u32 $0x780, s1;
	s4 =	sor.u32 $0x30, s2  }
0x173: {  	s5 =	sor.u32 s4, s3  }
0x174: {  	v4 =	vld [tilespmem:s5+$0x0]  }
0x175: {  	v5 =	vld [tilespmem:s1+$0x0];
	s30 =	sor.u32 $0x10, s2  }
0x176: {  	s7 =	sor.u32 $0x20, s2;
	s8 =	sor.u32 s30, s3  }
0x177: {  	s3 =	sor.u32 s7, s3;
	v6 =	vld [tilespmem:s8+$0x0]  }
0x178: {  	v7 =	vld [tilespmem:s3+$0x0]  }
0x179: {  	v8 =	vshll.u32 v4, $0x3  }
0x17a: {  	v9 =	vshll.u32 v5, $0x3;
	v4 =	vand.u32 $0x7F, v4;
	v8 =	vand.u32 $0xFFFFFC00, v8  }
0x17b: {  	v5 =	vand.u32 $0x7F, v5;
	v10 =	vand.u32 $0xFFFFFC00, v9;
	v9 =	vor.u32 v4, v8  }
0x17c: {  	v4 =	vor.u32 v5, v10;
	v5 =	vshll.u32 v6, $0x3  }
0x17d: {  	v8 =	vshll.u32 v7, $0x3;
	v6 =	vand.u32 $0x7F, v6;
	v5 =	vand.u32 $0xFFFFFC00, v5  }
0x17e: {  	v10 =	vand.u32 $0xFFFFFC00, v8;
	v8 =	vor.u32 v6, v5;
	v5 =	vand.u32 $0x7F, v7  }
0x17f: {  	v7 =	vor.u32 v5, v10  }
0x180: {  	v5 =	vld.idx.msk [tilespmem:v9+s23+$0x0], $0xffff  }
0x181: {  	v10 =	vor.u32 $0x80, v9;
	v6 =	vld.idx.msk [tilespmem:v4+s23+$0x0], $0xffff  }
0x182: {  	s1 =	sand.u32 $0x3C00, s1;
	v11 =	vor.u32 $0x80, v4  }
0x183: {  	s1 =	sadd.s32 $0x14A00, s1;
	v12 =	vld.idx.msk [tilespmem:v8+s23+$0x0], $0xffff  }
0x184: {  	s12 =	sor.u32 s4, s1;
	v13 =	vor.u32 $0x80, v8;
	v14 =	vld.idx.msk [tilespmem:v7+s23+$0x0], $0xffff  }
0x185: {  	s31 =	sor.u32 s2, s1;
	v15 =	vor.u32 $0x80, v7;
	[tilespmem:s12+$0x0] =	vst v5  }
0x186: {  	[tilespmem:s31+$0x0] =	vst v6;
	v5 =	vld.idx.msk [tilespmem:v10+s23+$0x0], $0xffff  }
0x187: {  	s5 =	sor.u32 s30, s1;
	v6 =	vld.idx.msk [tilespmem:v11+s23+$0x0], $0xffff;
	v10 =	vor.u32 $0x100, v9  }
0x188: {  	s2 =	sor.u32 s7, s1;
	v11 =	vor.u32 $0x100, v4;
	[tilespmem:s5+$0x0] =	vst v12  }
0x189: {  	v12 =	vld.idx.msk [tilespmem:v13+s23+$0x0], $0xffff;
	[tilespmem:s2+$0x0] =	vst v14  }
0x18a: {  	v13 =	vor.u32 $0x100, v8;
	v14 =	vld.idx.msk [tilespmem:v15+s23+$0x0], $0xffff  }
0x18b: {  	v15 =	vor.u32 $0x100, v7;
	[tilespmem:s12+$0x80] =	vst v5  }
0x18c: {  	[tilespmem:s31+$0x80] =	vst v6;
	v5 =	vld.idx.msk [tilespmem:v10+s23+$0x0], $0xffff  }
0x18d: {  	v6 =	vld.idx.msk [tilespmem:v11+s23+$0x0], $0xffff;
	v10 =	vor.u32 $0x180, v9  }
0x18e: {  	v11 =	vor.u32 $0x180, v4;
	[tilespmem:s5+$0x80] =	vst v12  }
0x18f: {  	v12 =	vld.idx.msk [tilespmem:v13+s23+$0x0], $0xffff;
	[tilespmem:s2+$0x80] =	vst v14  }
0x190: {  	s1 =	simm.s32 $0x40;
	v13 =	vor.u32 $0x180, v8;
	v14 =	vld.idx.msk [tilespmem:v15+s23+$0x0], $0xffff  }
0x191: {  	s4 =	sand.u32 $0x40, s1;
	v15 =	vld [tilespmem:s1+$0x0];
	[tilespmem:s12+$0x100] =	vst v5  }
0x192: {  	s13 =	sand.u32 $0x780, s1;
	s11 =	sor.u32 $0x30, s4;
	[tilespmem:s31+$0x100] =	vst v6;
	v5 =	vld.idx.msk [tilespmem:v10+s23+$0x0], $0xffff  }
0x193: {  	s17 =	sor.u32 s11, s13;
	v6 =	vor.u32 $0x180, v7;
	v10 =	vld.idx.msk [tilespmem:v11+s23+$0x0], $0xffff  }
0x194: {  	s20 =	sor.u32 $0x10, s4;
	v11 =	vor.u32 $0x200, v9;
	[tilespmem:s5+$0x100] =	vst v12;
	v12 =	vld [tilespmem:s17+$0x0]  }
0x195: {  	s22 =	sor.u32 $0x20, s4;
	s14 =	sor.u32 s20, s13;
	v13 =	vld.idx.msk [tilespmem:v13+s23+$0x0], $0xffff  }
0x196: {  	s13 =	sor.u32 s22, s13;
	v17 =	vld [tilespmem:s14+$0x0];
	v16 =	vor.u32 $0x200, v8;
	v18 =	vshll.u32 v15, $0x3  }
0x197: {  	v19 =	vld [tilespmem:s13+$0x0];
	[tilespmem:s2+$0x100] =	vst v14;
	v14 =	vor.u32 $0x200, v4;
	v15 =	vand.u32 $0x7F, v15;
	v18 =	vand.u32 $0xFFFFFC00, v18  }
0x198: {  	p0 =	por $0x0, $0x0;
	v20 =	vld.idx.msk [tilespmem:v6+s23+$0x0], $0xffff;
	[tilespmem:s12+$0x180] =	vst v5;
	v5 =	vor.u32 v15, v18;
	s12 =	simm.s32 $0x1  }
0x199: {  	v15 =	vor.u32 $0x200, v7;
	v11 =	vld.idx.msk [tilespmem:v11+s23+$0x0], $0xffff;
	v6 =	vshll.u32 v12, $0x3;
	s12 =	simm.s32 @!p0 $0x0  }
0x19a: {  	v12 =	vand.u32 $0x7F, v12;
	[tilespmem:s5+$0x180] =	vst v13;
	v6 =	vand.u32 $0xFFFFFC00, v6;
	s26 =	sshll.u32 s12, $0x6;
	v13 =	vor.u32 $0x280, v9  }
0x19b: {  	v18 =	vor.u32 $0x280, v8;
	[tilespmem:s31+$0x180] =	vst v10;
	v10 =	vld.idx.msk [tilespmem:v16+s23+$0x0], $0xffff;
	v16 =	vshll.u32 v17, $0x3;
	v6 =	vor.u32 v12, v6;
	s3 =	sadd.s32 $0x0, s26  }
0x19c: {  	v12 =	vld.idx.msk [tilespmem:v14+s23+$0x0], $0xffff;
	v14 =	vshll.u32 v19, $0x3;
	v17 =	vand.u32 $0x7F, v17;
	v16 =	vand.u32 $0xFFFFFC00, v16;
	s5 =	sadd.s32 $0x30, s3  }
0x19d: {  	v14 =	vand.u32 $0xFFFFFC00, v14;
	[tilespmem:s2+$0x180] =	vst v20;
	v21 =	vld.idx.msk [tilespmem:v5+s23+$0x0], $0xffff;
	v25 =	vor.u32 v17, v16;
	v16 =	vand.u32 $0x7F, v19;
	s28 =	sor.u32 $0x200, s5  }
0x19e: {  	s8 =	sadd.s32 $0x10, s3;
	v15 =	vld.idx.msk [tilespmem:v15+s23+$0x0], $0xffff;
	v14 =	vor.u32 v16, v14;
	[tilespmem:s28+$0x14A00] =	vst v11  }
0x19f: {  	s29 =	sor.u32 $0x200, s8;
	v11 =	vor.u32 $0x280, v4;
	v13 =	vld.idx.msk [tilespmem:v13+s23+$0x0], $0xffff  }
0x1a0: {  	s15 =	simm.s32 $0x200;
	s30 =	sor.u32 $0x200, s3;
	v16 =	vor.u32 $0x280, v7;
	v17 =	vld.idx.msk [tilespmem:v6+s23+$0x0], $0xffff;
	[tilespmem:s29+$0x14A00] =	vst v10  }
0x1a1: {  	s16 =	sand.u32 $0x3C00, s15;
	s12 =	sadd.s32 $0x20, s3;
	[tilespmem:s30+$0x14A00] =	vst v12;
	v12 =	vor.u32 $0x80, v5;
	v10 =	vld.idx.msk [tilespmem:v18+s23+$0x0], $0xffff  }
0x1a2: {  	s13 =	sadd.s32 $0x14A00, s16;
	s31 =	sor.u32 $0x200, s12;
	v18 =	vor.u32 $0x300, v9;
	v19 =	vld.idx.msk [tilespmem:v25+s23+$0x0], $0xffff  }
0x1a3: {  	s21 =	sor.u32 s4, s13;
	v20 =	vor.u32 $0x80, v6;
	[tilespmem:s31+$0x14A00] =	vst v15;
	v22 =	vld.idx.msk [tilespmem:v14+s23+$0x0], $0xffff  }
0x1a4: {  	s17 =	sor.u32 $0x280, s5;
	v23 =	vor.u32 $0x80, v25;
	[tilespmem:s21+$0x0] =	vst v21;
	v26 =	vld.idx.msk [tilespmem:v11+s23+$0x0], $0xffff  }
0x1a5: {  	s26 =	sor.u32 s11, s13;
	v11 =	vor.u32 $0x80, v14;
	v15 =	vld.idx.msk [tilespmem:v16+s23+$0x0], $0xffff;
	[tilespmem:s17+$0x14A00] =	vst v13  }
0x1a6: {  	s25 =	sor.u32 s20, s13;
	s20 =	sor.u32 $0x280, s8;
	v13 =	vor.u32 $0x300, v8;
	[tilespmem:s26+$0x0] =	vst v17;
	v12 =	vld.idx.msk [tilespmem:v12+s23+$0x0], $0xffff  }
0x1a7: {  	v17 =	vor.u32 $0x300, v7;
	v16 =	vld.idx.msk [tilespmem:v18+s23+$0x0], $0xffff;
	[tilespmem:s20+$0x14A00] =	vst v10  }
0x1a8: {  	s11 =	sor.u32 s22, s13;
	v9 =	vor.u32 $0x380, v9;
	v20 =	vld.idx.msk [tilespmem:v20+s23+$0x0], $0xffff;
	[tilespmem:s25+$0x0] =	vst v19  }
0x1a9: {  	s22 =	sor.u32 $0x280, s12;
	v21 =	vor.u32 $0x100, v6;
	v19 =	vld.idx.msk [tilespmem:v23+s23+$0x0], $0xffff;
	[tilespmem:s11+$0x0] =	vst v22  }
0x1aa: {  	s29 =	sor.u32 $0x280, s3;
	v22 =	vor.u32 $0x100, v5;
	[tilespmem:s22+$0x14A00] =	vst v15;
	v11 =	vld.idx.msk [tilespmem:v11+s23+$0x0], $0xffff  }
0x1ab: {  	s28 =	sor.u32 $0x300, s5;
	v10 =	vor.u32 $0x100, v25;
	[tilespmem:s29+$0x14A00] =	vst v26;
	v27 =	vld.idx.msk [tilespmem:v13+s23+$0x0], $0xffff  }
0x1ac: {  	v24 =	vor.u32 $0x100, v14;
	v18 =	vld.idx.msk [tilespmem:v17+s23+$0x0], $0xffff;
	[tilespmem:s28+$0x14A00] =	vst v16  }
0x1ad: {  	[tilespmem:s26+$0x80] =	vst v20;
	v20 =	vor.u32 $0x300, v4;
	v28 =	vld.idx.msk [tilespmem:v9+s23+$0x0], $0xffff  }
0x1ae: {  	v29 =	vor.u32 $0x380, v8;
	[tilespmem:s21+$0x80] =	vst v12;
	v23 =	vld.idx.msk [tilespmem:v21+s23+$0x0], $0xffff  }
0x1af: {  	v8 =	vor.u32 $0x380, v25;
	v21 =	vld.idx.msk [tilespmem:v22+s23+$0x0], $0xffff;
	[tilespmem:s25+$0x80] =	vst v19  }
0x1b0: {  	v15 =	vor.u32 $0x200, v25;
	v26 =	vor.u32 $0x180, v6;
	v17 =	vor.u32 $0x180, v25;
	v22 =	vld.idx.msk [tilespmem:v10+s23+$0x0], $0xffff;
	[tilespmem:s11+$0x80] =	vst v11  }
0x1b1: {  	s2 =	simm.s32 $0x4;
	s14 =	sor.u32 $0x300, s3;
	s30 =	sor.u32 $0x300, s8;
	v12 =	vor.u32 $0x280, v25;
	v10 =	vor.u32 $0x300, v25;
	v25 =	vor.u32 $0x180, v5;
	v24 =	vld.idx.msk [tilespmem:v24+s23+$0x0], $0xffff  }
0x1b2: {  	s16 =	sor.u32 $0x380, s3;
	s13 =	sor.u32 $0x380, s8;
	s31 =	sor.u32 $0x380, s5;
	v7 =	vor.u32 $0x380, v7;
	v13 =	vor.u32 $0x200, v14;
	v16 =	vor.u32 $0x180, v14;
	[tilespmem:s30+$0x14A00] =	vst v27;
	v19 =	vld.idx.msk [tilespmem:v20+s23+$0x0], $0xffff  }
0x1b3: {  	s8 =	sor.u32 $0x380, s12;
	s22 =	sor.u32 $0x300, s12;
	s12 =	simm.s32 $0x80;
	v9 =	vor.u32 $0x300, v14;
	v11 =	vor.u32 $0x280, v14;
	v14 =	vor.u32 $0x380, v14;
	v20 =	vld.idx.msk [tilespmem:v29+s23+$0x0], $0xffff;
	[tilespmem:s31+$0x14A00] =	vst v28  }
.LBB2_9:
0x1b4: {  	v27 =	vld [tilespmem:s12+$0x0];
	[tilespmem:s26+$0x100] =	vst v23;
	s1 =	sadd.s32 $0x40, s1  }
0x1b5: {  	s2 =	sadd.s32 $0x4, s2;
	s28 =	sand.u32 $0x40, s1;
	[tilespmem:s21+$0x100] =	vst v21;
	v21 =	vld.idx.msk [tilespmem:v26+s23+$0x0], $0xffff  }
0x1b6: {  	s3 =	sand.u32 $0x780, s1;
	p1 =	slt.u32 s2, $0x7C;
	s29 =	sor.u32 $0x30, s28;
	v23 =	vld.idx.msk [tilespmem:v25+s23+$0x0], $0xffff;
	[tilespmem:s25+$0x100] =	vst v22  }
0x1b7: {  	s31 =	sor.u32 $0x10, s28;
	s30 =	sor.u32 $0x20, s28;
	v22 =	vor.u32 $0x200, v6;
	s4 =	sor.u32 s29, s3;
	v17 =	vld.idx.msk [tilespmem:v17+s23+$0x0], $0xffff;
	[tilespmem:s11+$0x100] =	vst v24  }
0x1b8: {  	v25 =	vor.u32 $0x200, v5;
	s5 =	sor.u32 s31, s3;
	s3 =	sor.u32 s30, s3;
	v24 =	vld [tilespmem:s4+$0x0];
	[tilespmem:s22+$0x14A00] =	vst v18  }
0x1b9: {  	v18 =	vld [tilespmem:s5+$0x0];
	[tilespmem:s14+$0x14A00] =	vst v19  }
0x1ba: {  	v19 =	vshll.u32 v27, $0x3;
	v26 =	vld [tilespmem:s3+$0x0];
	[tilespmem:s13+$0x14A00] =	vst v20  }
0x1bb: {  	v20 =	vand.u32 $0x7F, v27;
	v19 =	vand.u32 $0xFFFFFC00, v19;
	v16 =	vld.idx.msk [tilespmem:v16+s23+$0x0], $0xffff;
	[tilespmem:s26+$0x180] =	vst v21;
	v21 =	vor.u32 $0x380, v4;
	v4 =	vmovc v5  }
0x1bc: {  	p0 =	por !p0, !p0;
	s3 =	simm.s32 $0x1;
	v5 =	vor.u32 v20, v19;
	[tilespmem:s21+$0x180] =	vst v23;
	v19 =	vld.idx.msk [tilespmem:v22+s23+$0x0], $0xffff  }
0x1bd: {  	s3 =	simm.s32 @!p0 $0x0;
	v20 =	vshll.u32 v24, $0x3;
	v22 =	vld.idx.msk [tilespmem:v25+s23+$0x0], $0xffff;
	[tilespmem:s25+$0x180] =	vst v17  }
0x1be: {  	s3 =	sshll.u32 s3, $0x6;
	v17 =	vand.u32 $0x7F, v24;
	v20 =	vand.u32 $0xFFFFFC00, v20;
	v23 =	vld.idx.msk [tilespmem:v15+s23+$0x0], $0xffff;
	v15 =	vor.u32 $0x280, v6  }
0x1bf: {  	s17 =	sadd.s32 s3, s15;
	v24 =	vshll.u32 v18, $0x3;
	v25 =	vshll.u32 v26, $0x3;
	v20 =	vor.u32 v17, v20;
	v27 =	vld.idx.msk [tilespmem:v7+s23+$0x0], $0xffff;
	v7 =	vmovc v14  }
0x1c0: {  	s13 =	sadd.s32 $0x10, s17;
	s21 =	sadd.s32 $0x20, s17;
	s3 =	sadd.s32 $0x30, s17;
	v14 =	vand.u32 $0x7F, v18;
	v17 =	vand.u32 $0xFFFFFC00, v24;
	v18 =	vand.u32 $0xFFFFFC00, v25;
	v21 =	vld.idx.msk [tilespmem:v21+s23+$0x0], $0xffff  }
0x1c1: {  	s25 =	sor.u32 $0x200, s13;
	s5 =	sor.u32 $0x200, s3;
	v14 =	vor.u32 v14, v17;
	v17 =	vand.u32 $0x7F, v26;
	v25 =	vor.u32 $0x280, v4;
	v24 =	vld.idx.msk [tilespmem:v5+s23+$0x0], $0xffff;
	[tilespmem:s11+$0x180] =	vst v16;
	s11 =	sor.u32 $0x200, s21  }
0x1c2: {  	s7 =	sor.u32 $0x200, s17;
	s20 =	sor.u32 $0x280, s13;
	s4 =	sor.u32 $0x280, s21;
	v26 =	vor.u32 $0x80, v14;
	v28 =	vor.u32 $0x100, v14;
	v18 =	vor.u32 v17, v18;
	v29 =	vld.idx.msk [tilespmem:v13+s23+$0x0], $0xffff;
	[tilespmem:s5+$0x14A00] =	vst v19  }
0x1c3: {  	s22 =	sor.u32 $0x300, s21;
	v17 =	vor.u32 $0x180, v14;
	v19 =	vor.u32 $0x80, v18;
	v30 =	vor.u32 $0x100, v18;
	s5 =	sor.u32 $0x300, s13;
	[tilespmem:s7+$0x14A00] =	vst v22;
	s7 =	sor.u32 $0x280, s17;
	v22 =	vld.idx.msk [tilespmem:v15+s23+$0x0], $0xffff  }
0x1c4: {  	s14 =	sor.u32 $0x300, s17;
	s21 =	sor.u32 $0x380, s21;
	v16 =	vor.u32 $0x180, v18;
	v13 =	vor.u32 $0x200, v18;
	s13 =	sor.u32 $0x380, s13;
	v15 =	vor.u32 $0x200, v14;
	v31 =	vld.idx.msk [tilespmem:v20+s23+$0x0], $0xffff;
	[tilespmem:s25+$0x14A00] =	vst v23  }
0x1c5: {  	v33 =	vor.u32 $0x300, v6;
	s17 =	sor.u32 $0x380, s17;
	v23 =	vor.u32 $0x280, v18;
	v32 =	vld.idx.msk [tilespmem:v12+s23+$0x0], $0xffff;
	v12 =	vor.u32 $0x280, v14;
	[tilespmem:s8+$0x14A00] =	vst v27;
	s8 =	smov.u32 s21  }
0x1c6: {  	s15 =	sadd.s32 $0x200, s15;
	v36 =	vor.u32 $0x80, v20;
	v34 =	vor.u32 $0x300, v14;
	v35 =	vor.u32 $0x300, v18;
	v27 =	vld.idx.msk [tilespmem:v14+s23+$0x0], $0xffff;
	[tilespmem:s16+$0x14A00] =	vst v21;
	s16 =	smov.u32 s17  }
0x1c7: {  	v37 =	vor.u32 $0x380, v14;
	s17 =	sand.u32 $0x3C00, s15;
	v21 =	vor.u32 $0x80, v5;
	v14 =	vor.u32 $0x380, v18;
	v38 =	vld.idx.msk [tilespmem:v18+s23+$0x0], $0xffff  }
0x1c8: {  	s17 =	sadd.s32 $0x14A00, s17;
	v39 =	vld.idx.msk [tilespmem:v25+s23+$0x0], $0xffff;
	[tilespmem:s11+$0x14A00] =	vst v29;
	s11 =	sor.u32 $0x280, s3  }
0x1c9: {  	s21 =	sor.u32 s28, s17;
	s25 =	sor.u32 s31, s17;
	s26 =	sor.u32 s29, s17;
	v18 =	vld.idx.msk [tilespmem:v11+s23+$0x0], $0xffff;
	[tilespmem:s11+$0x14A00] =	vst v22;
	v11 =	vmov v23  }
0x1ca: {  	s11 =	sor.u32 s30, s17;
	[tilespmem:s26+$0x0] =	vst v31;
	v22 =	vld.idx.msk [tilespmem:v33+s23+$0x0], $0xffff  }
0x1cb: {  	[tilespmem:s21+$0x0] =	vst v24;
	v23 =	vld.idx.msk [tilespmem:v36+s23+$0x0], $0xffff  }
0x1cc: {  	v24 =	vor.u32 $0x380, v6;
	v6 =	vmov v20;
	v21 =	vld.idx.msk [tilespmem:v21+s23+$0x0], $0xffff;
	[tilespmem:s25+$0x0] =	vst v27  }
0x1cd: {  	v25 =	vor.u32 $0x100, v6;
	v20 =	vld.idx.msk [tilespmem:v26+s23+$0x0], $0xffff;
	[tilespmem:s11+$0x0] =	vst v38  }
0x1ce: {  	v26 =	vor.u32 $0x100, v5;
	v19 =	vld.idx.msk [tilespmem:v19+s23+$0x0], $0xffff;
	[tilespmem:s20+$0x14A00] =	vst v32  }
0x1cf: {  	v27 =	vld.idx.msk [tilespmem:v10+s23+$0x0], $0xffff;
	[tilespmem:s4+$0x14A00] =	vst v18;
	s4 =	sor.u32 $0x300, s3;
	v10 =	vmov v34  }
0x1d0: {  	v18 =	vld.idx.msk [tilespmem:v9+s23+$0x0], $0xffff;
	[tilespmem:s4+$0x14A00] =	vst v22;
	v9 =	vmov v35  }
0x1d1: {  	v29 =	vor.u32 $0x300, v4;
	[tilespmem:s26+$0x80] =	vst v23;
	v31 =	vld.idx.msk [tilespmem:v24+s23+$0x0], $0xffff  }
0x1d2: {  	[tilespmem:s21+$0x80] =	vst v21;
	v23 =	vld.idx.msk [tilespmem:v25+s23+$0x0], $0xffff  }
.Ltmp4:
0x1d3: {  	v21 =	vld.idx.msk [tilespmem:v26+s23+$0x0], $0xffff;
	[tilespmem:s25+$0x80] =	vst v20;
	(pc) =	sbr.rel @p1 .LBB2_9-.Ltmp4, $4  }
0x1d4: {  	v26 =	vor.u32 $0x180, v6;
	v22 =	vld.idx.msk [tilespmem:v28+s23+$0x0], $0xffff;
	[tilespmem:s11+$0x80] =	vst v19  }
0x1d5: {  	v25 =	vor.u32 $0x180, v5;
	v24 =	vld.idx.msk [tilespmem:v30+s23+$0x0], $0xffff;
	[tilespmem:s7+$0x14A00] =	vst v39  }
0x1d6: {  	s3 =	sor.u32 $0x380, s3;
	v19 =	vld.idx.msk [tilespmem:v29+s23+$0x0], $0xffff;
	[tilespmem:s5+$0x14A00] =	vst v27  }
0x1d7: {  	s12 =	sadd.s32 $0x40, s12;
	v20 =	vld.idx.msk [tilespmem:v8+s23+$0x0], $0xffff;
	[tilespmem:s3+$0x14A00] =	vst v31;
	v8 =	vmov v37  }
0x1d8: {  	_ =	sdelay $0x2  }
0x1d9: {  	[tilespmem:s26+$0x100] =	vst v23  }
0x1da: {  	[tilespmem:s21+$0x100] =	vst v21;
	v23 =	vld.idx.msk [tilespmem:v26+s23+$0x0], $0xffff  }
0x1db: {  	v54 =	vor.u32 $0x200, v6;
	[tilespmem:s25+$0x100] =	vst v22;
	v21 =	vld.idx.msk [tilespmem:v25+s23+$0x0], $0xffff  }
0x1dc: {  	v55 =	vor.u32 $0x200, v5;
	v17 =	vld.idx.msk [tilespmem:v17+s23+$0x0], $0xffff;
	[tilespmem:s11+$0x100] =	vst v24  }
0x1dd: {  	v16 =	vld.idx.msk [tilespmem:v16+s23+$0x0], $0xffff;
	_ =	sdelay $0x1  }
0x1de: {  	p0 =	por !p0, !p0;
	s1 =	simm.s32 $0x1;
	[tilespmem:s26+$0x180] =	vst v23  }
0x1df: {  	s1 =	simm.s32 @!p0 $0x0;
	[tilespmem:s21+$0x180] =	vst v21;
	v22 =	vld.idx.msk [tilespmem:v54+s23+$0x0], $0xffff  }
0x1e0: {  	v56 =	vor.u32 $0x280, v6;
	s1 =	sshll.u32 s1, $0x6;
	[tilespmem:s25+$0x180] =	vst v17;
	v57 =	vld.idx.msk [tilespmem:v55+s23+$0x0], $0xffff  }
0x1e1: {  	v58 =	vor.u32 $0x280, v5;
	s1 =	sadd.s32 s1, s15;
	v15 =	vld.idx.msk [tilespmem:v15+s23+$0x0], $0xffff;
	[tilespmem:s11+$0x180] =	vst v16  }
0x1e2: {  	s2 =	sadd.s32 $0x30, s1;
	v13 =	vld.idx.msk [tilespmem:v13+s23+$0x0], $0xffff  }
0x1e3: {  	s4 =	sor.u32 $0x200, s2  }
0x1e4: {  	s3 =	sadd.s32 $0x10, s1;
	s15 =	sor.u32 $0x200, s1;
	[tilespmem:s4+$0x14A00] =	vst v22  }
0x1e5: {  	s5 =	sadd.s32 $0x20, s1;
	s7 =	sor.u32 $0x200, s3;
	[tilespmem:s15+$0x14A00] =	vst v57;
	v17 =	vld.idx.msk [tilespmem:v56+s23+$0x0], $0xffff  }
0x1e6: {  	v59 =	vor.u32 $0x300, v6;
	s12 =	sor.u32 $0x200, s5;
	[tilespmem:s7+$0x14A00] =	vst v15;
	v60 =	vld.idx.msk [tilespmem:v58+s23+$0x0], $0xffff  }
0x1e7: {  	v61 =	vor.u32 $0x300, v5;
	v12 =	vld.idx.msk [tilespmem:v12+s23+$0x0], $0xffff;
	[tilespmem:s12+$0x14A00] =	vst v13  }
0x1e8: {  	v11 =	vld.idx.msk [tilespmem:v11+s23+$0x0], $0xffff  }
0x1e9: {  	[tilespmem:s22+$0x14A00] =	vst v18;
	s17 =	sor.u32 $0x280, s2  }
0x1ea: {  	s22 =	sor.u32 $0x280, s1;
	[tilespmem:s17+$0x14A00] =	vst v17  }
0x1eb: {  	v4 =	vor.u32 $0x380, v4;
	s20 =	sor.u32 $0x280, s3;
	[tilespmem:s22+$0x14A00] =	vst v60;
	v15 =	vld.idx.msk [tilespmem:v59+s23+$0x0], $0xffff  }
0x1ec: {  	v62 =	vor.u32 $0x380, v6;
	s21 =	sor.u32 $0x280, s5;
	[tilespmem:s20+$0x14A00] =	vst v12;
	v63 =	vld.idx.msk [tilespmem:v61+s23+$0x0], $0xffff  }
0x1ed: {  	v5 =	vor.u32 $0x380, v5;
	v10 =	vld.idx.msk [tilespmem:v10+s23+$0x0], $0xffff;
	[tilespmem:s21+$0x14A00] =	vst v11  }
0x1ee: {  	[tilespmem:s14+$0x14A00] =	vst v19;
	v9 =	vld.idx.msk [tilespmem:v9+s23+$0x0], $0xffff  }
0x1ef: {  	v7 =	vld.idx.msk [tilespmem:v7+s23+$0x0], $0xffff;
	[tilespmem:s13+$0x14A00] =	vst v20;
	s25 =	sor.u32 $0x300, s2  }
0x1f0: {  	s29 =	sor.u32 $0x300, s1;
	v4 =	vld.idx.msk [tilespmem:v4+s23+$0x0], $0xffff;
	[tilespmem:s25+$0x14A00] =	vst v15  }
0x1f1: {  	s26 =	sor.u32 $0x300, s3;
	[tilespmem:s29+$0x14A00] =	vst v63;
	v6 =	vld.idx.msk [tilespmem:v62+s23+$0x0], $0xffff  }
0x1f2: {  	s28 =	sor.u32 $0x300, s5;
	[tilespmem:s26+$0x14A00] =	vst v10;
	v5 =	vld.idx.msk [tilespmem:v5+s23+$0x0], $0xffff  }
0x1f3: {  	v8 =	vld.idx.msk [tilespmem:v8+s23+$0x0], $0xffff;
	[tilespmem:s28+$0x14A00] =	vst v9  }
0x1f4: {  	[tilespmem:s8+$0x14A00] =	vst v7;
	v9 =	vld.idx.msk [tilespmem:v14+s23+$0x0], $0xffff  }
0x1f5: {  	s2 =	sor.u32 $0x380, s2;
	[tilespmem:s16+$0x14A00] =	vst v4  }
0x1f6: {  	s1 =	sor.u32 $0x380, s1;
	[tilespmem:s2+$0x14A00] =	vst v6  }
0x1f7: {  	p0 =	seq.s32 s10, $0xF;
	s3 =	sor.u32 $0x380, s3;
	[tilespmem:s1+$0x14A00] =	vst v5  }
.Ltmp5:
0x1f8: {  	s30 =	sor.u32 $0x380, s5;
	[tilespmem:s3+$0x14A00] =	vst v8;
	(pc) =	sbr.rel @p0 .LBB2_12-.Ltmp5, $4  }
0x1f9: {  	[tilespmem:s30+$0x14A00] =	vst v9  }
0x1fa: {  	s1 =	rddreg [dreg:$0x16]  }
0x1fb: {  	s31 =	simm.s32 $0x14A00;
	s0 =	sadd.s32 s1, s0  }
0x1fc: {  	[hbm4b:s0+s6] =	stream.linear.scatter [tilespmem:s31], [sflag:$0x4], $0x4000, $0x38;
	[tilespmem:$0x1CA00] =	vst v63  }
0x1fd: {  	s0 =	sshrl.u32 s24, $0x2  }
0x1fe: {  	v4 =	vld.msk [tilespmem:s0+$0x818], $0xff;
	_ =	sdelay $0x4  }
0x1ff: {  	v5 =	vshll.u32 v4, $0x5  }
0x200: {  	v4 =	vand.u32 $0x7, v4;
	v5 =	vand.u32 $0xFFFFFF00, v5  }
0x201: {  	v4 =	vor.u32 v4, v5  }
0x202: {  	v4 =	vperm.xlane v4, v1;
	_ =	sdelay $0x1  }
0x203: {  	v4 =	vadd.s32 v2, v4;
	_ =	sdelay $0x2  }
0x204: {  	s21 =	rddreg [dreg:$0x0]  }
0x205: {  	s22 =	rddreg [dreg:$0xd]  }
0x206: {  	[tilespmem:s23], [sflag:$0x2] =	stream.indirect_vreg.gather [hbm4b:s21+s6], $0x80, v4, vm0, $0xb8;
	[tilespmem:$0x1CA00] =	vst v63  }
0x207: {  	s1 =	simm.s32 $0x9200;
	s24 =	rddreg [dreg:$0xe]  }
0x208: {  	[tilespmem:s1], [sflag:$0x2] =	stream.indirect_vreg.gather [hbm4b:s22+s6], $0x80, v4, vm0, $0xb8;
	[tilespmem:$0x1CA00] =	vst v63  }
0x209: {  	s25 =	simm.s32 $0x9A00;
	s26 =	rddreg [dreg:$0xf]  }
0x20a: {  	[tilespmem:s25], [sflag:$0x2] =	stream.indirect_vreg.gather [hbm4b:s24+s6], $0x80, v4, vm0, $0xb8;
	[tilespmem:$0x1CA00] =	vst v63  }
0x20b: {  	s28 =	simm.s32 $0xA200;
	s29 =	rddreg [dreg:$0x10]  }
0x20c: {  	[tilespmem:s28], [sflag:$0x2] =	stream.indirect_vreg.gather [hbm4b:s26+s6], $0x80, v4, vm0, $0xb8;
	[tilespmem:$0x1CA00] =	vst v63  }
0x20d: {  	s30 =	simm.s32 $0xAA00;
	s2 =	rddreg [dreg:$0x11]  }
0x20e: {  	[tilespmem:s30], [sflag:$0x2] =	stream.indirect_vreg.gather [hbm4b:s29+s6], $0x80, v4, vm0, $0xb8;
	[tilespmem:$0x1CA00] =	vst v63  }
0x20f: {  	s3 =	simm.s32 $0xB200;
	s4 =	rddreg [dreg:$0x18]  }
0x210: {  	[tilespmem:s3], [sflag:$0x2] =	stream.indirect_vreg.gather [hbm4b:s2+s6], $0x80, v4, vm0, $0xb8;
	[tilespmem:$0x1CA00] =	vst v63  }
0x211: {  	s5 =	simm.s32 $0xBA00;
	s7 =	rddreg [dreg:$0x19]  }
0x212: {  	[tilespmem:s5], [sflag:$0x2] =	stream.indirect_vreg.gather [hbm4b:s4+s6], $0x80, v4, vm0, $0xb8;
	[tilespmem:$0x1CA00] =	vst v63  }
0x213: {  	s8 =	simm.s32 $0xC200;
	s11 =	rddreg [dreg:$0x1c]  }
0x214: {  	[tilespmem:s8], [sflag:$0x2] =	stream.indirect_vreg.gather [hbm4b:s7+s6], $0x80, v4, vm0, $0xb8;
	[tilespmem:$0x1CA00] =	vst v63  }
0x215: {  	s12 =	simm.s32 $0xCA00;
	s13 =	rddreg [dreg:$0x1d]  }
0x216: {  	[tilespmem:s12], [sflag:$0x2] =	stream.indirect_vreg.gather [hbm4b:s11+s6], $0x80, v4, vm0, $0xb8;
	[tilespmem:$0x1CA00] =	vst v63  }
0x217: {  	s14 =	simm.s32 $0xD200;
	s15 =	rddreg [dreg:$0x1e]  }
0x218: {  	[tilespmem:s14], [sflag:$0x2] =	stream.indirect_vreg.gather [hbm4b:s13+s6], $0x80, v4, vm0, $0xb8;
	[tilespmem:$0x1CA00] =	vst v63  }
0x219: {  	s16 =	simm.s32 $0xDA00;
	s17 =	rddreg [dreg:$0x1f]  }
0x21a: {  	[tilespmem:s16], [sflag:$0x2] =	stream.indirect_vreg.gather [hbm4b:s15+s6], $0x80, v4, vm0, $0xb8;
	[tilespmem:$0x1CA00] =	vst v63  }
0x21b: {  	s20 =	simm.s32 $0xE200;
	s21 =	sld [smem:$0x7DC]  }
0x21c: {  	[tilespmem:s20], [sflag:$0x2] =	stream.indirect_vreg.gather [hbm4b:s17+s6], $0x80, v4, vm0, $0xb8;
	[tilespmem:$0x1CA00] =	vst v63  }
0x21d: {  	s22 =	simm.s32 $0xEA00;
	s24 =	sld [smem:$0x7DD]  }
0x21e: {  	[tilespmem:s22], [sflag:$0x2] =	stream.indirect_vreg.gather [hbm4b:s21+s6], $0x80, v4, vm0, $0xb8;
	[tilespmem:$0x1CA00] =	vst v63  }
0x21f: {  	s25 =	simm.s32 $0xF200;
	s26 =	sld [smem:$0x7DE]  }
0x220: {  	[tilespmem:s25], [sflag:$0x2] =	stream.indirect_vreg.gather [hbm4b:s24+s6], $0x80, v4, vm0, $0xb8;
	[tilespmem:$0x1CA00] =	vst v63  }
.Ltmp6:
0x221: {  	_ = 	snop;
	(pc) =	sbr.rel .LBB2_2-.Ltmp6, $4  }
0x222: {  	s28 =	simm.s32 $0xFA00;
	s29 =	sld [smem:$0x7DF]  }
0x223: {  	[tilespmem:s28], [sflag:$0x2] =	stream.indirect_vreg.gather [hbm4b:s26+s6], $0x80, v4, vm0, $0xb8;
	[tilespmem:$0x1CA00] =	vst v63  }
0x224: {  	s10 =	sadd.s32 $0x1, s10;
	s31 =	simm.s32 $0x3A00;
	s30 =	simm.s32 $0x10200  }
0x225: {  	[tilespmem:s30], [sflag:$0x2] =	stream.indirect_vreg.gather [hbm4b:s29+s6], $0x80, v4, vm0, $0xb8;
	[tilespmem:$0x1CA00] =	vst v63  }
.LBB2_12:
0x226: {  	s0 =	simm.s32 $0x3  }
0x227: {  	_ =	swait.ge [sflag:s0], $0x4000  }
0x228: {  	[sflag:s0] =	ssyncset.done $0x0  }
0x229: {  	s20 =	simm.s32 $0x4;
	[sflag:s0] =	ssyncadd.s32 $0xFFFFC000  }
0x22a: {  	_ =	swait.ge [sflag:s20], $0x4000  }
0x22b: {  	[sflag:s20] =	ssyncset.done $0x0  }
0x22c: {  	[sflag:s20] =	ssyncadd.s32 $0xFFFFC000  }
0x22d: {  	v4 =	vld.msk [tilespmem:$0x800], $0xff;
	_ =	sdelay $0x4  }
0x22e: {  	v5 =	vshll.u32 v4, $0x5  }
0x22f: {  	v4 =	vand.u32 $0x7, v4;
	v5 =	vand.u32 $0xFFFFFF00, v5  }
0x230: {  	v4 =	vor.u32 v4, v5  }
0x231: {  	v4 =	vperm.xlane v4, v1;
	_ =	sdelay $0x1  }
0x232: {  	v4 =	vadd.s32 v2, v4;
	_ =	sdelay $0x2  }
0x233: {  	s1 =	sld [smem:$0x7E0]  }
0x234: {  	s10 =	simm.s32 $0x0;
	s0 =	rddreg [dreg:$0x1]  }
0x235: {  	[tilespmem:s18], [sflag:$0x1] =	stream.indirect_vreg.gather [hbm4b:s0+s10], $0x80, v4, vm0, $0xb8;
	[tilespmem:$0x1CA00] =	vst v63  }
0x236: {  	s2 =	simm.s32 $0x1200  }
0x237: {  	[tilespmem:s2], [sflag:$0x1] =	stream.indirect_vreg.gather [hbm4b:s1+s10], $0x80, v4, vm0, $0xb8;
	[tilespmem:$0x1CA00] =	vst v63  }
0x238: {  	s2 =	sld [smem:$0x7E1];
	_ =	sdelay $0x1  }
0x239: {  	s3 =	simm.s32 $0x1A00  }
0x23a: {  	[tilespmem:s3], [sflag:$0x1] =	stream.indirect_vreg.gather [hbm4b:s2+s10], $0x80, v4, vm0, $0xb8;
	[tilespmem:$0x1CA00] =	vst v63  }
0x23b: {  	s3 =	sld [smem:$0x7E2];
	_ =	sdelay $0x1  }
0x23c: {  	s4 =	simm.s32 $0x2200  }
0x23d: {  	[tilespmem:s4], [sflag:$0x1] =	stream.indirect_vreg.gather [hbm4b:s3+s10], $0x80, v4, vm0, $0xb8;
	[tilespmem:$0x1CA00] =	vst v63  }
0x23e: {  	s4 =	sld [smem:$0x7E3];
	_ =	sdelay $0x1  }
0x23f: {  	s5 =	simm.s32 $0x2A00;
	s21 =	sld [smem:$0x7E4]  }
0x240: {  	[tilespmem:s5], [sflag:$0x1] =	stream.indirect_vreg.gather [hbm4b:s4+s10], $0x80, v4, vm0, $0xb8;
	[tilespmem:$0x1CA00] =	vst v63  }
0x241: {  	s7 =	simm.s32 $0x3200;
	s22 =	sld [smem:$0x7E5]  }
0x242: {  	[tilespmem:s7], [sflag:$0x1] =	stream.indirect_vreg.gather [hbm4b:s21+s10], $0x80, v4, vm0, $0xb8;
	[tilespmem:$0x1CA00] =	vst v63  }
0x243: {  	s8 =	simm.s32 $0x3A00;
	s24 =	sld [smem:$0x7E6]  }
0x244: {  	[tilespmem:s8], [sflag:$0x1] =	stream.indirect_vreg.gather [hbm4b:s22+s10], $0x80, v4, vm0, $0xb8;
	[tilespmem:$0x1CA00] =	vst v63  }
0x245: {  	s11 =	sld [smem:$0x7E7]  }
0x246: {  	[tilespmem:s19], [sflag:$0x1] =	stream.indirect_vreg.gather [hbm4b:s24+s10], $0x80, v4, vm0, $0xb8;
	[tilespmem:$0x1CA00] =	vst v63  }
0x247: {  	s12 =	simm.s32 $0x4A00;
	s25 =	sld [smem:$0x7E8]  }
0x248: {  	[tilespmem:s12], [sflag:$0x1] =	stream.indirect_vreg.gather [hbm4b:s11+s10], $0x80, v4, vm0, $0xb8;
	[tilespmem:$0x1CA00] =	vst v63  }
0x249: {  	s13 =	simm.s32 $0x5200;
	s26 =	sld [smem:$0x7E9]  }
0x24a: {  	[tilespmem:s13], [sflag:$0x1] =	stream.indirect_vreg.gather [hbm4b:s25+s10], $0x80, v4, vm0, $0xb8;
	[tilespmem:$0x1CA00] =	vst v63  }
0x24b: {  	s14 =	simm.s32 $0x5A00;
	s28 =	sld [smem:$0x7EA]  }
0x24c: {  	[tilespmem:s14], [sflag:$0x1] =	stream.indirect_vreg.gather [hbm4b:s26+s10], $0x80, v4, vm0, $0xb8;
	[tilespmem:$0x1CA00] =	vst v63  }
0x24d: {  	s15 =	simm.s32 $0x6200;
	s29 =	sld [smem:$0x7EB]  }
0x24e: {  	[tilespmem:s15], [sflag:$0x1] =	stream.indirect_vreg.gather [hbm4b:s28+s10], $0x80, v4, vm0, $0xb8;
	[tilespmem:$0x1CA00] =	vst v63  }
0x24f: {  	s16 =	simm.s32 $0x6A00  }
0x250: {  	[tilespmem:s16], [sflag:$0x1] =	stream.indirect_vreg.gather [hbm4b:s29+s10], $0x80, v4, vm0, $0xb8;
	[tilespmem:$0x1CA00] =	vst v63  }
0x251: {  	s16 =	sld [smem:$0x7EC];
	_ =	sdelay $0x1  }
0x252: {  	s17 =	simm.s32 $0x7200  }
0x253: {  	[tilespmem:s17], [sflag:$0x1] =	stream.indirect_vreg.gather [hbm4b:s16+s10], $0x80, v4, vm0, $0xb8;
	[tilespmem:$0x1CA00] =	vst v63  }
0x254: {  	s17 =	sld [smem:$0x7ED];
	_ =	sdelay $0x1  }
0x255: {  	s30 =	simm.s32 $0x7A00;
	s19 =	sld [smem:$0x7EE]  }
0x256: {  	[tilespmem:s30], [sflag:$0x1] =	stream.indirect_vreg.gather [hbm4b:s17+s10], $0x80, v4, vm0, $0xb8;
	[tilespmem:$0x1CA00] =	vst v63  }
0x257: {  	s20 =	simm.s32 $0x8200  }
0x258: {  	[tilespmem:s20], [sflag:$0x1] =	stream.indirect_vreg.gather [hbm4b:s19+s10], $0x80, v4, vm0, $0xb8;
	[tilespmem:$0x1CA00] =	vst v63  }
0x259: {  	v4 =	vld.msk [tilespmem:$0x808], $0xff;
	_ =	sdelay $0x4  }
0x25a: {  	v5 =	vshll.u32 v4, $0x5  }
0x25b: {  	v4 =	vand.u32 $0x7, v4;
	v5 =	vand.u32 $0xFFFFFF00, v5  }
0x25c: {  	v4 =	vor.u32 v4, v5  }
0x25d: {  	v4 =	vperm.xlane v4, v1;
	_ =	sdelay $0x1  }
0x25e: {  	v4 =	vadd.s32 v2, v4;
	_ =	sdelay $0x4  }
0x25f: {  	[tilespmem:s23], [sflag:$0x2] =	stream.indirect_vreg.gather [hbm4b:s0+s10], $0x80, v4, vm0, $0xb8;
	[tilespmem:$0x1CA00] =	vst v63  }
0x260: {  	s31 =	simm.s32 $0x9200  }
0x261: {  	[tilespmem:s31], [sflag:$0x2] =	stream.indirect_vreg.gather [hbm4b:s1+s10], $0x80, v4, vm0, $0xb8;
	[tilespmem:$0x1CA00] =	vst v63  }
0x262: {  	s1 =	simm.s32 $0x9A00  }
0x263: {  	[tilespmem:s1], [sflag:$0x2] =	stream.indirect_vreg.gather [hbm4b:s2+s10], $0x80, v4, vm0, $0xb8;
	[tilespmem:$0x1CA00] =	vst v63  }
0x264: {  	s2 =	simm.s32 $0xA200  }
0x265: {  	[tilespmem:s2], [sflag:$0x2] =	stream.indirect_vreg.gather [hbm4b:s3+s10], $0x80, v4, vm0, $0xb8;
	[tilespmem:$0x1CA00] =	vst v63  }
0x266: {  	s3 =	simm.s32 $0xAA00  }
0x267: {  	[tilespmem:s3], [sflag:$0x2] =	stream.indirect_vreg.gather [hbm4b:s4+s10], $0x80, v4, vm0, $0xb8;
	[tilespmem:$0x1CA00] =	vst v63  }
0x268: {  	s4 =	simm.s32 $0xB200  }
0x269: {  	[tilespmem:s4], [sflag:$0x2] =	stream.indirect_vreg.gather [hbm4b:s21+s10], $0x80, v4, vm0, $0xb8;
	[tilespmem:$0x1CA00] =	vst v63  }
0x26a: {  	s20 =	simm.s32 $0xBA00  }
0x26b: {  	[tilespmem:s20], [sflag:$0x2] =	stream.indirect_vreg.gather [hbm4b:s22+s10], $0x80, v4, vm0, $0xb8;
	[tilespmem:$0x1CA00] =	vst v63  }
0x26c: {  	s21 =	simm.s32 $0xC200  }
0x26d: {  	[tilespmem:s21], [sflag:$0x2] =	stream.indirect_vreg.gather [hbm4b:s24+s10], $0x80, v4, vm0, $0xb8;
	[tilespmem:$0x1CA00] =	vst v63  }
0x26e: {  	s22 =	simm.s32 $0xCA00  }
0x26f: {  	[tilespmem:s22], [sflag:$0x2] =	stream.indirect_vreg.gather [hbm4b:s11+s10], $0x80, v4, vm0, $0xb8;
	[tilespmem:$0x1CA00] =	vst v63  }
0x270: {  	s24 =	simm.s32 $0xD200  }
0x271: {  	[tilespmem:s24], [sflag:$0x2] =	stream.indirect_vreg.gather [hbm4b:s25+s10], $0x80, v4, vm0, $0xb8;
	[tilespmem:$0x1CA00] =	vst v63  }
0x272: {  	s25 =	simm.s32 $0xDA00  }
0x273: {  	[tilespmem:s25], [sflag:$0x2] =	stream.indirect_vreg.gather [hbm4b:s26+s10], $0x80, v4, vm0, $0xb8;
	[tilespmem:$0x1CA00] =	vst v63  }
0x274: {  	s26 =	simm.s32 $0xE200  }
0x275: {  	[tilespmem:s26], [sflag:$0x2] =	stream.indirect_vreg.gather [hbm4b:s28+s10], $0x80, v4, vm0, $0xb8;
	[tilespmem:$0x1CA00] =	vst v63  }
0x276: {  	s28 =	simm.s32 $0xEA00  }
0x277: {  	[tilespmem:s28], [sflag:$0x2] =	stream.indirect_vreg.gather [hbm4b:s29+s10], $0x80, v4, vm0, $0xb8;
	[tilespmem:$0x1CA00] =	vst v63  }
0x278: {  	s29 =	simm.s32 $0xF200  }
0x279: {  	[tilespmem:s29], [sflag:$0x2] =	stream.indirect_vreg.gather [hbm4b:s16+s10], $0x80, v4, vm0, $0xb8;
	[tilespmem:$0x1CA00] =	vst v63  }
0x27a: {  	s30 =	simm.s32 $0xFA00  }
0x27b: {  	[tilespmem:s30], [sflag:$0x2] =	stream.indirect_vreg.gather [hbm4b:s17+s10], $0x80, v4, vm0, $0xb8;
	[tilespmem:$0x1CA00] =	vst v63  }
0x27c: {  	s31 =	simm.s32 $0x10200  }
0x27d: {  	[tilespmem:s31], [sflag:$0x2] =	stream.indirect_vreg.gather [hbm4b:s19+s10], $0x80, v4, vm0, $0xb8;
	[tilespmem:$0x1CA00] =	vst v63  }
0x27e: {  	s0 =	simm.s32 $0x1;
	s24 =	simm.s32 $0x0;
	s19 =	simm.s32 $0x4200  }
.LBB2_13:
0x27f: {  	_ =	swait.ge [sflag:s0], $0x8000  }
0x280: {  	p0 =	seq.s32 s24, $0x0;
	[sflag:s0] =	ssyncset.done $0x0  }
0x281: {  	[sflag:s0] =	ssyncadd.s32 $0xFFFF8000;
	s0 =	simm.s32 @!p0 $0x3  }
0x282: {  	s1 =	sand.u32 $0x40, s10;
	_ =	swait.ge @!p0 [sflag:s0], $0x4000  }
0x283: {  	s2 =	sand.u32 $0x780, s10;
	s3 =	sor.u32 $0x30, s1;
	[sflag:s0] =	ssyncset.done @!p0 $0x0  }
0x284: {  	s16 =	sor.u32 s3, s2;
	[sflag:s0] =	ssyncadd.s32 @!p0 $0xFFFFC000  }
0x285: {  	v4 =	vld [tilespmem:s16+$0x0]  }
0x286: {  	s17 =	sor.u32 $0x10, s1;
	v5 =	vld [tilespmem:s10+$0x0]  }
0x287: {  	s4 =	sor.u32 $0x20, s1;
	s5 =	sor.u32 s17, s2  }
0x288: {  	s2 =	sor.u32 s4, s2;
	v6 =	vld [tilespmem:s5+$0x0]  }
0x289: {  	v7 =	vld [tilespmem:s2+$0x0]  }
0x28a: {  	v8 =	vshll.u32 v4, $0x3  }
0x28b: {  	v9 =	vshll.u32 v5, $0x3;
	v4 =	vand.u32 $0x7F, v4;
	v8 =	vand.u32 $0xFFFFFC00, v8  }
0x28c: {  	v5 =	vand.u32 $0x7F, v5;
	v10 =	vand.u32 $0xFFFFFC00, v9;
	v9 =	vor.u32 v4, v8  }
0x28d: {  	v4 =	vor.u32 v5, v10;
	v5 =	vshll.u32 v6, $0x3  }
0x28e: {  	v8 =	vshll.u32 v7, $0x3;
	v6 =	vand.u32 $0x7F, v6;
	v5 =	vand.u32 $0xFFFFFC00, v5  }
0x28f: {  	v10 =	vand.u32 $0xFFFFFC00, v8;
	v8 =	vor.u32 v6, v5;
	v5 =	vand.u32 $0x7F, v7  }
0x290: {  	v7 =	vor.u32 v5, v10  }
0x291: {  	v5 =	vld.idx.msk [tilespmem:v9+s18+$0x0], $0xffff  }
0x292: {  	v10 =	vor.u32 $0x80, v9;
	v6 =	vld.idx.msk [tilespmem:v4+s18+$0x0], $0xffff  }
0x293: {  	s20 =	sand.u32 $0x3C00, s10;
	v11 =	vor.u32 $0x80, v4  }
0x294: {  	s2 =	sadd.s32 $0x10A00, s20;
	v12 =	vld.idx.msk [tilespmem:v8+s18+$0x0], $0xffff  }
0x295: {  	s21 =	sor.u32 s3, s2;
	v13 =	vor.u32 $0x80, v8;
	v14 =	vld.idx.msk [tilespmem:v7+s18+$0x0], $0xffff  }
0x296: {  	s22 =	sor.u32 s1, s2;
	v15 =	vor.u32 $0x80, v7;
	[tilespmem:s21+$0x0] =	vst v5  }
0x297: {  	[tilespmem:s22+$0x0] =	vst v6;
	v5 =	vld.idx.msk [tilespmem:v10+s18+$0x0], $0xffff  }
0x298: {  	s11 =	sor.u32 s17, s2;
	v6 =	vld.idx.msk [tilespmem:v11+s18+$0x0], $0xffff;
	v10 =	vor.u32 $0x100, v9  }
0x299: {  	s4 =	sor.u32 s4, s2;
	v11 =	vor.u32 $0x100, v4;
	[tilespmem:s11+$0x0] =	vst v12  }
0x29a: {  	v12 =	vld.idx.msk [tilespmem:v13+s18+$0x0], $0xffff;
	[tilespmem:s4+$0x0] =	vst v14  }
0x29b: {  	v13 =	vor.u32 $0x100, v8;
	v14 =	vld.idx.msk [tilespmem:v15+s18+$0x0], $0xffff  }
0x29c: {  	v15 =	vor.u32 $0x100, v7;
	[tilespmem:s21+$0x80] =	vst v5  }
0x29d: {  	[tilespmem:s22+$0x80] =	vst v6;
	v5 =	vld.idx.msk [tilespmem:v10+s18+$0x0], $0xffff  }
0x29e: {  	v6 =	vld.idx.msk [tilespmem:v11+s18+$0x0], $0xffff;
	v10 =	vor.u32 $0x180, v9  }
0x29f: {  	v11 =	vor.u32 $0x180, v4;
	[tilespmem:s11+$0x80] =	vst v12  }
0x2a0: {  	v12 =	vld.idx.msk [tilespmem:v13+s18+$0x0], $0xffff;
	[tilespmem:s4+$0x80] =	vst v14  }
0x2a1: {  	s1 =	simm.s32 $0x40;
	v13 =	vor.u32 $0x180, v8;
	v14 =	vld.idx.msk [tilespmem:v15+s18+$0x0], $0xffff  }
0x2a2: {  	s25 =	sand.u32 $0x40, s1;
	v15 =	vld [tilespmem:s1+$0x0];
	[tilespmem:s21+$0x100] =	vst v5  }
0x2a3: {  	s12 =	sand.u32 $0x780, s1;
	s8 =	sor.u32 $0x30, s25;
	[tilespmem:s22+$0x100] =	vst v6;
	v5 =	vld.idx.msk [tilespmem:v10+s18+$0x0], $0xffff  }
0x2a4: {  	s7 =	sor.u32 s8, s12;
	v6 =	vor.u32 $0x180, v7;
	v10 =	vld.idx.msk [tilespmem:v11+s18+$0x0], $0xffff  }
0x2a5: {  	s28 =	sor.u32 $0x10, s25;
	v11 =	vor.u32 $0x200, v9;
	[tilespmem:s11+$0x100] =	vst v12;
	v12 =	vld [tilespmem:s7+$0x0]  }
0x2a6: {  	s29 =	sor.u32 $0x20, s25;
	s13 =	sor.u32 s28, s12;
	v13 =	vld.idx.msk [tilespmem:v13+s18+$0x0], $0xffff  }
0x2a7: {  	s12 =	sor.u32 s29, s12;
	v17 =	vld [tilespmem:s13+$0x0];
	v16 =	vor.u32 $0x200, v8;
	v18 =	vshll.u32 v15, $0x3  }
0x2a8: {  	v19 =	vld [tilespmem:s12+$0x0];
	[tilespmem:s4+$0x100] =	vst v14;
	v14 =	vor.u32 $0x200, v4;
	v15 =	vand.u32 $0x7F, v15;
	v18 =	vand.u32 $0xFFFFFC00, v18  }
0x2a9: {  	p1 =	por $0x0, $0x0;
	s5 =	simm.s32 $0x1;
	v20 =	vld.idx.msk [tilespmem:v6+s18+$0x0], $0xffff;
	[tilespmem:s21+$0x180] =	vst v5;
	v5 =	vor.u32 v15, v18  }
0x2aa: {  	s5 =	simm.s32 @!p1 $0x0;
	v15 =	vor.u32 $0x200, v7;
	v11 =	vld.idx.msk [tilespmem:v11+s18+$0x0], $0xffff;
	v6 =	vshll.u32 v12, $0x3  }
0x2ab: {  	s5 =	sshll.u32 s5, $0x6;
	v12 =	vand.u32 $0x7F, v12;
	[tilespmem:s11+$0x180] =	vst v13;
	v6 =	vand.u32 $0xFFFFFC00, v6;
	v13 =	vor.u32 $0x280, v9  }
0x2ac: {  	s3 =	sadd.s32 $0x0, s5;
	v18 =	vor.u32 $0x280, v8;
	[tilespmem:s22+$0x180] =	vst v10;
	v10 =	vld.idx.msk [tilespmem:v16+s18+$0x0], $0xffff;
	v16 =	vshll.u32 v17, $0x3;
	v6 =	vor.u32 v12, v6  }
0x2ad: {  	s5 =	sadd.s32 $0x30, s3;
	v12 =	vld.idx.msk [tilespmem:v14+s18+$0x0], $0xffff;
	v14 =	vshll.u32 v19, $0x3;
	v17 =	vand.u32 $0x7F, v17;
	v16 =	vand.u32 $0xFFFFFC00, v16  }
0x2ae: {  	s30 =	sor.u32 $0x200, s5;
	v14 =	vand.u32 $0xFFFFFC00, v14;
	[tilespmem:s4+$0x180] =	vst v20;
	v21 =	vld.idx.msk [tilespmem:v5+s18+$0x0], $0xffff;
	v25 =	vor.u32 v17, v16;
	v16 =	vand.u32 $0x7F, v19  }
0x2af: {  	s31 =	sadd.s32 $0x10, s3;
	v15 =	vld.idx.msk [tilespmem:v15+s18+$0x0], $0xffff;
	v14 =	vor.u32 v16, v14;
	[tilespmem:s30+$0x10A00] =	vst v11  }
0x2b0: {  	s12 =	sor.u32 $0x200, s31;
	v11 =	vor.u32 $0x280, v4;
	v13 =	vld.idx.msk [tilespmem:v13+s18+$0x0], $0xffff  }
0x2b1: {  	s15 =	simm.s32 $0x200;
	s13 =	sor.u32 $0x200, s3;
	v16 =	vor.u32 $0x280, v7;
	v17 =	vld.idx.msk [tilespmem:v6+s18+$0x0], $0xffff;
	[tilespmem:s12+$0x10A00] =	vst v10  }
0x2b2: {  	s16 =	sand.u32 $0x3C00, s15;
	s12 =	sadd.s32 $0x20, s3;
	[tilespmem:s13+$0x10A00] =	vst v12;
	v12 =	vor.u32 $0x80, v5;
	v10 =	vld.idx.msk [tilespmem:v18+s18+$0x0], $0xffff  }
0x2b3: {  	s11 =	sadd.s32 $0x10A00, s16;
	v18 =	vor.u32 $0x300, v9;
	s14 =	sor.u32 $0x200, s12;
	v19 =	vld.idx.msk [tilespmem:v25+s18+$0x0], $0xffff  }
0x2b4: {  	s21 =	sor.u32 s25, s11;
	v20 =	vor.u32 $0x80, v6;
	[tilespmem:s14+$0x10A00] =	vst v15;
	v22 =	vld.idx.msk [tilespmem:v14+s18+$0x0], $0xffff  }
0x2b5: {  	s17 =	sor.u32 $0x280, s5;
	v23 =	vor.u32 $0x80, v25;
	[tilespmem:s21+$0x0] =	vst v21;
	v26 =	vld.idx.msk [tilespmem:v11+s18+$0x0], $0xffff  }
0x2b6: {  	s26 =	sor.u32 s8, s11;
	v11 =	vor.u32 $0x80, v14;
	v15 =	vld.idx.msk [tilespmem:v16+s18+$0x0], $0xffff;
	[tilespmem:s17+$0x10A00] =	vst v13  }
0x2b7: {  	s20 =	sor.u32 $0x280, s31;
	v13 =	vor.u32 $0x300, v8;
	[tilespmem:s26+$0x0] =	vst v17;
	v12 =	vld.idx.msk [tilespmem:v12+s18+$0x0], $0xffff  }
0x2b8: {  	s25 =	sor.u32 s28, s11;
	v17 =	vor.u32 $0x300, v7;
	v16 =	vld.idx.msk [tilespmem:v18+s18+$0x0], $0xffff;
	[tilespmem:s20+$0x10A00] =	vst v10  }
0x2b9: {  	s11 =	sor.u32 s29, s11;
	v9 =	vor.u32 $0x380, v9;
	v20 =	vld.idx.msk [tilespmem:v20+s18+$0x0], $0xffff;
	[tilespmem:s25+$0x0] =	vst v19  }
0x2ba: {  	s22 =	sor.u32 $0x280, s12;
	v21 =	vor.u32 $0x100, v6;
	v19 =	vld.idx.msk [tilespmem:v23+s18+$0x0], $0xffff;
	[tilespmem:s11+$0x0] =	vst v22  }
0x2bb: {  	s29 =	sor.u32 $0x280, s3;
	v23 =	vor.u32 $0x100, v5;
	[tilespmem:s22+$0x10A00] =	vst v15;
	v11 =	vld.idx.msk [tilespmem:v11+s18+$0x0], $0xffff  }
0x2bc: {  	s28 =	sor.u32 $0x300, s5;
	v10 =	vor.u32 $0x100, v25;
	[tilespmem:s29+$0x10A00] =	vst v26;
	v27 =	vld.idx.msk [tilespmem:v13+s18+$0x0], $0xffff  }
0x2bd: {  	v24 =	vor.u32 $0x100, v14;
	v18 =	vld.idx.msk [tilespmem:v17+s18+$0x0], $0xffff;
	[tilespmem:s28+$0x10A00] =	vst v16  }
0x2be: {  	[tilespmem:s26+$0x80] =	vst v20;
	v20 =	vor.u32 $0x300, v4;
	v28 =	vld.idx.msk [tilespmem:v9+s18+$0x0], $0xffff  }
0x2bf: {  	v29 =	vor.u32 $0x380, v8;
	[tilespmem:s21+$0x80] =	vst v12;
	v22 =	vld.idx.msk [tilespmem:v21+s18+$0x0], $0xffff  }
0x2c0: {  	v8 =	vor.u32 $0x380, v25;
	v21 =	vld.idx.msk [tilespmem:v23+s18+$0x0], $0xffff;
	[tilespmem:s25+$0x80] =	vst v19  }
0x2c1: {  	s0 =	sshll.u32 s24, $0x6;
	v15 =	vor.u32 $0x200, v25;
	v26 =	vor.u32 $0x180, v6;
	v17 =	vor.u32 $0x180, v25;
	v23 =	vld.idx.msk [tilespmem:v10+s18+$0x0], $0xffff;
	[tilespmem:s11+$0x80] =	vst v11  }
0x2c2: {  	s2 =	simm.s32 $0x4;
	s16 =	sor.u32 $0x380, s3;
	s30 =	sor.u32 $0x300, s31;
	v12 =	vor.u32 $0x280, v25;
	v10 =	vor.u32 $0x300, v25;
	v25 =	vor.u32 $0x180, v5;
	v24 =	vld.idx.msk [tilespmem:v24+s18+$0x0], $0xffff  }
0x2c3: {  	s13 =	sor.u32 $0x380, s31;
	s31 =	sor.u32 $0x380, s5;
	s8 =	sor.u32 $0x380, s12;
	v7 =	vor.u32 $0x380, v7;
	v13 =	vor.u32 $0x200, v14;
	v16 =	vor.u32 $0x180, v14;
	[tilespmem:s30+$0x10A00] =	vst v27;
	v19 =	vld.idx.msk [tilespmem:v20+s18+$0x0], $0xffff  }
0x2c4: {  	s14 =	sor.u32 $0x300, s3;
	s22 =	sor.u32 $0x300, s12;
	s12 =	simm.s32 $0x80;
	v9 =	vor.u32 $0x300, v14;
	v11 =	vor.u32 $0x280, v14;
	v14 =	vor.u32 $0x380, v14;
	v20 =	vld.idx.msk [tilespmem:v29+s18+$0x0], $0xffff;
	[tilespmem:s31+$0x10A00] =	vst v28  }
.LBB2_14:
0x2c5: {  	v27 =	vld [tilespmem:s12+$0x0];
	[tilespmem:s26+$0x100] =	vst v22;
	s1 =	sadd.s32 $0x40, s1  }
0x2c6: {  	s2 =	sadd.s32 $0x4, s2;
	s28 =	sand.u32 $0x40, s1;
	[tilespmem:s21+$0x100] =	vst v21;
	v21 =	vld.idx.msk [tilespmem:v26+s18+$0x0], $0xffff  }
0x2c7: {  	s3 =	sand.u32 $0x780, s1;
	p2 =	slt.u32 s2, $0x7C;
	s29 =	sor.u32 $0x30, s28;
	v22 =	vld.idx.msk [tilespmem:v25+s18+$0x0], $0xffff;
	[tilespmem:s25+$0x100] =	vst v23  }
0x2c8: {  	s31 =	sor.u32 $0x10, s28;
	s30 =	sor.u32 $0x20, s28;
	v23 =	vor.u32 $0x200, v6;
	s4 =	sor.u32 s29, s3;
	v17 =	vld.idx.msk [tilespmem:v17+s18+$0x0], $0xffff;
	[tilespmem:s11+$0x100] =	vst v24  }
0x2c9: {  	v25 =	vor.u32 $0x200, v5;
	s5 =	sor.u32 s31, s3;
	s3 =	sor.u32 s30, s3;
	v24 =	vld [tilespmem:s4+$0x0];
	[tilespmem:s22+$0x10A00] =	vst v18  }
0x2ca: {  	v18 =	vld [tilespmem:s5+$0x0];
	[tilespmem:s14+$0x10A00] =	vst v19  }
0x2cb: {  	v19 =	vshll.u32 v27, $0x3;
	v26 =	vld [tilespmem:s3+$0x0];
	[tilespmem:s13+$0x10A00] =	vst v20  }
0x2cc: {  	v20 =	vand.u32 $0x7F, v27;
	v19 =	vand.u32 $0xFFFFFC00, v19;
	v16 =	vld.idx.msk [tilespmem:v16+s18+$0x0], $0xffff;
	[tilespmem:s26+$0x180] =	vst v21;
	v21 =	vor.u32 $0x380, v4;
	v4 =	vmovc v5  }
0x2cd: {  	p1 =	por !p1, !p1;
	s3 =	simm.s32 $0x1;
	v5 =	vor.u32 v20, v19;
	[tilespmem:s21+$0x180] =	vst v22;
	v19 =	vld.idx.msk [tilespmem:v23+s18+$0x0], $0xffff  }
0x2ce: {  	s3 =	simm.s32 @!p1 $0x0;
	v20 =	vshll.u32 v24, $0x3;
	v22 =	vld.idx.msk [tilespmem:v25+s18+$0x0], $0xffff;
	[tilespmem:s25+$0x180] =	vst v17  }
0x2cf: {  	s3 =	sshll.u32 s3, $0x6;
	v17 =	vand.u32 $0x7F, v24;
	v20 =	vand.u32 $0xFFFFFC00, v20;
	v23 =	vld.idx.msk [tilespmem:v15+s18+$0x0], $0xffff;
	v15 =	vor.u32 $0x280, v6  }
0x2d0: {  	s17 =	sadd.s32 s3, s15;
	v24 =	vshll.u32 v18, $0x3;
	v25 =	vshll.u32 v26, $0x3;
	v20 =	vor.u32 v17, v20;
	v27 =	vld.idx.msk [tilespmem:v7+s18+$0x0], $0xffff;
	v7 =	vmovc v14  }
0x2d1: {  	s13 =	sadd.s32 $0x10, s17;
	s21 =	sadd.s32 $0x20, s17;
	s3 =	sadd.s32 $0x30, s17;
	v14 =	vand.u32 $0x7F, v18;
	v17 =	vand.u32 $0xFFFFFC00, v24;
	v18 =	vand.u32 $0xFFFFFC00, v25;
	v21 =	vld.idx.msk [tilespmem:v21+s18+$0x0], $0xffff  }
0x2d2: {  	s25 =	sor.u32 $0x200, s13;
	s5 =	sor.u32 $0x200, s3;
	v14 =	vor.u32 v14, v17;
	v17 =	vand.u32 $0x7F, v26;
	v25 =	vor.u32 $0x280, v4;
	v24 =	vld.idx.msk [tilespmem:v5+s18+$0x0], $0xffff;
	[tilespmem:s11+$0x180] =	vst v16;
	s11 =	sor.u32 $0x200, s21  }
0x2d3: {  	s7 =	sor.u32 $0x200, s17;
	s20 =	sor.u32 $0x280, s13;
	s4 =	sor.u32 $0x280, s21;
	v26 =	vor.u32 $0x80, v14;
	v28 =	vor.u32 $0x100, v14;
	v18 =	vor.u32 v17, v18;
	v29 =	vld.idx.msk [tilespmem:v13+s18+$0x0], $0xffff;
	[tilespmem:s5+$0x10A00] =	vst v19  }
0x2d4: {  	s22 =	sor.u32 $0x300, s21;
	v17 =	vor.u32 $0x180, v14;
	v19 =	vor.u32 $0x80, v18;
	v30 =	vor.u32 $0x100, v18;
	s5 =	sor.u32 $0x300, s13;
	[tilespmem:s7+$0x10A00] =	vst v22;
	s7 =	sor.u32 $0x280, s17;
	v22 =	vld.idx.msk [tilespmem:v15+s18+$0x0], $0xffff  }
0x2d5: {  	s14 =	sor.u32 $0x300, s17;
	s21 =	sor.u32 $0x380, s21;
	v16 =	vor.u32 $0x180, v18;
	v13 =	vor.u32 $0x200, v18;
	s13 =	sor.u32 $0x380, s13;
	v15 =	vor.u32 $0x200, v14;
	v31 =	vld.idx.msk [tilespmem:v20+s18+$0x0], $0xffff;
	[tilespmem:s25+$0x10A00] =	vst v23  }
0x2d6: {  	v33 =	vor.u32 $0x300, v6;
	s17 =	sor.u32 $0x380, s17;
	v23 =	vor.u32 $0x280, v18;
	v32 =	vld.idx.msk [tilespmem:v12+s18+$0x0], $0xffff;
	v12 =	vor.u32 $0x280, v14;
	[tilespmem:s8+$0x10A00] =	vst v27;
	s8 =	smov.u32 s21  }
0x2d7: {  	s15 =	sadd.s32 $0x200, s15;
	v36 =	vor.u32 $0x80, v20;
	v34 =	vor.u32 $0x300, v14;
	v35 =	vor.u32 $0x300, v18;
	v27 =	vld.idx.msk [tilespmem:v14+s18+$0x0], $0xffff;
	[tilespmem:s16+$0x10A00] =	vst v21;
	s16 =	smov.u32 s17  }
0x2d8: {  	v37 =	vor.u32 $0x380, v14;
	s17 =	sand.u32 $0x3C00, s15;
	v21 =	vor.u32 $0x80, v5;
	v14 =	vor.u32 $0x380, v18;
	v38 =	vld.idx.msk [tilespmem:v18+s18+$0x0], $0xffff  }
0x2d9: {  	s17 =	sadd.s32 $0x10A00, s17;
	v39 =	vld.idx.msk [tilespmem:v25+s18+$0x0], $0xffff;
	[tilespmem:s11+$0x10A00] =	vst v29;
	s11 =	sor.u32 $0x280, s3  }
0x2da: {  	s21 =	sor.u32 s28, s17;
	s25 =	sor.u32 s31, s17;
	s26 =	sor.u32 s29, s17;
	v18 =	vld.idx.msk [tilespmem:v11+s18+$0x0], $0xffff;
	[tilespmem:s11+$0x10A00] =	vst v22;
	v11 =	vmov v23  }
0x2db: {  	s11 =	sor.u32 s30, s17;
	[tilespmem:s26+$0x0] =	vst v31;
	v22 =	vld.idx.msk [tilespmem:v33+s18+$0x0], $0xffff  }
0x2dc: {  	[tilespmem:s21+$0x0] =	vst v24;
	v23 =	vld.idx.msk [tilespmem:v36+s18+$0x0], $0xffff  }
0x2dd: {  	v24 =	vor.u32 $0x380, v6;
	v6 =	vmov v20;
	v21 =	vld.idx.msk [tilespmem:v21+s18+$0x0], $0xffff;
	[tilespmem:s25+$0x0] =	vst v27  }
0x2de: {  	v25 =	vor.u32 $0x100, v6;
	v20 =	vld.idx.msk [tilespmem:v26+s18+$0x0], $0xffff;
	[tilespmem:s11+$0x0] =	vst v38  }
0x2df: {  	v26 =	vor.u32 $0x100, v5;
	v19 =	vld.idx.msk [tilespmem:v19+s18+$0x0], $0xffff;
	[tilespmem:s20+$0x10A00] =	vst v32  }
0x2e0: {  	v27 =	vld.idx.msk [tilespmem:v10+s18+$0x0], $0xffff;
	[tilespmem:s4+$0x10A00] =	vst v18;
	s4 =	sor.u32 $0x300, s3;
	v10 =	vmov v34  }
0x2e1: {  	v18 =	vld.idx.msk [tilespmem:v9+s18+$0x0], $0xffff;
	[tilespmem:s4+$0x10A00] =	vst v22;
	v9 =	vmov v35  }
0x2e2: {  	v29 =	vor.u32 $0x300, v4;
	[tilespmem:s26+$0x80] =	vst v23;
	v31 =	vld.idx.msk [tilespmem:v24+s18+$0x0], $0xffff  }
0x2e3: {  	[tilespmem:s21+$0x80] =	vst v21;
	v22 =	vld.idx.msk [tilespmem:v25+s18+$0x0], $0xffff  }
.Ltmp7:
0x2e4: {  	v21 =	vld.idx.msk [tilespmem:v26+s18+$0x0], $0xffff;
	[tilespmem:s25+$0x80] =	vst v20;
	(pc) =	sbr.rel @p2 .LBB2_14-.Ltmp7, $4  }
0x2e5: {  	v26 =	vor.u32 $0x180, v6;
	v23 =	vld.idx.msk [tilespmem:v28+s18+$0x0], $0xffff;
	[tilespmem:s11+$0x80] =	vst v19  }
0x2e6: {  	v25 =	vor.u32 $0x180, v5;
	v24 =	vld.idx.msk [tilespmem:v30+s18+$0x0], $0xffff;
	[tilespmem:s7+$0x10A00] =	vst v39  }
0x2e7: {  	s3 =	sor.u32 $0x380, s3;
	v19 =	vld.idx.msk [tilespmem:v29+s18+$0x0], $0xffff;
	[tilespmem:s5+$0x10A00] =	vst v27  }
0x2e8: {  	s12 =	sadd.s32 $0x40, s12;
	v20 =	vld.idx.msk [tilespmem:v8+s18+$0x0], $0xffff;
	[tilespmem:s3+$0x10A00] =	vst v31;
	v8 =	vmov v37  }
0x2e9: {  	_ =	sdelay $0x2  }
0x2ea: {  	[tilespmem:s26+$0x100] =	vst v22  }
0x2eb: {  	[tilespmem:s21+$0x100] =	vst v21;
	v22 =	vld.idx.msk [tilespmem:v26+s18+$0x0], $0xffff  }
0x2ec: {  	v54 =	vor.u32 $0x200, v6;
	[tilespmem:s25+$0x100] =	vst v23;
	v21 =	vld.idx.msk [tilespmem:v25+s18+$0x0], $0xffff  }
0x2ed: {  	v55 =	vor.u32 $0x200, v5;
	v17 =	vld.idx.msk [tilespmem:v17+s18+$0x0], $0xffff;
	[tilespmem:s11+$0x100] =	vst v24  }
0x2ee: {  	v16 =	vld.idx.msk [tilespmem:v16+s18+$0x0], $0xffff;
	_ =	sdelay $0x1  }
0x2ef: {  	p1 =	por !p1, !p1;
	s1 =	simm.s32 $0x1;
	[tilespmem:s26+$0x180] =	vst v22  }
0x2f0: {  	s1 =	simm.s32 @!p1 $0x0;
	[tilespmem:s21+$0x180] =	vst v21;
	v22 =	vld.idx.msk [tilespmem:v54+s18+$0x0], $0xffff  }
0x2f1: {  	v56 =	vor.u32 $0x280, v6;
	s1 =	sshll.u32 s1, $0x6;
	[tilespmem:s25+$0x180] =	vst v17;
	v57 =	vld.idx.msk [tilespmem:v55+s18+$0x0], $0xffff  }
0x2f2: {  	v58 =	vor.u32 $0x280, v5;
	s1 =	sadd.s32 s1, s15;
	v15 =	vld.idx.msk [tilespmem:v15+s18+$0x0], $0xffff;
	[tilespmem:s11+$0x180] =	vst v16  }
0x2f3: {  	s2 =	sadd.s32 $0x30, s1;
	v13 =	vld.idx.msk [tilespmem:v13+s18+$0x0], $0xffff  }
0x2f4: {  	s4 =	sor.u32 $0x200, s2  }
0x2f5: {  	s3 =	sadd.s32 $0x10, s1;
	s12 =	sor.u32 $0x200, s1;
	[tilespmem:s4+$0x10A00] =	vst v22  }
0x2f6: {  	s5 =	sadd.s32 $0x20, s1;
	s7 =	sor.u32 $0x200, s3;
	[tilespmem:s12+$0x10A00] =	vst v57;
	v17 =	vld.idx.msk [tilespmem:v56+s18+$0x0], $0xffff  }
0x2f7: {  	v59 =	vor.u32 $0x300, v6;
	s11 =	sor.u32 $0x200, s5;
	[tilespmem:s7+$0x10A00] =	vst v15;
	v60 =	vld.idx.msk [tilespmem:v58+s18+$0x0], $0xffff  }
0x2f8: {  	v61 =	vor.u32 $0x300, v5;
	v12 =	vld.idx.msk [tilespmem:v12+s18+$0x0], $0xffff;
	[tilespmem:s11+$0x10A00] =	vst v13  }
0x2f9: {  	v11 =	vld.idx.msk [tilespmem:v11+s18+$0x0], $0xffff  }
0x2fa: {  	[tilespmem:s22+$0x10A00] =	vst v18;
	s15 =	sor.u32 $0x280, s2  }
0x2fb: {  	s21 =	sor.u32 $0x280, s1;
	[tilespmem:s15+$0x10A00] =	vst v17  }
0x2fc: {  	v4 =	vor.u32 $0x380, v4;
	s17 =	sor.u32 $0x280, s3;
	[tilespmem:s21+$0x10A00] =	vst v60;
	v15 =	vld.idx.msk [tilespmem:v59+s18+$0x0], $0xffff  }
0x2fd: {  	v62 =	vor.u32 $0x380, v6;
	s20 =	sor.u32 $0x280, s5;
	[tilespmem:s17+$0x10A00] =	vst v12;
	v63 =	vld.idx.msk [tilespmem:v61+s18+$0x0], $0xffff  }
0x2fe: {  	v5 =	vor.u32 $0x380, v5;
	v10 =	vld.idx.msk [tilespmem:v10+s18+$0x0], $0xffff;
	[tilespmem:s20+$0x10A00] =	vst v11  }
0x2ff: {  	[tilespmem:s14+$0x10A00] =	vst v19;
	v9 =	vld.idx.msk [tilespmem:v9+s18+$0x0], $0xffff  }
0x300: {  	v7 =	vld.idx.msk [tilespmem:v7+s18+$0x0], $0xffff;
	[tilespmem:s13+$0x10A00] =	vst v20;
	s22 =	sor.u32 $0x300, s2  }
0x301: {  	s28 =	sor.u32 $0x300, s1;
	v4 =	vld.idx.msk [tilespmem:v4+s18+$0x0], $0xffff;
	[tilespmem:s22+$0x10A00] =	vst v15  }
0x302: {  	s25 =	sor.u32 $0x300, s3;
	[tilespmem:s28+$0x10A00] =	vst v63;
	v6 =	vld.idx.msk [tilespmem:v62+s18+$0x0], $0xffff  }
0x303: {  	s26 =	sor.u32 $0x300, s5;
	[tilespmem:s25+$0x10A00] =	vst v10;
	v5 =	vld.idx.msk [tilespmem:v5+s18+$0x0], $0xffff  }
0x304: {  	v8 =	vld.idx.msk [tilespmem:v8+s18+$0x0], $0xffff;
	[tilespmem:s26+$0x10A00] =	vst v9  }
0x305: {  	[tilespmem:s8+$0x10A00] =	vst v7;
	v9 =	vld.idx.msk [tilespmem:v14+s18+$0x0], $0xffff  }
0x306: {  	s2 =	sor.u32 $0x380, s2;
	[tilespmem:s16+$0x10A00] =	vst v4  }
0x307: {  	s30 =	sor.u32 $0x380, s1;
	[tilespmem:s2+$0x10A00] =	vst v6  }
0x308: {  	p1 =	sne.s32 s24, $0xF;
	s3 =	sor.u32 $0x380, s3;
	[tilespmem:s30+$0x10A00] =	vst v5  }
.Ltmp8:
0x309: {  	s29 =	sor.u32 $0x380, s5;
	[tilespmem:s3+$0x10A00] =	vst v8;
	(pc) =	sbr.rel @p1 .LBB2_17-.Ltmp8, $4  }
0x30a: {  	[tilespmem:s29+$0x10A00] =	vst v9  }
0x30b: {  	s1 =	sshll.u32 s24, $0xC;
	s2 =	rddreg [dreg:$0x14]  }
0x30c: {  	s31 =	simm.s32 $0x10A00;
	s2 =	sadd.s32 s1, s2  }
0x30d: {  	[hbm4b:s2+s6] =	stream.linear.scatter [tilespmem:s31], [sflag:$0x3], $0x4000, $0x38;
	[tilespmem:$0x1CA00] =	vst v63  }
.Ltmp9:
0x30e: {  	(pc) =	sbr.rel .LBB2_18-.Ltmp9, $4  }
0x30f: {  	s2 =	simm.s32 $0x2  }
0x310: {  	_ =	swait.ge [sflag:s2], $0x8000  }
0x311: {  	[sflag:s2] =	ssyncset.done $0x0  }
0x312: {  	[sflag:s2] =	ssyncadd.s32 $0xFFFF8000  }
.LBB2_17:
0x313: {  	s2 =	sshrl.u32 s0, $0x2  }
0x314: {  	v4 =	vld.msk [tilespmem:s2+$0x810], $0xff;
	_ =	sdelay $0x4  }
0x315: {  	v5 =	vshll.u32 v4, $0x5  }
0x316: {  	v4 =	vand.u32 $0x7, v4;
	v5 =	vand.u32 $0xFFFFFF00, v5  }
0x317: {  	v4 =	vor.u32 v4, v5  }
0x318: {  	v4 =	vperm.xlane v4, v1;
	_ =	sdelay $0x1  }
0x319: {  	v4 =	vadd.s32 v2, v4;
	_ =	sdelay $0x2  }
0x31a: {  	s21 =	rddreg [dreg:$0x1]  }
0x31b: {  	s22 =	sld [smem:$0x7E0]  }
0x31c: {  	[tilespmem:s18], [sflag:$0x1] =	stream.indirect_vreg.gather [hbm4b:s21+s6], $0x80, v4, vm0, $0xb8;
	[tilespmem:$0x1CA00] =	vst v63  }
0x31d: {  	s3 =	simm.s32 $0x1200;
	s25 =	sld [smem:$0x7E1]  }
0x31e: {  	[tilespmem:s3], [sflag:$0x1] =	stream.indirect_vreg.gather [hbm4b:s22+s6], $0x80, v4, vm0, $0xb8;
	[tilespmem:$0x1CA00] =	vst v63  }
0x31f: {  	s26 =	simm.s32 $0x1A00;
	s28 =	sld [smem:$0x7E2]  }
0x320: {  	[tilespmem:s26], [sflag:$0x1] =	stream.indirect_vreg.gather [hbm4b:s25+s6], $0x80, v4, vm0, $0xb8;
	[tilespmem:$0x1CA00] =	vst v63  }
0x321: {  	s29 =	simm.s32 $0x2200;
	s30 =	sld [smem:$0x7E3]  }
0x322: {  	[tilespmem:s29], [sflag:$0x1] =	stream.indirect_vreg.gather [hbm4b:s28+s6], $0x80, v4, vm0, $0xb8;
	[tilespmem:$0x1CA00] =	vst v63  }
0x323: {  	s31 =	simm.s32 $0x2A00;
	s3 =	sld [smem:$0x7E4]  }
0x324: {  	[tilespmem:s31], [sflag:$0x1] =	stream.indirect_vreg.gather [hbm4b:s30+s6], $0x80, v4, vm0, $0xb8;
	[tilespmem:$0x1CA00] =	vst v63  }
0x325: {  	s4 =	simm.s32 $0x3200;
	s5 =	sld [smem:$0x7E5]  }
0x326: {  	[tilespmem:s4], [sflag:$0x1] =	stream.indirect_vreg.gather [hbm4b:s3+s6], $0x80, v4, vm0, $0xb8;
	[tilespmem:$0x1CA00] =	vst v63  }
0x327: {  	s7 =	simm.s32 $0x3A00;
	s8 =	sld [smem:$0x7E6]  }
0x328: {  	[tilespmem:s7], [sflag:$0x1] =	stream.indirect_vreg.gather [hbm4b:s5+s6], $0x80, v4, vm0, $0xb8;
	[tilespmem:$0x1CA00] =	vst v63  }
0x329: {  	s11 =	sld [smem:$0x7E7]  }
0x32a: {  	[tilespmem:s19], [sflag:$0x1] =	stream.indirect_vreg.gather [hbm4b:s8+s6], $0x80, v4, vm0, $0xb8;
	[tilespmem:$0x1CA00] =	vst v63  }
0x32b: {  	s12 =	simm.s32 $0x4A00;
	s13 =	sld [smem:$0x7E8]  }
0x32c: {  	[tilespmem:s12], [sflag:$0x1] =	stream.indirect_vreg.gather [hbm4b:s11+s6], $0x80, v4, vm0, $0xb8;
	[tilespmem:$0x1CA00] =	vst v63  }
0x32d: {  	s14 =	simm.s32 $0x5200;
	s15 =	sld [smem:$0x7E9]  }
0x32e: {  	[tilespmem:s14], [sflag:$0x1] =	stream.indirect_vreg.gather [hbm4b:s13+s6], $0x80, v4, vm0, $0xb8;
	[tilespmem:$0x1CA00] =	vst v63  }
0x32f: {  	s16 =	simm.s32 $0x5A00;
	s17 =	sld [smem:$0x7EA]  }
0x330: {  	[tilespmem:s16], [sflag:$0x1] =	stream.indirect_vreg.gather [hbm4b:s15+s6], $0x80, v4, vm0, $0xb8;
	[tilespmem:$0x1CA00] =	vst v63  }
0x331: {  	s20 =	sld [smem:$0x7EB];
	s19 =	simm.s32 $0x6200  }
0x332: {  	[tilespmem:s19], [sflag:$0x1] =	stream.indirect_vreg.gather [hbm4b:s17+s6], $0x80, v4, vm0, $0xb8;
	[tilespmem:$0x1CA00] =	vst v63  }
0x333: {  	s21 =	simm.s32 $0x6A00;
	s22 =	sld [smem:$0x7EC]  }
0x334: {  	[tilespmem:s21], [sflag:$0x1] =	stream.indirect_vreg.gather [hbm4b:s20+s6], $0x80, v4, vm0, $0xb8;
	[tilespmem:$0x1CA00] =	vst v63  }
0x335: {  	s25 =	simm.s32 $0x7200;
	s26 =	sld [smem:$0x7ED]  }
0x336: {  	[tilespmem:s25], [sflag:$0x1] =	stream.indirect_vreg.gather [hbm4b:s22+s6], $0x80, v4, vm0, $0xb8;
	[tilespmem:$0x1CA00] =	vst v63  }
0x337: {  	s28 =	simm.s32 $0x7A00;
	s29 =	sld [smem:$0x7EE]  }
0x338: {  	[tilespmem:s28], [sflag:$0x1] =	stream.indirect_vreg.gather [hbm4b:s26+s6], $0x80, v4, vm0, $0xb8;
	[tilespmem:$0x1CA00] =	vst v63  }
.Ltmp10:
0x339: {  	s30 =	simm.s32 $0x8200;
	s31 =	simm.s32 $0x2;
	(pc) =	sbr.rel @p0 .LBB2_19-.Ltmp10, $4  }
0x33a: {  	[tilespmem:s30], [sflag:$0x1] =	stream.indirect_vreg.gather [hbm4b:s29+s6], $0x80, v4, vm0, $0xb8;
	[tilespmem:$0x1CA00] =	vst v63  }
0x33b: {  	_ =	swait.ge [sflag:s31], $0x8000  }
0x33c: {  	[sflag:s31] =	ssyncset.done $0x0  }
0x33d: {  	[sflag:s31] =	ssyncadd.s32 $0xFFFF8000  }
.LBB2_18:
0x33e: {  	s2 =	simm.s32 $0x4  }
0x33f: {  	_ =	swait.ge [sflag:s2], $0x4000  }
0x340: {  	[sflag:s2] =	ssyncset.done $0x0  }
0x341: {  	[sflag:s2] =	ssyncadd.s32 $0xFFFFC000  }
.LBB2_19:
0x342: {  	s2 =	simm.s32 $0x0  }
0x343: {  	s3 =	sand.u32 $0x40, s2  }
0x344: {  	s4 =	sand.u32 $0x780, s2;
	s5 =	sor.u32 $0x30, s3  }
0x345: {  	s7 =	sor.u32 s5, s4  }
0x346: {  	v4 =	vld [tilespmem:s7+$0x0]  }
0x347: {  	v5 =	vld [tilespmem:s2+$0x0];
	s15 =	sor.u32 $0x10, s3  }
0x348: {  	s8 =	sor.u32 $0x20, s3;
	s11 =	sor.u32 s15, s4  }
0x349: {  	s4 =	sor.u32 s8, s4;
	v6 =	vld [tilespmem:s11+$0x0]  }
0x34a: {  	v7 =	vld [tilespmem:s4+$0x0]  }
0x34b: {  	v8 =	vshll.u32 v4, $0x3  }
0x34c: {  	v9 =	vshll.u32 v5, $0x3;
	v4 =	vand.u32 $0x7F, v4;
	v8 =	vand.u32 $0xFFFFFC00, v8  }
0x34d: {  	v5 =	vand.u32 $0x7F, v5;
	v10 =	vand.u32 $0xFFFFFC00, v9;
	v9 =	vor.u32 v4, v8  }
0x34e: {  	v4 =	vor.u32 v5, v10;
	v5 =	vshll.u32 v6, $0x3  }
0x34f: {  	v8 =	vshll.u32 v7, $0x3;
	v6 =	vand.u32 $0x7F, v6;
	v5 =	vand.u32 $0xFFFFFC00, v5  }
0x350: {  	v10 =	vand.u32 $0xFFFFFC00, v8;
	v8 =	vor.u32 v6, v5;
	v5 =	vand.u32 $0x7F, v7  }
0x351: {  	v7 =	vor.u32 v5, v10  }
0x352: {  	v5 =	vld.idx.msk [tilespmem:v9+s23+$0x0], $0xffff  }
0x353: {  	v10 =	vor.u32 $0x80, v9;
	v6 =	vld.idx.msk [tilespmem:v4+s23+$0x0], $0xffff  }
0x354: {  	s2 =	sand.u32 $0x3C00, s2;
	v11 =	vor.u32 $0x80, v4  }
0x355: {  	s16 =	sadd.s32 $0x14A00, s2;
	v12 =	vld.idx.msk [tilespmem:v8+s23+$0x0], $0xffff  }
0x356: {  	s12 =	sor.u32 s5, s16;
	v13 =	vor.u32 $0x80, v8;
	v14 =	vld.idx.msk [tilespmem:v7+s23+$0x0], $0xffff  }
0x357: {  	s2 =	sor.u32 s3, s16;
	v15 =	vor.u32 $0x80, v7;
	[tilespmem:s12+$0x0] =	vst v5  }
0x358: {  	[tilespmem:s2+$0x0] =	vst v6;
	v5 =	vld.idx.msk [tilespmem:v10+s23+$0x0], $0xffff  }
0x359: {  	s17 =	sor.u32 s15, s16;
	v6 =	vld.idx.msk [tilespmem:v11+s23+$0x0], $0xffff;
	v10 =	vor.u32 $0x100, v9  }
0x35a: {  	s8 =	sor.u32 s8, s16;
	v11 =	vor.u32 $0x100, v4;
	[tilespmem:s17+$0x0] =	vst v12  }
0x35b: {  	v12 =	vld.idx.msk [tilespmem:v13+s23+$0x0], $0xffff;
	[tilespmem:s8+$0x0] =	vst v14  }
0x35c: {  	v13 =	vor.u32 $0x100, v8;
	v14 =	vld.idx.msk [tilespmem:v15+s23+$0x0], $0xffff  }
0x35d: {  	v15 =	vor.u32 $0x100, v7;
	[tilespmem:s12+$0x80] =	vst v5  }
0x35e: {  	[tilespmem:s2+$0x80] =	vst v6;
	v5 =	vld.idx.msk [tilespmem:v10+s23+$0x0], $0xffff  }
0x35f: {  	v6 =	vld.idx.msk [tilespmem:v11+s23+$0x0], $0xffff;
	v10 =	vor.u32 $0x180, v9  }
0x360: {  	v11 =	vor.u32 $0x180, v4;
	[tilespmem:s17+$0x80] =	vst v12  }
0x361: {  	v12 =	vld.idx.msk [tilespmem:v13+s23+$0x0], $0xffff;
	[tilespmem:s8+$0x80] =	vst v14  }
0x362: {  	s15 =	simm.s32 $0x40;
	v13 =	vor.u32 $0x180, v8;
	v14 =	vld.idx.msk [tilespmem:v15+s23+$0x0], $0xffff  }
0x363: {  	s22 =	sand.u32 $0x40, s15;
	v15 =	vld [tilespmem:s15+$0x0];
	[tilespmem:s12+$0x100] =	vst v5  }
0x364: {  	s13 =	sand.u32 $0x780, s15;
	s5 =	sor.u32 $0x30, s22;
	[tilespmem:s2+$0x100] =	vst v6;
	v5 =	vld.idx.msk [tilespmem:v10+s23+$0x0], $0xffff  }
0x365: {  	s19 =	sor.u32 s5, s13;
	v6 =	vor.u32 $0x180, v7;
	v10 =	vld.idx.msk [tilespmem:v11+s23+$0x0], $0xffff  }
0x366: {  	s20 =	sor.u32 $0x10, s22;
	v11 =	vor.u32 $0x200, v9;
	[tilespmem:s17+$0x100] =	vst v12;
	v12 =	vld [tilespmem:s19+$0x0]  }
0x367: {  	s21 =	sor.u32 $0x20, s22;
	s14 =	sor.u32 s20, s13;
	v13 =	vld.idx.msk [tilespmem:v13+s23+$0x0], $0xffff  }
0x368: {  	s13 =	sor.u32 s21, s13;
	v17 =	vld [tilespmem:s14+$0x0];
	v16 =	vor.u32 $0x200, v8;
	v18 =	vshll.u32 v15, $0x3  }
0x369: {  	v19 =	vld [tilespmem:s13+$0x0];
	[tilespmem:s8+$0x100] =	vst v14;
	v14 =	vor.u32 $0x200, v4;
	v15 =	vand.u32 $0x7F, v15;
	v18 =	vand.u32 $0xFFFFFC00, v18  }
0x36a: {  	p0 =	por $0x0, $0x0;
	v20 =	vld.idx.msk [tilespmem:v6+s23+$0x0], $0xffff;
	[tilespmem:s12+$0x180] =	vst v5;
	v5 =	vor.u32 v15, v18;
	s12 =	simm.s32 $0x1  }
0x36b: {  	v15 =	vor.u32 $0x200, v7;
	v11 =	vld.idx.msk [tilespmem:v11+s23+$0x0], $0xffff;
	v6 =	vshll.u32 v12, $0x3;
	s12 =	simm.s32 @!p0 $0x0  }
0x36c: {  	v12 =	vand.u32 $0x7F, v12;
	[tilespmem:s17+$0x180] =	vst v13;
	v6 =	vand.u32 $0xFFFFFC00, v6;
	s25 =	sshll.u32 s12, $0x6;
	v13 =	vor.u32 $0x280, v9  }
0x36d: {  	v18 =	vor.u32 $0x280, v8;
	[tilespmem:s2+$0x180] =	vst v10;
	v10 =	vld.idx.msk [tilespmem:v16+s23+$0x0], $0xffff;
	v16 =	vshll.u32 v17, $0x3;
	v6 =	vor.u32 v12, v6;
	s3 =	sadd.s32 $0x0, s25  }
0x36e: {  	v12 =	vld.idx.msk [tilespmem:v14+s23+$0x0], $0xffff;
	v14 =	vshll.u32 v19, $0x3;
	v17 =	vand.u32 $0x7F, v17;
	v16 =	vand.u32 $0xFFFFFC00, v16;
	s2 =	sadd.s32 $0x30, s3  }
0x36f: {  	v14 =	vand.u32 $0xFFFFFC00, v14;
	[tilespmem:s8+$0x180] =	vst v20;
	v21 =	vld.idx.msk [tilespmem:v5+s23+$0x0], $0xffff;
	v25 =	vor.u32 v17, v16;
	v16 =	vand.u32 $0x7F, v19;
	s26 =	sor.u32 $0x200, s2  }
0x370: {  	s8 =	sadd.s32 $0x10, s3;
	v15 =	vld.idx.msk [tilespmem:v15+s23+$0x0], $0xffff;
	v14 =	vor.u32 v16, v14;
	[tilespmem:s26+$0x14A00] =	vst v11  }
0x371: {  	s29 =	sor.u32 $0x200, s8;
	v11 =	vor.u32 $0x280, v4;
	v13 =	vld.idx.msk [tilespmem:v13+s23+$0x0], $0xffff  }
0x372: {  	s16 =	simm.s32 $0x200;
	s30 =	sor.u32 $0x200, s3;
	v16 =	vor.u32 $0x280, v7;
	v17 =	vld.idx.msk [tilespmem:v6+s23+$0x0], $0xffff;
	[tilespmem:s29+$0x14A00] =	vst v10  }
0x373: {  	s17 =	sand.u32 $0x3C00, s16;
	s13 =	sadd.s32 $0x20, s3;
	[tilespmem:s30+$0x14A00] =	vst v12;
	v12 =	vor.u32 $0x80, v5;
	v10 =	vld.idx.msk [tilespmem:v18+s23+$0x0], $0xffff  }
0x374: {  	s12 =	sadd.s32 $0x14A00, s17;
	s31 =	sor.u32 $0x200, s13;
	v18 =	vor.u32 $0x300, v9;
	v19 =	vld.idx.msk [tilespmem:v25+s23+$0x0], $0xffff  }
0x375: {  	v20 =	vor.u32 $0x80, v6;
	s22 =	sor.u32 s22, s12;
	[tilespmem:s31+$0x14A00] =	vst v15;
	v22 =	vld.idx.msk [tilespmem:v14+s23+$0x0], $0xffff  }
0x376: {  	s19 =	sor.u32 $0x280, s2;
	v23 =	vor.u32 $0x80, v25;
	[tilespmem:s22+$0x0] =	vst v21;
	v26 =	vld.idx.msk [tilespmem:v11+s23+$0x0], $0xffff  }
0x377: {  	s28 =	sor.u32 s5, s12;
	v11 =	vor.u32 $0x80, v14;
	v15 =	vld.idx.msk [tilespmem:v16+s23+$0x0], $0xffff;
	[tilespmem:s19+$0x14A00] =	vst v13  }
0x378: {  	s26 =	sor.u32 s20, s12;
	s20 =	sor.u32 $0x280, s8;
	v13 =	vor.u32 $0x300, v8;
	[tilespmem:s28+$0x0] =	vst v17;
	v12 =	vld.idx.msk [tilespmem:v12+s23+$0x0], $0xffff  }
0x379: {  	v17 =	vor.u32 $0x300, v7;
	v16 =	vld.idx.msk [tilespmem:v18+s23+$0x0], $0xffff;
	[tilespmem:s20+$0x14A00] =	vst v10  }
0x37a: {  	s12 =	sor.u32 s21, s12;
	v9 =	vor.u32 $0x380, v9;
	v20 =	vld.idx.msk [tilespmem:v20+s23+$0x0], $0xffff;
	[tilespmem:s26+$0x0] =	vst v19  }
0x37b: {  	s21 =	sor.u32 $0x280, s13;
	v21 =	vor.u32 $0x100, v6;
	v19 =	vld.idx.msk [tilespmem:v23+s23+$0x0], $0xffff;
	[tilespmem:s12+$0x0] =	vst v22  }
0x37c: {  	s29 =	sor.u32 $0x280, s3;
	v22 =	vor.u32 $0x100, v5;
	[tilespmem:s21+$0x14A00] =	vst v15;
	v11 =	vld.idx.msk [tilespmem:v11+s23+$0x0], $0xffff  }
0x37d: {  	s25 =	sor.u32 $0x300, s2;
	v10 =	vor.u32 $0x100, v25;
	[tilespmem:s29+$0x14A00] =	vst v26;
	v27 =	vld.idx.msk [tilespmem:v13+s23+$0x0], $0xffff  }
0x37e: {  	v24 =	vor.u32 $0x100, v14;
	v18 =	vld.idx.msk [tilespmem:v17+s23+$0x0], $0xffff;
	[tilespmem:s25+$0x14A00] =	vst v16  }
0x37f: {  	[tilespmem:s28+$0x80] =	vst v20;
	v20 =	vor.u32 $0x300, v4;
	v28 =	vld.idx.msk [tilespmem:v9+s23+$0x0], $0xffff  }
0x380: {  	v29 =	vor.u32 $0x380, v8;
	[tilespmem:s22+$0x80] =	vst v12;
	v23 =	vld.idx.msk [tilespmem:v21+s23+$0x0], $0xffff  }
0x381: {  	v8 =	vor.u32 $0x380, v25;
	v21 =	vld.idx.msk [tilespmem:v22+s23+$0x0], $0xffff;
	[tilespmem:s26+$0x80] =	vst v19  }
0x382: {  	v15 =	vor.u32 $0x200, v25;
	v26 =	vor.u32 $0x180, v6;
	v17 =	vor.u32 $0x180, v25;
	v22 =	vld.idx.msk [tilespmem:v10+s23+$0x0], $0xffff;
	[tilespmem:s12+$0x80] =	vst v11  }
0x383: {  	s11 =	simm.s32 $0x4;
	s14 =	sor.u32 $0x380, s8;
	s30 =	sor.u32 $0x300, s8;
	v12 =	vor.u32 $0x280, v25;
	v10 =	vor.u32 $0x300, v25;
	v25 =	vor.u32 $0x180, v5;
	v24 =	vld.idx.msk [tilespmem:v24+s23+$0x0], $0xffff  }
0x384: {  	s8 =	sor.u32 $0x380, s3;
	s31 =	sor.u32 $0x380, s2;
	s2 =	sor.u32 $0x380, s13;
	v7 =	vor.u32 $0x380, v7;
	v13 =	vor.u32 $0x200, v14;
	v16 =	vor.u32 $0x180, v14;
	[tilespmem:s30+$0x14A00] =	vst v27;
	v19 =	vld.idx.msk [tilespmem:v20+s23+$0x0], $0xffff  }
0x385: {  	s21 =	sor.u32 $0x300, s3;
	s25 =	sor.u32 $0x300, s13;
	s13 =	simm.s32 $0x80;
	v9 =	vor.u32 $0x300, v14;
	v11 =	vor.u32 $0x280, v14;
	v14 =	vor.u32 $0x380, v14;
	v20 =	vld.idx.msk [tilespmem:v29+s23+$0x0], $0xffff;
	[tilespmem:s31+$0x14A00] =	vst v28  }
.LBB2_20:
0x386: {  	v27 =	vld [tilespmem:s13+$0x0];
	[tilespmem:s28+$0x100] =	vst v23;
	s15 =	sadd.s32 $0x40, s15  }
0x387: {  	s11 =	sadd.s32 $0x4, s11;
	s29 =	sand.u32 $0x40, s15;
	[tilespmem:s22+$0x100] =	vst v21;
	v21 =	vld.idx.msk [tilespmem:v26+s23+$0x0], $0xffff  }
0x388: {  	s4 =	sand.u32 $0x780, s15;
	p1 =	slt.u32 s11, $0x7C;
	s30 =	sor.u32 $0x30, s29;
	v23 =	vld.idx.msk [tilespmem:v25+s23+$0x0], $0xffff;
	[tilespmem:s26+$0x100] =	vst v22  }
0x389: {  	s3 =	sor.u32 $0x10, s29;
	s31 =	sor.u32 $0x20, s29;
	v22 =	vor.u32 $0x200, v6;
	s5 =	sor.u32 s30, s4;
	v17 =	vld.idx.msk [tilespmem:v17+s23+$0x0], $0xffff;
	[tilespmem:s12+$0x100] =	vst v24  }
0x38a: {  	v25 =	vor.u32 $0x200, v5;
	s7 =	sor.u32 s3, s4;
	s4 =	sor.u32 s31, s4;
	v24 =	vld [tilespmem:s5+$0x0];
	[tilespmem:s25+$0x14A00] =	vst v18  }
0x38b: {  	v18 =	vld [tilespmem:s7+$0x0];
	[tilespmem:s21+$0x14A00] =	vst v19  }
0x38c: {  	v19 =	vshll.u32 v27, $0x3;
	v26 =	vld [tilespmem:s4+$0x0];
	[tilespmem:s14+$0x14A00] =	vst v20  }
0x38d: {  	v20 =	vand.u32 $0x7F, v27;
	v19 =	vand.u32 $0xFFFFFC00, v19;
	v16 =	vld.idx.msk [tilespmem:v16+s23+$0x0], $0xffff;
	[tilespmem:s28+$0x180] =	vst v21;
	v21 =	vor.u32 $0x380, v4;
	v4 =	vmovc v5  }
0x38e: {  	p0 =	por !p0, !p0;
	s4 =	simm.s32 $0x1;
	v5 =	vor.u32 v20, v19;
	[tilespmem:s22+$0x180] =	vst v23;
	v19 =	vld.idx.msk [tilespmem:v22+s23+$0x0], $0xffff  }
0x38f: {  	s4 =	simm.s32 @!p0 $0x0;
	v20 =	vshll.u32 v24, $0x3;
	v22 =	vld.idx.msk [tilespmem:v25+s23+$0x0], $0xffff;
	[tilespmem:s26+$0x180] =	vst v17  }
0x390: {  	s4 =	sshll.u32 s4, $0x6;
	v17 =	vand.u32 $0x7F, v24;
	v20 =	vand.u32 $0xFFFFFC00, v20;
	v23 =	vld.idx.msk [tilespmem:v15+s23+$0x0], $0xffff;
	v15 =	vor.u32 $0x280, v6  }
0x391: {  	s22 =	sadd.s32 s4, s16;
	v24 =	vshll.u32 v18, $0x3;
	v25 =	vshll.u32 v26, $0x3;
	v20 =	vor.u32 v17, v20;
	v27 =	vld.idx.msk [tilespmem:v7+s23+$0x0], $0xffff;
	v7 =	vmovc v14  }
0x392: {  	s14 =	sadd.s32 $0x10, s22;
	s26 =	sadd.s32 $0x20, s22;
	s5 =	sadd.s32 $0x30, s22;
	v14 =	vand.u32 $0x7F, v18;
	v17 =	vand.u32 $0xFFFFFC00, v24;
	v18 =	vand.u32 $0xFFFFFC00, v25;
	v21 =	vld.idx.msk [tilespmem:v21+s23+$0x0], $0xffff  }
0x393: {  	s28 =	sor.u32 $0x200, s14;
	s4 =	sor.u32 $0x200, s5;
	v14 =	vor.u32 v14, v17;
	v17 =	vand.u32 $0x7F, v26;
	v25 =	vor.u32 $0x280, v4;
	v24 =	vld.idx.msk [tilespmem:v5+s23+$0x0], $0xffff;
	[tilespmem:s12+$0x180] =	vst v16;
	s12 =	sor.u32 $0x200, s26  }
0x394: {  	s7 =	sor.u32 $0x200, s22;
	s17 =	sor.u32 $0x280, s14;
	s20 =	sor.u32 $0x280, s26;
	v26 =	vor.u32 $0x80, v14;
	v28 =	vor.u32 $0x100, v14;
	v18 =	vor.u32 v17, v18;
	v29 =	vld.idx.msk [tilespmem:v13+s23+$0x0], $0xffff;
	[tilespmem:s4+$0x14A00] =	vst v19  }
0x395: {  	s25 =	sor.u32 $0x300, s26;
	v17 =	vor.u32 $0x180, v14;
	v19 =	vor.u32 $0x80, v18;
	v30 =	vor.u32 $0x100, v18;
	s4 =	sor.u32 $0x280, s22;
	[tilespmem:s7+$0x14A00] =	vst v22;
	s7 =	sor.u32 $0x300, s14;
	v22 =	vld.idx.msk [tilespmem:v15+s23+$0x0], $0xffff  }
0x396: {  	s21 =	sor.u32 $0x300, s22;
	s26 =	sor.u32 $0x380, s26;
	v16 =	vor.u32 $0x180, v18;
	v13 =	vor.u32 $0x200, v18;
	v15 =	vor.u32 $0x200, v14;
	s14 =	sor.u32 $0x380, s14;
	v31 =	vld.idx.msk [tilespmem:v20+s23+$0x0], $0xffff;
	[tilespmem:s28+$0x14A00] =	vst v23  }
0x397: {  	v33 =	vor.u32 $0x300, v6;
	s22 =	sor.u32 $0x380, s22;
	v23 =	vor.u32 $0x280, v18;
	v32 =	vld.idx.msk [tilespmem:v12+s23+$0x0], $0xffff;
	v12 =	vor.u32 $0x280, v14;
	[tilespmem:s2+$0x14A00] =	vst v27;
	s2 =	smov.u32 s26  }
0x398: {  	s16 =	sadd.s32 $0x200, s16;
	v36 =	vor.u32 $0x80, v20;
	v34 =	vor.u32 $0x300, v14;
	v35 =	vor.u32 $0x300, v18;
	v27 =	vld.idx.msk [tilespmem:v14+s23+$0x0], $0xffff;
	[tilespmem:s8+$0x14A00] =	vst v21;
	s8 =	smov.u32 s22  }
0x399: {  	v37 =	vor.u32 $0x380, v14;
	s22 =	sand.u32 $0x3C00, s16;
	v21 =	vor.u32 $0x80, v5;
	v14 =	vor.u32 $0x380, v18;
	v38 =	vld.idx.msk [tilespmem:v18+s23+$0x0], $0xffff  }
0x39a: {  	s19 =	sadd.s32 $0x14A00, s22;
	v39 =	vld.idx.msk [tilespmem:v25+s23+$0x0], $0xffff;
	[tilespmem:s12+$0x14A00] =	vst v29;
	s12 =	sor.u32 $0x280, s5  }
0x39b: {  	s22 =	sor.u32 s29, s19;
	s26 =	sor.u32 s3, s19;
	s28 =	sor.u32 s30, s19;
	v18 =	vld.idx.msk [tilespmem:v11+s23+$0x0], $0xffff;
	[tilespmem:s12+$0x14A00] =	vst v22;
	v11 =	vmov v23  }
0x39c: {  	s12 =	sor.u32 s31, s19;
	[tilespmem:s28+$0x0] =	vst v31;
	v22 =	vld.idx.msk [tilespmem:v33+s23+$0x0], $0xffff  }
0x39d: {  	[tilespmem:s22+$0x0] =	vst v24;
	v23 =	vld.idx.msk [tilespmem:v36+s23+$0x0], $0xffff  }
0x39e: {  	v24 =	vor.u32 $0x380, v6;
	v6 =	vmov v20;
	v21 =	vld.idx.msk [tilespmem:v21+s23+$0x0], $0xffff;
	[tilespmem:s26+$0x0] =	vst v27  }
0x39f: {  	v25 =	vor.u32 $0x100, v6;
	v20 =	vld.idx.msk [tilespmem:v26+s23+$0x0], $0xffff;
	[tilespmem:s12+$0x0] =	vst v38  }
0x3a0: {  	v26 =	vor.u32 $0x100, v5;
	v19 =	vld.idx.msk [tilespmem:v19+s23+$0x0], $0xffff;
	[tilespmem:s17+$0x14A00] =	vst v32  }
0x3a1: {  	s3 =	sor.u32 $0x300, s5;
	v27 =	vld.idx.msk [tilespmem:v10+s23+$0x0], $0xffff;
	[tilespmem:s20+$0x14A00] =	vst v18;
	v10 =	vmov v34  }
0x3a2: {  	v18 =	vld.idx.msk [tilespmem:v9+s23+$0x0], $0xffff;
	[tilespmem:s3+$0x14A00] =	vst v22;
	v9 =	vmov v35  }
0x3a3: {  	v29 =	vor.u32 $0x300, v4;
	[tilespmem:s28+$0x80] =	vst v23;
	v31 =	vld.idx.msk [tilespmem:v24+s23+$0x0], $0xffff  }
0x3a4: {  	[tilespmem:s22+$0x80] =	vst v21;
	v23 =	vld.idx.msk [tilespmem:v25+s23+$0x0], $0xffff  }
.Ltmp11:
0x3a5: {  	v21 =	vld.idx.msk [tilespmem:v26+s23+$0x0], $0xffff;
	[tilespmem:s26+$0x80] =	vst v20;
	(pc) =	sbr.rel @p1 .LBB2_20-.Ltmp11, $4  }
0x3a6: {  	v26 =	vor.u32 $0x180, v6;
	v22 =	vld.idx.msk [tilespmem:v28+s23+$0x0], $0xffff;
	[tilespmem:s12+$0x80] =	vst v19  }
0x3a7: {  	v25 =	vor.u32 $0x180, v5;
	v24 =	vld.idx.msk [tilespmem:v30+s23+$0x0], $0xffff;
	[tilespmem:s4+$0x14A00] =	vst v39  }
0x3a8: {  	s3 =	sor.u32 $0x380, s5;
	v19 =	vld.idx.msk [tilespmem:v29+s23+$0x0], $0xffff;
	[tilespmem:s7+$0x14A00] =	vst v27  }
0x3a9: {  	s13 =	sadd.s32 $0x40, s13;
	v20 =	vld.idx.msk [tilespmem:v8+s23+$0x0], $0xffff;
	[tilespmem:s3+$0x14A00] =	vst v31;
	v8 =	vmov v37  }
0x3aa: {  	_ =	sdelay $0x2  }
0x3ab: {  	[tilespmem:s28+$0x100] =	vst v23  }
0x3ac: {  	[tilespmem:s22+$0x100] =	vst v21;
	v23 =	vld.idx.msk [tilespmem:v26+s23+$0x0], $0xffff  }
0x3ad: {  	v54 =	vor.u32 $0x200, v6;
	[tilespmem:s26+$0x100] =	vst v22;
	v21 =	vld.idx.msk [tilespmem:v25+s23+$0x0], $0xffff  }
0x3ae: {  	v55 =	vor.u32 $0x200, v5;
	v17 =	vld.idx.msk [tilespmem:v17+s23+$0x0], $0xffff;
	[tilespmem:s12+$0x100] =	vst v24  }
0x3af: {  	v16 =	vld.idx.msk [tilespmem:v16+s23+$0x0], $0xffff;
	_ =	sdelay $0x1  }
0x3b0: {  	p0 =	por !p0, !p0;
	s3 =	simm.s32 $0x1;
	[tilespmem:s28+$0x180] =	vst v23  }
0x3b1: {  	s3 =	simm.s32 @!p0 $0x0;
	[tilespmem:s22+$0x180] =	vst v21;
	v22 =	vld.idx.msk [tilespmem:v54+s23+$0x0], $0xffff  }
0x3b2: {  	v56 =	vor.u32 $0x280, v6;
	s3 =	sshll.u32 s3, $0x6;
	[tilespmem:s26+$0x180] =	vst v17;
	v57 =	vld.idx.msk [tilespmem:v55+s23+$0x0], $0xffff  }
0x3b3: {  	v58 =	vor.u32 $0x280, v5;
	s3 =	sadd.s32 s3, s16;
	v15 =	vld.idx.msk [tilespmem:v15+s23+$0x0], $0xffff;
	[tilespmem:s12+$0x180] =	vst v16  }
0x3b4: {  	s4 =	sadd.s32 $0x30, s3;
	v13 =	vld.idx.msk [tilespmem:v13+s23+$0x0], $0xffff  }
0x3b5: {  	s7 =	sor.u32 $0x200, s4  }
0x3b6: {  	s5 =	sadd.s32 $0x10, s3;
	s15 =	sor.u32 $0x200, s3;
	[tilespmem:s7+$0x14A00] =	vst v22  }
0x3b7: {  	s11 =	sadd.s32 $0x20, s3;
	s31 =	sor.u32 $0x200, s5;
	[tilespmem:s15+$0x14A00] =	vst v57;
	v17 =	vld.idx.msk [tilespmem:v56+s23+$0x0], $0xffff  }
0x3b8: {  	v59 =	vor.u32 $0x300, v6;
	s13 =	sor.u32 $0x200, s11;
	[tilespmem:s31+$0x14A00] =	vst v15;
	v60 =	vld.idx.msk [tilespmem:v58+s23+$0x0], $0xffff  }
0x3b9: {  	v61 =	vor.u32 $0x300, v5;
	v12 =	vld.idx.msk [tilespmem:v12+s23+$0x0], $0xffff;
	[tilespmem:s13+$0x14A00] =	vst v13  }
0x3ba: {  	v11 =	vld.idx.msk [tilespmem:v11+s23+$0x0], $0xffff  }
0x3bb: {  	[tilespmem:s25+$0x14A00] =	vst v18;
	s16 =	sor.u32 $0x280, s4  }
0x3bc: {  	s20 =	sor.u32 $0x280, s3;
	[tilespmem:s16+$0x14A00] =	vst v17  }
0x3bd: {  	v4 =	vor.u32 $0x380, v4;
	s17 =	sor.u32 $0x280, s5;
	[tilespmem:s20+$0x14A00] =	vst v60;
	v15 =	vld.idx.msk [tilespmem:v59+s23+$0x0], $0xffff  }
0x3be: {  	v62 =	vor.u32 $0x380, v6;
	s19 =	sor.u32 $0x280, s11;
	[tilespmem:s17+$0x14A00] =	vst v12;
	v63 =	vld.idx.msk [tilespmem:v61+s23+$0x0], $0xffff  }
0x3bf: {  	v5 =	vor.u32 $0x380, v5;
	v10 =	vld.idx.msk [tilespmem:v10+s23+$0x0], $0xffff;
	[tilespmem:s19+$0x14A00] =	vst v11  }
0x3c0: {  	[tilespmem:s21+$0x14A00] =	vst v19;
	v9 =	vld.idx.msk [tilespmem:v9+s23+$0x0], $0xffff  }
0x3c1: {  	v7 =	vld.idx.msk [tilespmem:v7+s23+$0x0], $0xffff;
	[tilespmem:s14+$0x14A00] =	vst v20;
	s21 =	sor.u32 $0x300, s4  }
0x3c2: {  	v4 =	vld.idx.msk [tilespmem:v4+s23+$0x0], $0xffff;
	s26 =	sor.u32 $0x300, s3;
	[tilespmem:s21+$0x14A00] =	vst v15  }
0x3c3: {  	s22 =	sor.u32 $0x300, s5;
	[tilespmem:s26+$0x14A00] =	vst v63;
	v6 =	vld.idx.msk [tilespmem:v62+s23+$0x0], $0xffff  }
0x3c4: {  	s25 =	sor.u32 $0x300, s11;
	[tilespmem:s22+$0x14A00] =	vst v10;
	v5 =	vld.idx.msk [tilespmem:v5+s23+$0x0], $0xffff  }
0x3c5: {  	v8 =	vld.idx.msk [tilespmem:v8+s23+$0x0], $0xffff;
	[tilespmem:s25+$0x14A00] =	vst v9  }
0x3c6: {  	[tilespmem:s2+$0x14A00] =	vst v7;
	v9 =	vld.idx.msk [tilespmem:v14+s23+$0x0], $0xffff  }
0x3c7: {  	s28 =	sor.u32 $0x380, s4;
	[tilespmem:s8+$0x14A00] =	vst v4  }
0x3c8: {  	s3 =	sor.u32 $0x380, s3;
	[tilespmem:s28+$0x14A00] =	vst v6  }
0x3c9: {  	p0 =	seq.s32 s24, $0xF;
	s29 =	sor.u32 $0x380, s5;
	[tilespmem:s3+$0x14A00] =	vst v5  }
.Ltmp12:
0x3ca: {  	s30 =	sor.u32 $0x380, s11;
	[tilespmem:s29+$0x14A00] =	vst v8;
	(pc) =	sbr.rel @p0 .LBB2_23-.Ltmp12, $4  }
0x3cb: {  	[tilespmem:s30+$0x14A00] =	vst v9  }
0x3cc: {  	s2 =	rddreg [dreg:$0x17]  }
0x3cd: {  	s31 =	simm.s32 $0x14A00;
	s1 =	sadd.s32 s2, s1  }
0x3ce: {  	[hbm4b:s1+s6] =	stream.linear.scatter [tilespmem:s31], [sflag:$0x4], $0x4000, $0x38;
	[tilespmem:$0x1CA00] =	vst v63  }
0x3cf: {  	s0 =	sshrl.u32 s0, $0x2  }
0x3d0: {  	v4 =	vld.msk [tilespmem:s0+$0x818], $0xff;
	_ =	sdelay $0x4  }
0x3d1: {  	v5 =	vshll.u32 v4, $0x5  }
0x3d2: {  	v4 =	vand.u32 $0x7, v4;
	v5 =	vand.u32 $0xFFFFFF00, v5  }
0x3d3: {  	v4 =	vor.u32 v4, v5  }
0x3d4: {  	v4 =	vperm.xlane v4, v1;
	_ =	sdelay $0x1  }
0x3d5: {  	v4 =	vadd.s32 v2, v4;
	_ =	sdelay $0x2  }
0x3d6: {  	s25 =	rddreg [dreg:$0x1]  }
0x3d7: {  	s26 =	sld [smem:$0x7E0]  }
0x3d8: {  	[tilespmem:s23], [sflag:$0x2] =	stream.indirect_vreg.gather [hbm4b:s25+s6], $0x80, v4, vm0, $0xb8;
	[tilespmem:$0x1CA00] =	vst v63  }
0x3d9: {  	s1 =	simm.s32 $0x9200;
	s28 =	sld [smem:$0x7E1]  }
0x3da: {  	[tilespmem:s1], [sflag:$0x2] =	stream.indirect_vreg.gather [hbm4b:s26+s6], $0x80, v4, vm0, $0xb8;
	[tilespmem:$0x1CA00] =	vst v63  }
0x3db: {  	s29 =	simm.s32 $0x9A00;
	s30 =	sld [smem:$0x7E2]  }
0x3dc: {  	[tilespmem:s29], [sflag:$0x2] =	stream.indirect_vreg.gather [hbm4b:s28+s6], $0x80, v4, vm0, $0xb8;
	[tilespmem:$0x1CA00] =	vst v63  }
0x3dd: {  	s31 =	simm.s32 $0xA200;
	s1 =	sld [smem:$0x7E3]  }
0x3de: {  	[tilespmem:s31], [sflag:$0x2] =	stream.indirect_vreg.gather [hbm4b:s30+s6], $0x80, v4, vm0, $0xb8;
	[tilespmem:$0x1CA00] =	vst v63  }
0x3df: {  	s2 =	simm.s32 $0xAA00;
	s3 =	sld [smem:$0x7E4]  }
0x3e0: {  	[tilespmem:s2], [sflag:$0x2] =	stream.indirect_vreg.gather [hbm4b:s1+s6], $0x80, v4, vm0, $0xb8;
	[tilespmem:$0x1CA00] =	vst v63  }
0x3e1: {  	s4 =	simm.s32 $0xB200;
	s5 =	sld [smem:$0x7E5]  }
0x3e2: {  	[tilespmem:s4], [sflag:$0x2] =	stream.indirect_vreg.gather [hbm4b:s3+s6], $0x80, v4, vm0, $0xb8;
	[tilespmem:$0x1CA00] =	vst v63  }
0x3e3: {  	s7 =	simm.s32 $0xBA00;
	s8 =	sld [smem:$0x7E6]  }
0x3e4: {  	[tilespmem:s7], [sflag:$0x2] =	stream.indirect_vreg.gather [hbm4b:s5+s6], $0x80, v4, vm0, $0xb8;
	[tilespmem:$0x1CA00] =	vst v63  }
0x3e5: {  	s11 =	simm.s32 $0xC200;
	s12 =	sld [smem:$0x7E7]  }
0x3e6: {  	[tilespmem:s11], [sflag:$0x2] =	stream.indirect_vreg.gather [hbm4b:s8+s6], $0x80, v4, vm0, $0xb8;
	[tilespmem:$0x1CA00] =	vst v63  }
0x3e7: {  	s13 =	simm.s32 $0xCA00;
	s14 =	sld [smem:$0x7E8]  }
0x3e8: {  	[tilespmem:s13], [sflag:$0x2] =	stream.indirect_vreg.gather [hbm4b:s12+s6], $0x80, v4, vm0, $0xb8;
	[tilespmem:$0x1CA00] =	vst v63  }
0x3e9: {  	s15 =	simm.s32 $0xD200;
	s16 =	sld [smem:$0x7E9]  }
0x3ea: {  	[tilespmem:s15], [sflag:$0x2] =	stream.indirect_vreg.gather [hbm4b:s14+s6], $0x80, v4, vm0, $0xb8;
	[tilespmem:$0x1CA00] =	vst v63  }
0x3eb: {  	s17 =	simm.s32 $0xDA00;
	s19 =	sld [smem:$0x7EA]  }
0x3ec: {  	[tilespmem:s17], [sflag:$0x2] =	stream.indirect_vreg.gather [hbm4b:s16+s6], $0x80, v4, vm0, $0xb8;
	[tilespmem:$0x1CA00] =	vst v63  }
0x3ed: {  	s20 =	simm.s32 $0xE200;
	s21 =	sld [smem:$0x7EB]  }
0x3ee: {  	[tilespmem:s20], [sflag:$0x2] =	stream.indirect_vreg.gather [hbm4b:s19+s6], $0x80, v4, vm0, $0xb8;
	[tilespmem:$0x1CA00] =	vst v63  }
0x3ef: {  	s22 =	simm.s32 $0xEA00;
	s25 =	sld [smem:$0x7EC]  }
0x3f0: {  	[tilespmem:s22], [sflag:$0x2] =	stream.indirect_vreg.gather [hbm4b:s21+s6], $0x80, v4, vm0, $0xb8;
	[tilespmem:$0x1CA00] =	vst v63  }
0x3f1: {  	s26 =	simm.s32 $0xF200;
	s28 =	sld [smem:$0x7ED]  }
0x3f2: {  	[tilespmem:s26], [sflag:$0x2] =	stream.indirect_vreg.gather [hbm4b:s25+s6], $0x80, v4, vm0, $0xb8;
	[tilespmem:$0x1CA00] =	vst v63  }
.Ltmp13:
0x3f3: {  	_ = 	snop;
	(pc) =	sbr.rel .LBB2_13-.Ltmp13, $4  }
0x3f4: {  	s24 =	sadd.s32 $0x1, s24;
	s29 =	simm.s32 $0xFA00;
	s30 =	sld [smem:$0x7EE]  }
0x3f5: {  	[tilespmem:s29], [sflag:$0x2] =	stream.indirect_vreg.gather [hbm4b:s28+s6], $0x80, v4, vm0, $0xb8;
	[tilespmem:$0x1CA00] =	vst v63  }
0x3f6: {  	s0 =	simm.s32 $0x1;
	s31 =	simm.s32 $0x10200;
	s19 =	simm.s32 $0x4200  }
0x3f7: {  	[tilespmem:s31], [sflag:$0x2] =	stream.indirect_vreg.gather [hbm4b:s30+s6], $0x80, v4, vm0, $0xb8;
	[tilespmem:$0x1CA00] =	vst v63  }
.LBB2_23:
0x3f8: {  	s2 =	simm.s32 $0x3  }
0x3f9: {  	_ =	swait.ge [sflag:s2], $0x4000  }
0x3fa: {  	[sflag:s2] =	ssyncset.done $0x0  }
0x3fb: {  	s21 =	simm.s32 $0x4;
	[sflag:s2] =	ssyncadd.s32 $0xFFFFC000  }
0x3fc: {  	_ =	swait.ge [sflag:s21], $0x4000  }
0x3fd: {  	[sflag:s21] =	ssyncset.done $0x0  }
0x3fe: {  	[sflag:s21] =	ssyncadd.s32 $0xFFFFC000  }
0x3ff: {  	v4 =	vld.msk [tilespmem:$0x800], $0xff;
	_ =	sdelay $0x4  }
0x400: {  	v5 =	vshll.u32 v4, $0x5  }
0x401: {  	v4 =	vand.u32 $0x7, v4;
	v5 =	vand.u32 $0xFFFFFF00, v5  }
0x402: {  	v4 =	vor.u32 v4, v5  }
0x403: {  	v4 =	vperm.xlane v4, v1;
	_ =	sdelay $0x1  }
0x404: {  	v4 =	vadd.s32 v2, v4;
	_ =	sdelay $0x2  }
0x405: {  	s22 =	sld [smem:$0x7F1]  }
0x406: {  	s0 =	simm.s32 $0x0;
	s3 =	rddreg [dreg:$0x2]  }
0x407: {  	[tilespmem:s18], [sflag:$0x1] =	stream.indirect_vreg.gather [hbm4b:s3+s0], $0x80, v4, vm0, $0xb8;
	[tilespmem:$0x1CA00] =	vst v63  }
0x408: {  	s1 =	simm.s32 $0x1200;
	s24 =	sld [smem:$0x7F2]  }
0x409: {  	[tilespmem:s1], [sflag:$0x1] =	stream.indirect_vreg.gather [hbm4b:s22+s0], $0x80, v4, vm0, $0xb8;
	[tilespmem:$0x1CA00] =	vst v63  }
0x40a: {  	s20 =	simm.s32 $0x1A00;
	s31 =	sld [smem:$0x7F3]  }
0x40b: {  	[tilespmem:s20], [sflag:$0x1] =	stream.indirect_vreg.gather [hbm4b:s24+s0], $0x80, v4, vm0, $0xb8;
	[tilespmem:$0x1CA00] =	vst v63  }
0x40c: {  	s25 =	simm.s32 $0x2200  }
0x40d: {  	[tilespmem:s25], [sflag:$0x1] =	stream.indirect_vreg.gather [hbm4b:s31+s0], $0x80, v4, vm0, $0xb8;
	[tilespmem:$0x1CA00] =	vst v63  }
0x40e: {  	s25 =	sld [smem:$0x7F4];
	_ =	sdelay $0x1  }
0x40f: {  	s26 =	simm.s32 $0x2A00  }
0x410: {  	[tilespmem:s26], [sflag:$0x1] =	stream.indirect_vreg.gather [hbm4b:s25+s0], $0x80, v4, vm0, $0xb8;
	[tilespmem:$0x1CA00] =	vst v63  }
0x411: {  	s26 =	sld [smem:$0x7F5];
	_ =	sdelay $0x1  }
0x412: {  	s4 =	simm.s32 $0x3200;
	s28 =	sld [smem:$0x7F6]  }
0x413: {  	[tilespmem:s4], [sflag:$0x1] =	stream.indirect_vreg.gather [hbm4b:s26+s0], $0x80, v4, vm0, $0xb8;
	[tilespmem:$0x1CA00] =	vst v63  }
0x414: {  	s5 =	simm.s32 $0x3A00;
	s29 =	sld [smem:$0x7F7]  }
0x415: {  	[tilespmem:s5], [sflag:$0x1] =	stream.indirect_vreg.gather [hbm4b:s28+s0], $0x80, v4, vm0, $0xb8;
	[tilespmem:$0x1CA00] =	vst v63  }
0x416: {  	s7 =	simm.s32 $0x4200;
	s30 =	sld [smem:$0x7F8]  }
0x417: {  	[tilespmem:s7], [sflag:$0x1] =	stream.indirect_vreg.gather [hbm4b:s29+s0], $0x80, v4, vm0, $0xb8;
	[tilespmem:$0x1CA00] =	vst v63  }
0x418: {  	s8 =	simm.s32 $0x4A00;
	s14 =	sld [smem:$0x7F9]  }
0x419: {  	[tilespmem:s8], [sflag:$0x1] =	stream.indirect_vreg.gather [hbm4b:s30+s0], $0x80, v4, vm0, $0xb8;
	[tilespmem:$0x1CA00] =	vst v63  }
0x41a: {  	s10 =	simm.s32 $0x5200;
	s15 =	sld [smem:$0x7FA]  }
0x41b: {  	[tilespmem:s10], [sflag:$0x1] =	stream.indirect_vreg.gather [hbm4b:s14+s0], $0x80, v4, vm0, $0xb8;
	[tilespmem:$0x1CA00] =	vst v63  }
0x41c: {  	s11 =	simm.s32 $0x5A00;
	s17 =	sld [smem:$0x7FB]  }
0x41d: {  	[tilespmem:s11], [sflag:$0x1] =	stream.indirect_vreg.gather [hbm4b:s15+s0], $0x80, v4, vm0, $0xb8;
	[tilespmem:$0x1CA00] =	vst v63  }
0x41e: {  	s12 =	simm.s32 $0x6200  }
0x41f: {  	[tilespmem:s12], [sflag:$0x1] =	stream.indirect_vreg.gather [hbm4b:s17+s0], $0x80, v4, vm0, $0xb8;
	[tilespmem:$0x1CA00] =	vst v63  }
0x420: {  	s12 =	sld [smem:$0x7FC];
	_ =	sdelay $0x1  }
0x421: {  	s13 =	simm.s32 $0x6A00;
	s4 =	sld [smem:$0x7EF]  }
0x422: {  	[tilespmem:s13], [sflag:$0x1] =	stream.indirect_vreg.gather [hbm4b:s12+s0], $0x80, v4, vm0, $0xb8;
	[tilespmem:$0x1CA00] =	vst v63  }
0x423: {  	s16 =	simm.s32 $0x7200;
	s5 =	sld [smem:$0x7F0]  }
0x424: {  	[tilespmem:s16], [sflag:$0x1] =	stream.indirect_vreg.gather [hbm4b:s4+s0], $0x80, v4, vm0, $0xb8;
	[tilespmem:$0x1CA00] =	vst v63  }
0x425: {  	s19 =	simm.s32 $0x7A00;
	s16 =	sld [smem:$0x7FD]  }
0x426: {  	[tilespmem:s19], [sflag:$0x1] =	stream.indirect_vreg.gather [hbm4b:s5+s0], $0x80, v4, vm0, $0xb8;
	[tilespmem:$0x1CA00] =	vst v63  }
0x427: {  	s20 =	simm.s32 $0x8200  }
0x428: {  	[tilespmem:s20], [sflag:$0x1] =	stream.indirect_vreg.gather [hbm4b:s16+s0], $0x80, v4, vm0, $0xb8;
	[tilespmem:$0x1CA00] =	vst v63  }
0x429: {  	v4 =	vld.msk [tilespmem:$0x808], $0xff;
	_ =	sdelay $0x4  }
0x42a: {  	v5 =	vshll.u32 v4, $0x5  }
0x42b: {  	v4 =	vand.u32 $0x7, v4;
	v5 =	vand.u32 $0xFFFFFF00, v5  }
0x42c: {  	v4 =	vor.u32 v4, v5  }
0x42d: {  	v4 =	vperm.xlane v4, v1;
	_ =	sdelay $0x1  }
0x42e: {  	v4 =	vadd.s32 v2, v4;
	_ =	sdelay $0x4  }
0x42f: {  	[tilespmem:s23], [sflag:$0x2] =	stream.indirect_vreg.gather [hbm4b:s3+s0], $0x80, v4, vm0, $0xb8;
	[tilespmem:$0x1CA00] =	vst v63  }
0x430: {  	s7 =	simm.s32 $0x9200  }
0x431: {  	[tilespmem:s7], [sflag:$0x2] =	stream.indirect_vreg.gather [hbm4b:s22+s0], $0x80, v4, vm0, $0xb8;
	[tilespmem:$0x1CA00] =	vst v63  }
0x432: {  	s8 =	simm.s32 $0x9A00  }
0x433: {  	[tilespmem:s8], [sflag:$0x2] =	stream.indirect_vreg.gather [hbm4b:s24+s0], $0x80, v4, vm0, $0xb8;
	[tilespmem:$0x1CA00] =	vst v63  }
0x434: {  	s10 =	simm.s32 $0xA200  }
0x435: {  	[tilespmem:s10], [sflag:$0x2] =	stream.indirect_vreg.gather [hbm4b:s31+s0], $0x80, v4, vm0, $0xb8;
	[tilespmem:$0x1CA00] =	vst v63  }
0x436: {  	s11 =	simm.s32 $0xAA00  }
0x437: {  	[tilespmem:s11], [sflag:$0x2] =	stream.indirect_vreg.gather [hbm4b:s25+s0], $0x80, v4, vm0, $0xb8;
	[tilespmem:$0x1CA00] =	vst v63  }
0x438: {  	s13 =	simm.s32 $0xB200  }
0x439: {  	[tilespmem:s13], [sflag:$0x2] =	stream.indirect_vreg.gather [hbm4b:s26+s0], $0x80, v4, vm0, $0xb8;
	[tilespmem:$0x1CA00] =	vst v63  }
0x43a: {  	s19 =	simm.s32 $0xBA00  }
0x43b: {  	[tilespmem:s19], [sflag:$0x2] =	stream.indirect_vreg.gather [hbm4b:s28+s0], $0x80, v4, vm0, $0xb8;
	[tilespmem:$0x1CA00] =	vst v63  }
0x43c: {  	s20 =	simm.s32 $0xC200  }
0x43d: {  	[tilespmem:s20], [sflag:$0x2] =	stream.indirect_vreg.gather [hbm4b:s29+s0], $0x80, v4, vm0, $0xb8;
	[tilespmem:$0x1CA00] =	vst v63  }
0x43e: {  	s7 =	simm.s32 $0xCA00  }
0x43f: {  	[tilespmem:s7], [sflag:$0x2] =	stream.indirect_vreg.gather [hbm4b:s30+s0], $0x80, v4, vm0, $0xb8;
	[tilespmem:$0x1CA00] =	vst v63  }
0x440: {  	s8 =	simm.s32 $0xD200  }
0x441: {  	[tilespmem:s8], [sflag:$0x2] =	stream.indirect_vreg.gather [hbm4b:s14+s0], $0x80, v4, vm0, $0xb8;
	[tilespmem:$0x1CA00] =	vst v63  }
0x442: {  	s10 =	simm.s32 $0xDA00  }
0x443: {  	[tilespmem:s10], [sflag:$0x2] =	stream.indirect_vreg.gather [hbm4b:s15+s0], $0x80, v4, vm0, $0xb8;
	[tilespmem:$0x1CA00] =	vst v63  }
0x444: {  	s11 =	simm.s32 $0xE200  }
0x445: {  	[tilespmem:s11], [sflag:$0x2] =	stream.indirect_vreg.gather [hbm4b:s17+s0], $0x80, v4, vm0, $0xb8;
	[tilespmem:$0x1CA00] =	vst v63  }
0x446: {  	s13 =	simm.s32 $0xEA00  }
0x447: {  	[tilespmem:s13], [sflag:$0x2] =	stream.indirect_vreg.gather [hbm4b:s12+s0], $0x80, v4, vm0, $0xb8;
	[tilespmem:$0x1CA00] =	vst v63  }
0x448: {  	s19 =	simm.s32 $0xF200  }
0x449: {  	[tilespmem:s19], [sflag:$0x2] =	stream.indirect_vreg.gather [hbm4b:s4+s0], $0x80, v4, vm0, $0xb8;
	[tilespmem:$0x1CA00] =	vst v63  }
0x44a: {  	s10 =	simm.s32 $0xFA00  }
0x44b: {  	[tilespmem:s10], [sflag:$0x2] =	stream.indirect_vreg.gather [hbm4b:s5+s0], $0x80, v4, vm0, $0xb8;
	[tilespmem:$0x1CA00] =	vst v63  }
0x44c: {  	s8 =	simm.s32 $0x1;
	s11 =	simm.s32 $0x10200  }
0x44d: {  	[tilespmem:s11], [sflag:$0x2] =	stream.indirect_vreg.gather [hbm4b:s16+s0], $0x80, v4, vm0, $0xb8;
	[tilespmem:$0x1CA00] =	vst v63  }
0x44e: {  	_ =	swait.ge [sflag:s8], $0x8000  }
0x44f: {  	[sflag:s8] =	ssyncset.done $0x0;
	s20 =	rddreg [dreg:$0x15]  }
0x450: {  	s1 =	rddreg [dreg:$0x1b];
	[sflag:s8] =	ssyncadd.s32 $0xFFFF8000  }
0x451: {  	[hbm4b:s20+s0] =	stream.linear.scatter [tilespmem:s18], [sflag:$0x3], $0x8000, $0x38;
	[tilespmem:$0x1CA00] =	vst v63  }
0x452: {  	s7 =	simm.s32 $0xF200;
	s13 =	rddreg [dreg:$0x3];
	s20 =	simm.s32 $0x2  }
.LBB2_24:
0x453: {  	_ =	swait.ge [sflag:s2], $0x8000  }
0x454: {  	[sflag:s2] =	ssyncset.done $0x0  }
0x455: {  	[sflag:s2] =	ssyncadd.s32 $0xFFFF8000;
	s2 =	sshra.s32 s0, $0x2  }
0x456: {  	v4 =	vld.msk [tilespmem:s2+$0x810], $0xff;
	_ =	sdelay $0x4  }
0x457: {  	v5 =	vshll.u32 v4, $0x5  }
0x458: {  	v4 =	vand.u32 $0x7, v4;
	v5 =	vand.u32 $0xFFFFFF00, v5  }
0x459: {  	v4 =	vor.u32 v4, v5  }
0x45a: {  	v4 =	vperm.xlane v4, v1;
	_ =	sdelay $0x1  }
0x45b: {  	v4 =	vadd.s32 v2, v4;
	_ =	sdelay $0x4  }
0x45c: {  	[tilespmem:s18], [sflag:$0x1] =	stream.indirect_vreg.gather [hbm4b:s3+s6], $0x80, v4, vm0, $0xb8;
	[tilespmem:$0x1CA00] =	vst v63  }
0x45d: {  	s19 =	simm.s32 $0x1200  }
0x45e: {  	[tilespmem:s19], [sflag:$0x1] =	stream.indirect_vreg.gather [hbm4b:s22+s6], $0x80, v4, vm0, $0xb8;
	[tilespmem:$0x1CA00] =	vst v63  }
0x45f: {  	s19 =	simm.s32 $0x1A00  }
0x460: {  	[tilespmem:s19], [sflag:$0x1] =	stream.indirect_vreg.gather [hbm4b:s24+s6], $0x80, v4, vm0, $0xb8;
	[tilespmem:$0x1CA00] =	vst v63  }
0x461: {  	s19 =	simm.s32 $0x2200  }
0x462: {  	[tilespmem:s19], [sflag:$0x1] =	stream.indirect_vreg.gather [hbm4b:s31+s6], $0x80, v4, vm0, $0xb8;
	[tilespmem:$0x1CA00] =	vst v63  }
0x463: {  	s19 =	simm.s32 $0x2A00  }
0x464: {  	[tilespmem:s19], [sflag:$0x1] =	stream.indirect_vreg.gather [hbm4b:s25+s6], $0x80, v4, vm0, $0xb8;
	[tilespmem:$0x1CA00] =	vst v63  }
0x465: {  	s19 =	simm.s32 $0x3200  }
0x466: {  	[tilespmem:s19], [sflag:$0x1] =	stream.indirect_vreg.gather [hbm4b:s26+s6], $0x80, v4, vm0, $0xb8;
	[tilespmem:$0x1CA00] =	vst v63  }
0x467: {  	s19 =	simm.s32 $0x3A00  }
0x468: {  	[tilespmem:s19], [sflag:$0x1] =	stream.indirect_vreg.gather [hbm4b:s28+s6], $0x80, v4, vm0, $0xb8;
	[tilespmem:$0x1CA00] =	vst v63  }
0x469: {  	s19 =	simm.s32 $0x4200  }
0x46a: {  	[tilespmem:s19], [sflag:$0x1] =	stream.indirect_vreg.gather [hbm4b:s29+s6], $0x80, v4, vm0, $0xb8;
	[tilespmem:$0x1CA00] =	vst v63  }
0x46b: {  	s19 =	simm.s32 $0x4A00  }
0x46c: {  	[tilespmem:s19], [sflag:$0x1] =	stream.indirect_vreg.gather [hbm4b:s30+s6], $0x80, v4, vm0, $0xb8;
	[tilespmem:$0x1CA00] =	vst v63  }
0x46d: {  	s19 =	simm.s32 $0x5200  }
0x46e: {  	[tilespmem:s19], [sflag:$0x1] =	stream.indirect_vreg.gather [hbm4b:s14+s6], $0x80, v4, vm0, $0xb8;
	[tilespmem:$0x1CA00] =	vst v63  }
0x46f: {  	s19 =	simm.s32 $0x5A00  }
0x470: {  	[tilespmem:s19], [sflag:$0x1] =	stream.indirect_vreg.gather [hbm4b:s15+s6], $0x80, v4, vm0, $0xb8;
	[tilespmem:$0x1CA00] =	vst v63  }
0x471: {  	s19 =	simm.s32 $0x6200  }
0x472: {  	[tilespmem:s19], [sflag:$0x1] =	stream.indirect_vreg.gather [hbm4b:s17+s6], $0x80, v4, vm0, $0xb8;
	[tilespmem:$0x1CA00] =	vst v63  }
0x473: {  	s19 =	simm.s32 $0x6A00  }
0x474: {  	[tilespmem:s19], [sflag:$0x1] =	stream.indirect_vreg.gather [hbm4b:s12+s6], $0x80, v4, vm0, $0xb8;
	[tilespmem:$0x1CA00] =	vst v63  }
0x475: {  	s19 =	simm.s32 $0x7200  }
0x476: {  	[tilespmem:s19], [sflag:$0x1] =	stream.indirect_vreg.gather [hbm4b:s4+s6], $0x80, v4, vm0, $0xb8;
	[tilespmem:$0x1CA00] =	vst v63  }
0x477: {  	s19 =	simm.s32 $0x7A00  }
0x478: {  	[tilespmem:s19], [sflag:$0x1] =	stream.indirect_vreg.gather [hbm4b:s5+s6], $0x80, v4, vm0, $0xb8;
	[tilespmem:$0x1CA00] =	vst v63  }
0x479: {  	s19 =	simm.s32 $0x8200  }
0x47a: {  	[tilespmem:s19], [sflag:$0x1] =	stream.indirect_vreg.gather [hbm4b:s16+s6], $0x80, v4, vm0, $0xb8;
	[tilespmem:$0x1CA00] =	vst v63  }
0x47b: {  	_ =	swait.ge [sflag:s20], $0x8000  }
0x47c: {  	[sflag:s20] =	ssyncset.done $0x0  }
0x47d: {  	[sflag:s20] =	ssyncadd.s32 $0xFFFF8000  }
0x47e: {  	[hbm4b:s1+s6] =	stream.linear.scatter [tilespmem:s23], [sflag:$0x4], $0x8000, $0x38;
	[tilespmem:$0x1CA00] =	vst v63  }
0x47f: {  	_ =	swait.ge [sflag:s21], $0x8000  }
0x480: {  	[sflag:s21] =	ssyncset.done $0x0  }
0x481: {  	[sflag:s21] =	ssyncadd.s32 $0xFFFF8000  }
0x482: {  	v4 =	vld.msk [tilespmem:s2+$0x818], $0xff;
	_ =	sdelay $0x4  }
0x483: {  	v5 =	vshll.u32 v4, $0x5  }
0x484: {  	v4 =	vand.u32 $0x7, v4;
	v5 =	vand.u32 $0xFFFFFF00, v5  }
0x485: {  	v4 =	vor.u32 v4, v5  }
0x486: {  	v4 =	vperm.xlane v4, v1;
	_ =	sdelay $0x1  }
0x487: {  	v4 =	vadd.s32 v2, v4;
	_ =	sdelay $0x4  }
0x488: {  	[tilespmem:s23], [sflag:$0x2] =	stream.indirect_vreg.gather [hbm4b:s3+s6], $0x80, v4, vm0, $0xb8;
	[tilespmem:$0x1CA00] =	vst v63  }
0x489: {  	s19 =	simm.s32 $0x9200  }
0x48a: {  	[tilespmem:s19], [sflag:$0x2] =	stream.indirect_vreg.gather [hbm4b:s22+s6], $0x80, v4, vm0, $0xb8;
	[tilespmem:$0x1CA00] =	vst v63  }
0x48b: {  	s19 =	simm.s32 $0x9A00  }
0x48c: {  	[tilespmem:s19], [sflag:$0x2] =	stream.indirect_vreg.gather [hbm4b:s24+s6], $0x80, v4, vm0, $0xb8;
	[tilespmem:$0x1CA00] =	vst v63  }
0x48d: {  	s19 =	simm.s32 $0xA200  }
0x48e: {  	[tilespmem:s19], [sflag:$0x2] =	stream.indirect_vreg.gather [hbm4b:s31+s6], $0x80, v4, vm0, $0xb8;
	[tilespmem:$0x1CA00] =	vst v63  }
0x48f: {  	s19 =	simm.s32 $0xAA00  }
0x490: {  	[tilespmem:s19], [sflag:$0x2] =	stream.indirect_vreg.gather [hbm4b:s25+s6], $0x80, v4, vm0, $0xb8;
	[tilespmem:$0x1CA00] =	vst v63  }
0x491: {  	s19 =	simm.s32 $0xB200  }
0x492: {  	[tilespmem:s19], [sflag:$0x2] =	stream.indirect_vreg.gather [hbm4b:s26+s6], $0x80, v4, vm0, $0xb8;
	[tilespmem:$0x1CA00] =	vst v63  }
0x493: {  	s19 =	simm.s32 $0xBA00  }
0x494: {  	[tilespmem:s19], [sflag:$0x2] =	stream.indirect_vreg.gather [hbm4b:s28+s6], $0x80, v4, vm0, $0xb8;
	[tilespmem:$0x1CA00] =	vst v63  }
0x495: {  	s19 =	simm.s32 $0xC200  }
0x496: {  	[tilespmem:s19], [sflag:$0x2] =	stream.indirect_vreg.gather [hbm4b:s29+s6], $0x80, v4, vm0, $0xb8;
	[tilespmem:$0x1CA00] =	vst v63  }
0x497: {  	s19 =	simm.s32 $0xCA00  }
0x498: {  	[tilespmem:s19], [sflag:$0x2] =	stream.indirect_vreg.gather [hbm4b:s30+s6], $0x80, v4, vm0, $0xb8;
	[tilespmem:$0x1CA00] =	vst v63  }
0x499: {  	s19 =	simm.s32 $0xD200  }
0x49a: {  	[tilespmem:s19], [sflag:$0x2] =	stream.indirect_vreg.gather [hbm4b:s14+s6], $0x80, v4, vm0, $0xb8;
	[tilespmem:$0x1CA00] =	vst v63  }
0x49b: {  	s19 =	simm.s32 $0xDA00  }
0x49c: {  	[tilespmem:s19], [sflag:$0x2] =	stream.indirect_vreg.gather [hbm4b:s15+s6], $0x80, v4, vm0, $0xb8;
	[tilespmem:$0x1CA00] =	vst v63  }
0x49d: {  	s19 =	simm.s32 $0xE200  }
0x49e: {  	[tilespmem:s19], [sflag:$0x2] =	stream.indirect_vreg.gather [hbm4b:s17+s6], $0x80, v4, vm0, $0xb8;
	[tilespmem:$0x1CA00] =	vst v63  }
0x49f: {  	s19 =	simm.s32 $0xEA00  }
0x4a0: {  	[tilespmem:s19], [sflag:$0x2] =	stream.indirect_vreg.gather [hbm4b:s12+s6], $0x80, v4, vm0, $0xb8;
	[tilespmem:$0x1CA00] =	vst v63  }
0x4a1: {  	_ = 	snop  }
0x4a2: {  	[tilespmem:s7], [sflag:$0x2] =	stream.indirect_vreg.gather [hbm4b:s4+s6], $0x80, v4, vm0, $0xb8;
	[tilespmem:$0x1CA00] =	vst v63  }
0x4a3: {  	_ = 	snop  }
0x4a4: {  	[tilespmem:s10], [sflag:$0x2] =	stream.indirect_vreg.gather [hbm4b:s5+s6], $0x80, v4, vm0, $0xb8;
	[tilespmem:$0x1CA00] =	vst v63  }
0x4a5: {  	p0 =	sne.s32 s0, $0x380  }
0x4a6: {  	[tilespmem:s11], [sflag:$0x2] =	stream.indirect_vreg.gather [hbm4b:s16+s6], $0x80, v4, vm0, $0xb8;
	[tilespmem:$0x1CA00] =	vst v63  }
.Ltmp14:
0x4a7: {  	_ = 	snop;
	(pc) =	sbr.rel @p0 .LBB2_24-.Ltmp14, $4  }
0x4a8: {  	_ =	swait.ge [sflag:s8], $0x8000  }
0x4a9: {  	s0 =	sadd.s32 $0x40, s0;
	s2 =	simm.s32 $0x3;
	[sflag:s8] =	ssyncset.done $0x0  }
0x4aa: {  	s19 =	sadd.s32 $0x1000, s1;
	s1 =	sadd.s32 $0x2000, s1;
	[sflag:s8] =	ssyncadd.s32 $0xFFFF8000  }
0x4ab: {  	[hbm4b:s19+s6] =	stream.linear.scatter [tilespmem:s18], [sflag:$0x3], $0x8000, $0x38;
	[tilespmem:$0x1CA00] =	vst v63  }
0x4ac: {  	_ =	swait.ge [sflag:s20], $0x8000  }
0x4ad: {  	[sflag:s20] =	ssyncset.done $0x0  }
0x4ae: {  	s0 =	simm.s32 $0x0;
	[sflag:s20] =	ssyncadd.s32 $0xFFFF8000  }
0x4af: {  	[hbm4b:s1+s0] =	stream.linear.scatter [tilespmem:s23], [sflag:$0x4], $0x8000, $0x38;
	[tilespmem:$0x1CA00] =	vst v63  }
0x4b0: {  	_ =	swait.ge [sflag:s2], $0x8000  }
0x4b1: {  	[sflag:s2] =	ssyncset.done $0x0  }
0x4b2: {  	[sflag:s2] =	ssyncadd.s32 $0xFFFF8000  }
0x4b3: {  	s10 =	simm.s32 $0x0;
	s16 =	simm.s32 $0x18A00;
	_ =	swait.ge [sflag:s21], $0x8000  }
0x4b4: {  	s19 =	simm.s32 $0x19200;
	s20 =	simm.s32 $0x7A00;
	[sflag:s21] =	ssyncset.done $0x0  }
0x4b5: {  	s1 =	simm.s32 $0x0;
	[sflag:s21] =	ssyncadd.s32 $0xFFFF8000;
	s21 =	simm.s32 $0x8200  }
.LBB2_26:
0x4b6: {  	s2 =	sshll.u32 s10, $0x6  }
0x4b7: {  	v4 =	vld [tilespmem:s2+$0x800];
	_ =	sdelay $0x4  }
0x4b8: {  	v5 =	vshll.u32 v4, $0x1  }
0x4b9: {  	v4 =	vand.u32 $0x7, v4;
	v5 =	vand.u32 $0xFFFFFFF0, v5  }
0x4ba: {  	v4 =	vor.u32 v4, v5  }
0x4bb: {  	v5 =	vperm.xlane v4, v1;
	_ =	sdelay $0x1  }
0x4bc: {  	v4 =	vperm.xlane v4, v3;
	v5 =	vadd.s32 v2, v5;
	_ =	sdelay $0x1  }
0x4bd: {  	v4 =	vadd.s32 v2, v4;
	_ =	sdelay $0x2  }
0x4be: {  	[tilespmem:s16], [sflag:$0x5] =	stream.indirect_vreg.gather [hbm4b:s13+s0], $0x80, v5, vm0, $0xb8;
	[tilespmem:$0x1CA00] =	vst v63  }
0x4bf: {  	_ = 	snop  }
0x4c0: {  	[tilespmem:s19], [sflag:$0x5] =	stream.indirect_vreg.gather [hbm4b:s13+s0], $0x80, v4, vm0, $0xb8;
	[tilespmem:$0x1CA00] =	vst v63  }
0x4c1: {  	v4 =	vld [tilespmem:s2+$0x810];
	_ =	sdelay $0x4  }
0x4c2: {  	v5 =	vshll.u32 v4, $0x1  }
0x4c3: {  	v4 =	vand.u32 $0x7, v4;
	v5 =	vand.u32 $0xFFFFFFF0, v5  }
0x4c4: {  	v4 =	vor.u32 v4, v5  }
0x4c5: {  	v5 =	vperm.xlane v4, v1;
	_ =	sdelay $0x1  }
0x4c6: {  	v4 =	vperm.xlane v4, v3;
	v5 =	vadd.s32 v2, v5;
	_ =	sdelay $0x1  }
0x4c7: {  	v4 =	vadd.s32 v2, v4;
	_ =	sdelay $0x1  }
0x4c8: {  	s3 =	simm.s32 $0x19A00  }
0x4c9: {  	[tilespmem:s3], [sflag:$0x5] =	stream.indirect_vreg.gather [hbm4b:s13+s0], $0x80, v5, vm0, $0xb8;
	[tilespmem:$0x1CA00] =	vst v63  }
0x4ca: {  	s15 =	simm.s32 $0x1A200  }
0x4cb: {  	[tilespmem:s15], [sflag:$0x5] =	stream.indirect_vreg.gather [hbm4b:s13+s0], $0x80, v4, vm0, $0xb8;
	[tilespmem:$0x1CA00] =	vst v63  }
0x4cc: {  	v4 =	vld [tilespmem:s2+$0x820];
	_ =	sdelay $0x4  }
0x4cd: {  	v5 =	vshll.u32 v4, $0x1  }
0x4ce: {  	v4 =	vand.u32 $0x7, v4;
	v5 =	vand.u32 $0xFFFFFFF0, v5  }
0x4cf: {  	v4 =	vor.u32 v4, v5  }
0x4d0: {  	v5 =	vperm.xlane v4, v1;
	_ =	sdelay $0x1  }
0x4d1: {  	v4 =	vperm.xlane v4, v3;
	v5 =	vadd.s32 v2, v5;
	_ =	sdelay $0x1  }
0x4d2: {  	v4 =	vadd.s32 v2, v4;
	_ =	sdelay $0x1  }
0x4d3: {  	s17 =	simm.s32 $0x1AA00  }
0x4d4: {  	[tilespmem:s17], [sflag:$0x5] =	stream.indirect_vreg.gather [hbm4b:s13+s0], $0x80, v5, vm0, $0xb8;
	[tilespmem:$0x1CA00] =	vst v63  }
0x4d5: {  	s22 =	simm.s32 $0x1B200  }
0x4d6: {  	[tilespmem:s22], [sflag:$0x5] =	stream.indirect_vreg.gather [hbm4b:s13+s0], $0x80, v4, vm0, $0xb8;
	[tilespmem:$0x1CA00] =	vst v63  }
0x4d7: {  	v4 =	vld [tilespmem:s2+$0x830];
	_ =	sdelay $0x4  }
0x4d8: {  	v5 =	vshll.u32 v4, $0x1  }
0x4d9: {  	v4 =	vand.u32 $0x7, v4;
	v5 =	vand.u32 $0xFFFFFFF0, v5  }
0x4da: {  	v4 =	vor.u32 v4, v5  }
0x4db: {  	v5 =	vperm.xlane v4, v1;
	_ =	sdelay $0x1  }
0x4dc: {  	v4 =	vperm.xlane v4, v3;
	v5 =	vadd.s32 v2, v5;
	_ =	sdelay $0x1  }
0x4dd: {  	v4 =	vadd.s32 v2, v4  }
0x4de: {  	s24 =	sadd.s32 $0xFFFFFFFE, s1  }
0x4df: {  	s4 =	simm.s32 $0x1BA00;
	s25 =	sadd.s32 $0x2, s24;
	s2 =	sadd.s32 $0x3, s24  }
0x4e0: {  	[tilespmem:s4], [sflag:$0x5] =	stream.indirect_vreg.gather [hbm4b:s13+s0], $0x80, v5, vm0, $0xb8;
	v5 =	vmov s25;
	[tilespmem:$0x1CA00] =	vst v63  }
0x4e1: {  	s26 =	simm.s32 $0x1C200;
	s28 =	simm.s32 $0x5;
	v6 =	vmov s2;
	v5 =	vand.u32 $0xFFFFFFFE, v5  }
0x4e2: {  	v5 =	vbroadcast v5, $0x0;
	[tilespmem:s26], [sflag:$0x5] =	stream.indirect_vreg.gather [hbm4b:s13+s0], $0x80, v4, vm0, $0xb8;
	[tilespmem:$0x1CA00] =	vst v63  }
0x4e3: {  	_ =	swait.ge [sflag:s28], $0x4000  }
0x4e4: {  	s29 =	sand.u32 $0x3800, s0;
	s30 =	simm.s32 $0x0;
	[sflag:s28] =	ssyncset.done $0x0  }
0x4e5: {  	s3 =	sand.u32 $0x300, s30;
	s2 =	sadd.s32 $0x18A00, s29;
	[sflag:s28] =	ssyncadd.s32 $0xFFFFC000  }
0x4e6: {  	s3 =	sadd.s32 s3, s2;
	v4 =	vld.idx.msk [tilespmem:v6+s9+$0x0], $0xffff  }
0x4e7: {  	v6 =	vld [tilespmem:s3+$0x470]  }
0x4e8: {  	v5 =	vld.idx.msk [tilespmem:v5+s9+$0x0], $0xffff  }
0x4e9: {  	v7 =	vld [tilespmem:s3+$0x0]  }
0x4ea: {  	v8 =	vld [tilespmem:s3+$0x10]  }
0x4eb: {  	v9 =	vld [tilespmem:s3+$0x20]  }
0x4ec: {  	v10 =	vld [tilespmem:s3+$0x30]  }
0x4ed: {  	v11 =	vld [tilespmem:s3+$0x40];
	v6 =	vmul.f32 v6, v5  }
0x4ee: {  	v12 =	vld [tilespmem:s3+$0x50];
	v7 =	vmul.f32 v7, v5  }
0x4ef: {  	v13 =	vld [tilespmem:s3+$0x60];
	v8 =	vmul.f32 v8, v5;
	[tilespmem:s3+$0x470] =	vst v6  }
0x4f0: {  	[tilespmem:s3+$0x0] =	vst v7;
	v6 =	vmul.f32 v9, v5;
	v7 =	vld [tilespmem:s3+$0x70]  }
0x4f1: {  	[tilespmem:s3+$0x10] =	vst v8;
	v8 =	vmul.f32 v10, v5;
	v9 =	vld [tilespmem:s3+$0x400]  }
0x4f2: {  	v10 =	vld [tilespmem:s3+$0x410];
	[tilespmem:s3+$0x20] =	vst v6;
	v6 =	vmul.f32 v11, v5  }
0x4f3: {  	[tilespmem:s3+$0x30] =	vst v8;
	v8 =	vmul.f32 v12, v5;
	v11 =	vld [tilespmem:s3+$0x420]  }
0x4f4: {  	v61 =	vld [tilespmem:s3+$0x430];
	[tilespmem:s3+$0x40] =	vst v6;
	v6 =	vmul.f32 v13, v5  }
0x4f5: {  	s8 =	simm.s32 $0x80;
	[tilespmem:s3+$0x50] =	vst v8;
	v8 =	vld [tilespmem:s3+$0x440];
	v7 =	vmul.f32 v7, v5  }
0x4f6: {  	s31 =	sand.u32 $0x380, s8;
	v62 =	vld [tilespmem:s3+$0x450];
	[tilespmem:s3+$0x60] =	vst v6;
	v6 =	vmul.f32 v9, v5  }
0x4f7: {  	s2 =	sadd.s32 s31, s2;
	[tilespmem:s3+$0x70] =	vst v7;
	v7 =	vmul.f32 v10, v5;
	v10 =	vld [tilespmem:s3+$0x460]  }
0x4f8: {  	[tilespmem:s3+$0x400] =	vst v6;
	v6 =	vmul.f32 v11, v5;
	v11 =	vld [tilespmem:s2+$0x0]  }
0x4f9: {  	v63 =	vld [tilespmem:s2+$0x10];
	[tilespmem:s3+$0x410] =	vst v7;
	v7 =	vmul.f32 v61, v5  }
0x4fa: {  	v9 =	vld [tilespmem:s2+$0x20];
	[tilespmem:s3+$0x420] =	vst v6;
	v6 =	vmul.f32 v8, v5  }
0x4fb: {  	v13 =	vmul.f32 v62, v5;
	v8 =	vld [tilespmem:s2+$0x30];
	[tilespmem:s3+$0x430] =	vst v7  }
0x4fc: {  	v7 =	vld [tilespmem:s2+$0x40];
	[tilespmem:s3+$0x440] =	vst v6;
	v6 =	vmul.f32 v10, v5  }
0x4fd: {  	[tilespmem:s3+$0x450] =	vst v13;
	v5 =	vld [tilespmem:s2+$0x50];
	v11 =	vmul.f32 v11, v4  }
0x4fe: {  	s11 =	simm.s32 $0x0;
	s12 =	simm.s32 $0x0;
	v10 =	vmul.f32 v63, v4;
	[tilespmem:s3+$0x460] =	vst v6;
	v6 =	vld [tilespmem:s2+$0x60]  }
.LBB2_27:
0x4ff: {  	s3 =	sadd.s32 s11, s1;
	s11 =	sadd.s32 $0x2, s11;
	[tilespmem:s2+$0x0] =	vst v11;
	v9 =	vmul.f32 v9, v4;
	v11 =	vld [tilespmem:s2+$0x70]  }
0x500: {  	s4 =	sadd.s32 $0x2, s3;
	s3 =	sadd.s32 $0x3, s3;
	p0 =	slt.u32 s11, $0x3E;
	[tilespmem:s2+$0x10] =	vst v10;
	v8 =	vmul.f32 v8, v4;
	v10 =	vld [tilespmem:s2+$0x400]  }
0x501: {  	v12 =	vmov s4;
	v13 =	vmov s3;
	[tilespmem:s2+$0x20] =	vst v9;
	v7 =	vmul.f32 v7, v4;
	v9 =	vld [tilespmem:s2+$0x410]  }
0x502: {  	v12 =	vand.u32 $0xFFFFFFFE, v12;
	[tilespmem:s2+$0x30] =	vst v8;
	v5 =	vmul.f32 v5, v4;
	v8 =	vld [tilespmem:s2+$0x420]  }
0x503: {  	v12 =	vbroadcast v12, $0x0;
	[tilespmem:s2+$0x40] =	vst v7;
	v6 =	vmul.f32 v6, v4;
	v7 =	vld [tilespmem:s2+$0x430]  }
0x504: {  	[tilespmem:s2+$0x50] =	vst v5;
	v5 =	vmul.f32 v11, v4;
	v11 =	vld [tilespmem:s2+$0x440]  }
0x505: {  	[tilespmem:s2+$0x60] =	vst v6;
	v6 =	vmul.f32 v10, v4;
	v10 =	vld [tilespmem:s2+$0x450]  }
0x506: {  	s8 =	sadd.s32 $0x100, s8;
	s12 =	sadd.s32 $0x200, s12;
	v13 =	vld.idx.msk [tilespmem:v13+s9+$0x0], $0xffff;
	[tilespmem:s2+$0x70] =	vst v5;
	v5 =	vmul.f32 v9, v4  }
0x507: {  	s5 =	sand.u32 $0x380, s8;
	s3 =	sand.u32 $0x3800, s12;
	s4 =	sadd.s32 $0xFFFFFF80, s8;
	[tilespmem:s2+$0x400] =	vst v6;
	v6 =	vmul.f32 v8, v4;
	v8 =	vld [tilespmem:s2+$0x460]  }
0x508: {  	s4 =	sand.u32 $0x300, s4;
	s7 =	sadd.s32 $0x18A00, s3;
	[tilespmem:s2+$0x410] =	vst v5;
	v5 =	vmul.f32 v7, v4;
	v7 =	vld [tilespmem:s2+$0x470]  }
0x509: {  	s3 =	sadd.s32 s4, s7;
	s4 =	sadd.s32 s5, s7;
	v12 =	vld.idx.msk [tilespmem:v12+s9+$0x0], $0xffff;
	[tilespmem:s2+$0x420] =	vst v6;
	v6 =	vmul.f32 v11, v4  }
0x50a: {  	v9 =	vld [tilespmem:s3+$0x470];
	[tilespmem:s2+$0x430] =	vst v5;
	v5 =	vmul.f32 v10, v4  }
0x50b: {  	v10 =	vld [tilespmem:s3+$0x0];
	[tilespmem:s2+$0x440] =	vst v6  }
0x50c: {  	v6 =	vld [tilespmem:s3+$0x10];
	[tilespmem:s2+$0x450] =	vst v5;
	v5 =	vmul.f32 v8, v4  }
0x50d: {  	v8 =	vld [tilespmem:s3+$0x20];
	v7 =	vmul.f32 v7, v4;
	v4 =	vmov v13  }
0x50e: {  	v11 =	vld [tilespmem:s3+$0x30];
	[tilespmem:s2+$0x460] =	vst v5  }
0x50f: {  	v5 =	vld [tilespmem:s3+$0x40];
	v9 =	vmul.f32 v9, v12;
	[tilespmem:s2+$0x470] =	vst v7;
	s2 =	smov.u32 s4  }
0x510: {  	v7 =	vmul.f32 v10, v12;
	v10 =	vld [tilespmem:s3+$0x50]  }
0x511: {  	v6 =	vmul.f32 v6, v12;
	v13 =	vld [tilespmem:s3+$0x60];
	[tilespmem:s3+$0x470] =	vst v9  }
0x512: {  	[tilespmem:s3+$0x0] =	vst v7;
	v7 =	vmul.f32 v8, v12;
	v8 =	vld [tilespmem:s3+$0x70]  }
0x513: {  	[tilespmem:s3+$0x10] =	vst v6;
	v6 =	vmul.f32 v11, v12;
	v9 =	vld [tilespmem:s3+$0x400]  }
0x514: {  	[tilespmem:s3+$0x20] =	vst v7;
	v5 =	vmul.f32 v5, v12;
	v7 =	vld [tilespmem:s3+$0x410]  }
0x515: {  	[tilespmem:s3+$0x30] =	vst v6;
	v6 =	vmul.f32 v10, v12;
	v10 =	vld [tilespmem:s3+$0x420]  }
0x516: {  	[tilespmem:s3+$0x40] =	vst v5;
	v5 =	vmul.f32 v13, v12;
	v11 =	vld [tilespmem:s3+$0x430]  }
0x517: {  	[tilespmem:s3+$0x50] =	vst v6;
	v6 =	vmul.f32 v8, v12;
	v8 =	vld [tilespmem:s3+$0x440]  }
0x518: {  	[tilespmem:s3+$0x60] =	vst v5;
	v5 =	vmul.f32 v9, v12;
	v13 =	vld [tilespmem:s3+$0x450]  }
0x519: {  	[tilespmem:s3+$0x70] =	vst v6;
	v6 =	vmul.f32 v7, v12;
	v7 =	vld [tilespmem:s3+$0x460]  }
0x51a: {  	[tilespmem:s3+$0x400] =	vst v5;
	v5 =	vmul.f32 v10, v12;
	v10 =	vld [tilespmem:s2+$0x0]  }
0x51b: {  	[tilespmem:s3+$0x410] =	vst v6;
	v6 =	vmul.f32 v11, v12;
	v14 =	vld [tilespmem:s2+$0x10]  }
.Ltmp15:
0x51c: {  	[tilespmem:s3+$0x420] =	vst v5;
	v5 =	vmul.f32 v8, v12;
	v9 =	vld [tilespmem:s2+$0x20];
	(pc) =	sbr.rel @p0 .LBB2_27-.Ltmp15, $4  }
0x51d: {  	[tilespmem:s3+$0x430] =	vst v6;
	v6 =	vmul.f32 v13, v12;
	v8 =	vld [tilespmem:s2+$0x30]  }
0x51e: {  	[tilespmem:s3+$0x440] =	vst v5;
	v12 =	vmul.f32 v7, v12;
	v7 =	vld [tilespmem:s2+$0x40]  }
0x51f: {  	[tilespmem:s3+$0x450] =	vst v6;
	v11 =	vmul.f32 v10, v4;
	v5 =	vld [tilespmem:s2+$0x50]  }
0x520: {  	[tilespmem:s3+$0x460] =	vst v12;
	v10 =	vmul.f32 v14, v4;
	v6 =	vld [tilespmem:s2+$0x60]  }
0x521: {  	[tilespmem:s2+$0x0] =	vst v11;
	v54 =	vld [tilespmem:s2+$0x70];
	v9 =	vmul.f32 v9, v4  }
0x522: {  	v55 =	vld [tilespmem:s2+$0x400];
	[tilespmem:s2+$0x10] =	vst v10;
	v8 =	vmul.f32 v8, v4  }
0x523: {  	v56 =	vld [tilespmem:s2+$0x410];
	[tilespmem:s2+$0x20] =	vst v9;
	v7 =	vmul.f32 v7, v4  }
0x524: {  	v57 =	vld [tilespmem:s2+$0x420];
	[tilespmem:s2+$0x30] =	vst v8;
	v5 =	vmul.f32 v5, v4  }
0x525: {  	v58 =	vld [tilespmem:s2+$0x430];
	[tilespmem:s2+$0x40] =	vst v7;
	v6 =	vmul.f32 v6, v4  }
0x526: {  	[tilespmem:s2+$0x50] =	vst v5;
	v5 =	vld [tilespmem:s2+$0x440];
	v11 =	vmul.f32 v54, v4  }
0x527: {  	v60 =	vld [tilespmem:s2+$0x450];
	v59 =	vmul.f32 v55, v4;
	[tilespmem:s2+$0x60] =	vst v6  }
0x528: {  	v61 =	vld [tilespmem:s2+$0x460];
	v9 =	vmul.f32 v56, v4;
	[tilespmem:s2+$0x70] =	vst v11  }
0x529: {  	v62 =	vld [tilespmem:s2+$0x470];
	v8 =	vmul.f32 v57, v4;
	[tilespmem:s2+$0x400] =	vst v59  }
0x52a: {  	v7 =	vmul.f32 v58, v4;
	[tilespmem:s2+$0x410] =	vst v9  }
0x52b: {  	[tilespmem:s2+$0x420] =	vst v8;
	v5 =	vmul.f32 v5, v4  }
0x52c: {  	v63 =	vmul.f32 v60, v4;
	[tilespmem:s2+$0x430] =	vst v7  }
0x52d: {  	[tilespmem:s2+$0x440] =	vst v5;
	v5 =	vmul.f32 v61, v4  }
0x52e: {  	[tilespmem:s2+$0x450] =	vst v63;
	v4 =	vmul.f32 v62, v4  }
0x52f: {  	[tilespmem:s2+$0x460] =	vst v5  }
0x530: {  	s3 =	sshll.u32 s10, $0xB;
	s10 =	sadd.s32 $0x1, s10;
	[tilespmem:s2+$0x470] =	vst v4  }
0x531: {  	p0 =	sne.s32 s10, $0x4;
	s2 =	rddreg [dreg:$0x13]  }
.Ltmp16:
0x532: {  	s31 =	simm.s32 $0x6;
	s2 =	sadd.s32 s2, s3;
	(pc) =	sbr.rel @p0 .LBB2_26-.Ltmp16, $4  }
0x533: {  	[hbm4b:s2+s6] =	stream.linear.scatter [tilespmem:s16], [sflag:$0x6], $0x4000, $0x38;
	[tilespmem:$0x1CA00] =	vst v63  }
0x534: {  	_ =	swait.ge [sflag:s31], $0x4000  }
0x535: {  	[sflag:s31] =	ssyncset.done $0x0  }
0x536: {  	s1 =	sadd.s32 $0x40, s1;
	[sflag:s31] =	ssyncadd.s32 $0xFFFFC000  }
0x537: {  	s1 =	sld [smem:$0x7DB];
	_ =	sdelay $0x2  }
0x538: {  	s0 =	rddreg [dreg:$0x1a];
	s1 =	sadd.s32 $0x1, s1  }
0x539: {  	p0 =	sne.s32 s1, s0  }
.Ltmp17:
0x53a: {  	_ = 	snop;
	(pc) =	sbr.rel @p0 .LBB2_1-.Ltmp17, $4  }
0x53b: {  	_ = 	snop  }
0x53c: {  	s3 =	simm.s32 $0x1200;
	s4 =	simm.s32 $0x1A00;
	s5 =	simm.s32 $0x2200  }
0x53d: {  	s7 =	simm.s32 $0x2A00;
	s8 =	simm.s32 $0x3200;
	s11 =	simm.s32 $0x4A00  }
0x53e: {  	s12 =	simm.s32 $0x5200;
	s13 =	simm.s32 $0x5A00;
	s16 =	simm.s32 $0x6200  }
0x53f: {  	_ =	sfence.sel $0x180000  }
0x540: {  	[bflag:$0x0] =	sbarrier.arrive $0xFFFF  }
0x541: {  	_ =	strace $0x90000047  }
0x542: {  	s0 =	stileid.u32;
	[bflag:$0x2] =	sbarrier.arrive $0xFFFF  }
0x543: {  	p0 =	sne.s32 s0, $0x0;
	s0 =	rddreg [dreg:$0x9]  }
0x544: {  	s0 =	sadd.s32 @!p0 $0x100000, s0  }
0x545: {  	[sflag:s0] =	ssyncadd.tile.s32 @!p0 $0x1;
	_ =	shalt  }
.Lfunc_end2:
_tile_overlayer_lowered:
.L_overlay_start_2:
0x546: {  	(tag) =	ssettag $0x2  }
0x547: {  	s0 =	rddreg [dreg:$0x0];
	s2 =	stileid.u32  }
0x548: {  	s1 =	rddreg [dreg:$0x1];
	p0 =	sne.s32 s2, $0x0  }
0x549: {  	s3 =	rddreg [dreg:$0x2];
	[bflag:$0x3] =	sbarrier.arrive $0xFFFF;
	s2 =	simm.s32 @!p0 $0x1C06  }
0x54a: {  	[timem:s3], [sflag:s2] =	dma.local @!p0 [hbm:s0], s1  }
0x54b: {  	s0 =	simm.s32 @!p0 $0x6  }
0x54c: {  	_ =	swait.ge @!p0 [sflag:s0], s1  }
0x54d: {  	s1 =	ssub.s32 @!p0 $0x0, s1;
	[sflag:s0] =	ssyncset.done @!p0 $0x0  }
0x54e: {  	[sflag:s0] =	ssyncadd.s32 @!p0 s1  }
0x54f: {  	[bflag:$0x3] =	sbarrier.arrive $0xFFFF  }
0x550: {  	_ =	shalt  }

</sc_bundles>
